<compile_context>
chip_gen: v7x
topology: tpu7x:2x2x1
jax: 0.10.2.dev20260603
libtpu: 0.0.44.dev20260713+nightly
codegen_flags: <defaults>
</compile_context>

<pallas_src>
import functools

import jax
import jax.numpy as jnp
from jax import lax
from jax.experimental import pallas as pl
from jax.experimental.pallas import tpu as pltpu
from jax.experimental.pallas import tpu_sc as plsc

_N_PAD = 100352
_C_EDGES = 1280

_PI2 = 6.2831855
_INV2PI = 0.15915494
_MAGIC = 12582912.0
_SIN_C = (0.9999836, -0.1666309, 0.008311618, -0.0001930371, 2.1665835e-06)


def _sin_poly(x):
    q = x * _INV2PI
    nf = (q + _MAGIC) - _MAGIC
    r = x - nf * _PI2
    r2 = r * r
    r4 = r2 * r2
    a = _SIN_C[0] + _SIN_C[1] * r2
    bc = (_SIN_C[2] + _SIN_C[3] * r2) + r4 * _SIN_C[4]
    return r * (a + r4 * bc)


@functools.lru_cache(maxsize=None)
def _make_sc_edge_kernel(n_nodes, n_edges):
    info = plsc.get_sparse_core_info()
    nc, ns = info.num_cores, info.num_subcores
    nw = nc * ns
    n_chunks = n_edges // _C_EDGES
    slc = _N_PAD // ns
    mesh = plsc.VectorSubcoreMesh(core_axis_name="c", subcore_axis_name="s")

    @functools.partial(
        pl.kernel,
        out_type=jax.ShapeDtypeStruct((nc, _N_PAD), jnp.float32),
        mesh=mesh,
        compiler_params=pltpu.CompilerParams(needs_layout_passes=False),
        scratch_types=[
            pltpu.VMEM((n_nodes,), jnp.float32),
            [pltpu.VMEM((2 * _C_EDGES,), jnp.int32) for _ in range(3)],
            [pltpu.VMEM((2 * _C_EDGES,), jnp.float32) for _ in range(3)],
            [pltpu.VMEM((_C_EDGES,), jnp.float32) for _ in range(3)],
            pltpu.VMEM_SHARED((_N_PAD,), jnp.float32),
            [pltpu.SemaphoreType.DMA for _ in range(3)],
            [pltpu.SemaphoreType.DMA for _ in range(3)],
        ],
    )
    def sc_edges(phase_hbm, ei_hbm, k_hbm, zeros_hbm, out_hbm,
                 phase_v, idx_v, val_v, k_v, acc_sh, sem_in, sem_sc):
        c = lax.axis_index("c")
        s = lax.axis_index("s")
        wid = c * ns + s
        n_iter = -(-(n_chunks // nw + 1) // 3) * 3
        assert n_iter % 3 == 0

        def in_copies(i, b):
            base = (i * nw + wid) * _C_EDGES
            return (
                pltpu.make_async_copy(ei_hbm.at[0, pl.ds(base, _C_EDGES)],
                                      idx_v[b].at[pl.ds(0, _C_EDGES)],
                                      sem_in[b]),
                pltpu.make_async_copy(ei_hbm.at[1, pl.ds(base, _C_EDGES)],
                                      idx_v[b].at[pl.ds(_C_EDGES, _C_EDGES)],
                                      sem_in[b]),
                pltpu.make_async_copy(k_hbm.at[pl.ds(base, _C_EDGES)],
                                      k_v[b], sem_in[b]),
            )

        def scatter_copy(b):
            return pltpu.make_async_copy(val_v[b], acc_sh.at[idx_v[b]],
                                         sem_sc[b])

        def issue_in(i, b):
            @pl.when(i * nw + wid < n_chunks)
            def _():
                for cp in in_copies(i, b):
                    cp.start()

        pltpu.sync_copy(phase_hbm, phase_v)
        pltpu.sync_copy(zeros_hbm.at[pl.ds(s * slc, slc)],
                        acc_sh.at[pl.ds(s * slc, slc)])
        plsc.subcore_barrier()

        issue_in(0, 0)
        issue_in(1, 1)

        def group_body(g, carry):
            for b in range(3):
                i = g * 3 + b
                cid = i * nw + wid
                live = cid < n_chunks

                @pl.when(live)
                def _(i=i, b=b):
                    for cp in in_copies(i, b):
                        cp.wait()

                    def vec_body(t, carry2, b=b):
                        grp = []
                        for u in range(4):
                            sl = pl.ds(t * 64 + u * 16, 16)
                            sl2 = pl.ds(_C_EDGES + t * 64 + u * 16, 16)
                            ri = idx_v[b][sl]
                            ci = idx_v[b][sl2]
                            pr = plsc.load_gather(phase_v, [ri])
                            pc = plsc.load_gather(phase_v, [ci])
                            grp.append((sl, sl2, k_v[b][sl], pr, pc))
                        vals = [kk * _sin_poly(pc - pr)
                                for (_, _, kk, pr, pc) in grp]
                        for (sl, sl2, _, _, _), v in zip(grp, vals):
                            val_v[b][sl] = v
                            val_v[b][sl2] = -v
                        return carry2

                    lax.fori_loop(0, _C_EDGES // 64, vec_body, 0,
                                  unroll=2)
                    pltpu.async_copy(val_v[b], acc_sh.at[idx_v[b]],
                                     sem_sc[b], add=True)

                bp = (b + 2) % 3

                @pl.when((i >= 1) & ((i - 1) * nw + wid < n_chunks))
                def _(bp=bp):
                    scatter_copy(bp).wait()

                issue_in(i + 2, bp)
            return carry

        lax.fori_loop(0, n_iter // 3, group_body, 0)

        @pl.when((n_iter - 1) * nw + wid < n_chunks)
        def _():
            scatter_copy((n_iter - 1) % 3).wait()

        plsc.subcore_barrier()
        pltpu.sync_copy(acc_sh.at[pl.ds(s * slc, slc)],
                        out_hbm.at[c, pl.ds(s * slc, slc)])

    return sc_edges


def _combine_body(p_ref, g_ref, d_ref, m_ref, a_ref, o_ref):
    o_ref[...] = (p_ref[...] - g_ref[...] * d_ref[...]
                  + a_ref[0] + a_ref[1]) / m_ref[...]


def kernel(phase, dphase, power, edge_index, K, mass, gamma):
    n_nodes = phase.shape[0]
    n_edges = K.shape[0]
    n_chunks = n_edges // _C_EDGES

    del n_chunks
    ei = edge_index.astype(jnp.int32)
    zeros = jnp.zeros((_N_PAD,), jnp.float32)

    partial = _make_sc_edge_kernel(n_nodes, n_edges)(phase, ei, K, zeros)

    pad = _N_PAD - n_nodes
    rows = _N_PAD // 128
    p2 = jnp.pad(power, (0, pad)).reshape(rows, 128)
    g2 = jnp.pad(gamma, (0, pad)).reshape(rows, 128)
    d2 = jnp.pad(dphase, (0, pad)).reshape(rows, 128)
    m2 = jnp.pad(mass, (0, pad), constant_values=1.0).reshape(rows, 128)
    a3 = partial.reshape(2, rows, 128)

    out = pl.pallas_call(
        _combine_body,
        out_shape=jax.ShapeDtypeStruct((rows, 128), jnp.float32),
    )(p2, g2, d2, m2, a3)
    return out.reshape(-1)[:n_nodes]

# --- scband reference (transcript-rebuilt; emitter-appended) ---
"""Pipeline reference for scband-acceleration-torch-68375879352859 (READ-ONLY COPY).

The authoritative reference and input builder live on the scoring server;
editing this copy changes nothing except your own understanding.
"""

import jax, jax.numpy as jnp
import numpy as np

N_NODES = 100000
N_EDGES = 6400000


def setup_inputs(seed: int = 0) -> dict:
    key = jax.random.key(seed)
    k1, k2, k3, k4, k5, k6, k7 = jax.random.split(key, 7)
    phase = jax.random.normal(k1, (N_NODES,), dtype=jnp.float32)
    dphase = jax.random.normal(k2, (N_NODES,), dtype=jnp.float32)
    power = jax.random.normal(k3, (N_NODES,), dtype=jnp.float32)
    edge_index = jax.random.randint(k4, (2, N_EDGES), 0, N_NODES, dtype=jnp.int64) if jax.config.read('jax_enable_x64') else jax.random.randint(k4, (2, N_EDGES), 0, N_NODES, dtype=jnp.int32)
    K = jax.random.uniform(k5, (N_EDGES,), dtype=jnp.float32)
    mass = jax.random.uniform(k6, (N_NODES,), dtype=jnp.float32, minval=0.5, maxval=1.5)
    gamma = jax.random.uniform(k7, (N_NODES,), dtype=jnp.float32)
    return {"phase": phase, "dphase": dphase, "power": power,
            "edge_index": edge_index, "K": K, "mass": mass, "gamma": gamma}


def reference(phase, dphase, power, edge_index, K, mass, gamma):
    # AccelerationTorch.forward: swing-equation acceleration on a power-grid graph.
    row = edge_index[0]
    col = edge_index[1]
    num_nodes = mass.shape[0]
    acceleration = power - gamma * dphase
    # gather node phases at both endpoints of every edge (memory-bound gather)
    interaction = K * jnp.sin(phase[col] - phase[row])
    # undirected: edge (u,v) contributes +I to u and -I to v
    interaction_undirected = jnp.concatenate([interaction, -interaction], axis=0)
    dst = jnp.concatenate([row, col], axis=0)
    acceleration = acceleration + jax.ops.segment_sum(
        interaction_undirected, dst, num_segments=num_nodes)
    return acceleration / mass

if __name__ == "__main__":
    import jax
    _d = setup_inputs()
    print(jax.jit(kernel)(*tuple(_d.values())))

</pallas_src>

<mosaic_0001>
#map = affine_map<(d0, d1) -> (0)>
#map1 = affine_map<(d0, d1) -> (0, 0)>
module attributes {stable_mosaic.version = 14 : i64} {
  func.func @sc_edges(%arg0: i32, %arg1: i32, %arg2: memref<100000xf32, #tpu.memory_space<hbm>>, %arg3: memref<2x6400000xi32, #tpu.memory_space<hbm>>, %arg4: memref<6400000xf32, #tpu.memory_space<hbm>>, %arg5: memref<100352xf32, #tpu.memory_space<hbm>>, %arg6: memref<2x100352xf32, #tpu.memory_space<hbm>>, %arg7: memref<100000xf32, #tpu.memory_space<vmem>>, %arg8: memref<2560xi32, #tpu.memory_space<vmem>>, %arg9: memref<2560xi32, #tpu.memory_space<vmem>>, %arg10: memref<2560xi32, #tpu.memory_space<vmem>>, %arg11: memref<2560xf32, #tpu.memory_space<vmem>>, %arg12: memref<2560xf32, #tpu.memory_space<vmem>>, %arg13: memref<2560xf32, #tpu.memory_space<vmem>>, %arg14: memref<1280xf32, #tpu.memory_space<vmem>>, %arg15: memref<1280xf32, #tpu.memory_space<vmem>>, %arg16: memref<1280xf32, #tpu.memory_space<vmem>>, %arg17: memref<100352xf32, #tpu.memory_space<vmem_shared>>, %arg18: memref<!tpu.dma_semaphore, #tpu.memory_space<semaphore_mem>>, %arg19: memref<!tpu.dma_semaphore, #tpu.memory_space<semaphore_mem>>, %arg20: memref<!tpu.dma_semaphore, #tpu.memory_space<semaphore_mem>>, %arg21: memref<!tpu.dma_semaphore, #tpu.memory_space<semaphore_mem>>, %arg22: memref<!tpu.dma_semaphore, #tpu.memory_space<semaphore_mem>>, %arg23: memref<!tpu.dma_semaphore, #tpu.memory_space<semaphore_mem>>) attributes {dimension_semantics = [#tpu.dimension_semantics<core_parallel>, #tpu.dimension_semantics<subcore_parallel>], iteration_bounds = array<i64: 2, 16>, scalar_prefetch = 0 : i64, scratch_operands = 17 : i64, tpu.core_type = #tpu.core_type<sc_vector_subcore>, window_params = [{transform_indices = #map}, {transform_indices = #map1}, {transform_indices = #map}, {transform_indices = #map}, {transform_indices = #map1}]} {
    %mul3A = arith.constant 16 : i32
    %mul3A_0 = arith.muli %arg0, %mul3A : i32
    %add3A = arith.addi %mul3A_0, %arg1 : i32
    "tpu.region"() ({
      %run_scoped3A = tpu.sem_alloc : memref<!tpu.dma_semaphore, #tpu.memory_space<semaphore_mem>>
      tpu.enqueue_dma source(%arg2 : memref<100000xf32, #tpu.memory_space<hbm>>) target(%arg7 : memref<100000xf32, #tpu.memory_space<vmem>>) target_semaphore(%run_scoped3A : memref<!tpu.dma_semaphore, #tpu.memory_space<semaphore_mem>>)
      tpu.wait_dma2 semaphore(%run_scoped3A : memref<!tpu.dma_semaphore, #tpu.memory_space<semaphore_mem>>) src(%arg2 : memref<100000xf32, #tpu.memory_space<hbm>>) dst(%arg7 : memref<100000xf32, #tpu.memory_space<vmem>>)
      tpu.yield
    }) : () -> ()
    %mul3A_1 = arith.constant 6272 : i32
    %mul3A_2 = arith.muli %arg1, %mul3A_1 : i32
    %mul3A_3 = arith.constant 6272 : i32
    %mul3A_4 = arith.muli %arg1, %mul3A_3 : i32
    "tpu.region"() ({
      %run_scoped3A = tpu.sem_alloc : memref<!tpu.dma_semaphore, #tpu.memory_space<semaphore_mem>>
      %dma_start3A = tpu.memref_slice %arg17[%mul3A_4] : memref<100352xf32, #tpu.memory_space<vmem_shared>> -> memref<6272xf32, #tpu.memory_space<vmem_shared>>
      %dma_start3A_33 = tpu.memref_slice %arg5[%mul3A_2] : memref<100352xf32, #tpu.memory_space<hbm>> -> memref<6272xf32, #tpu.memory_space<hbm>>
      tpu.enqueue_dma source(%dma_start3A_33 : memref<6272xf32, #tpu.memory_space<hbm>>) target(%dma_start3A : memref<6272xf32, #tpu.memory_space<vmem_shared>>) target_semaphore(%run_scoped3A : memref<!tpu.dma_semaphore, #tpu.memory_space<semaphore_mem>>)
      %dma_wait3A = tpu.memref_slice %arg17[%mul3A_4] : memref<100352xf32, #tpu.memory_space<vmem_shared>> -> memref<6272xf32, #tpu.memory_space<vmem_shared>>
      %dma_wait3A_34 = tpu.memref_slice %arg5[%mul3A_2] : memref<100352xf32, #tpu.memory_space<hbm>> -> memref<6272xf32, #tpu.memory_space<hbm>>
      tpu.wait_dma2 semaphore(%run_scoped3A : memref<!tpu.dma_semaphore, #tpu.memory_space<semaphore_mem>>) src(%dma_wait3A_34 : memref<6272xf32, #tpu.memory_space<hbm>>) dst(%dma_wait3A : memref<6272xf32, #tpu.memory_space<vmem_shared>>)
      tpu.yield
    }) : () -> ()
    %barrier3A = arith.constant 0 : index
    tpu.barrier barrier_id(%barrier3A)
    %add3A_5 = arith.constant 0 : i32
    %add3A_6 = arith.addi %add3A_5, %add3A : i32
    %lt3A = arith.constant 5000 : i32
    %lt3A_7 = arith.cmpi slt, %add3A_6, %lt3A : i32
    %convert_element_type3A = arith.extui %lt3A_7 : i1 to i32
    %cond3A = arith.constant 0 : i32
    %cond3A_8 = arith.cmpi ne, %convert_element_type3A, %cond3A : i32
    scf.if %cond3A_8 {
      %add3A_33 = arith.constant 0 : i32
      %add3A_34 = arith.addi %add3A_33, %add3A : i32
      %mul3A_35 = arith.constant 1280 : i32
      %mul3A_36 = arith.muli %add3A_34, %mul3A_35 : i32
      %dma_start3A = arith.constant 0 : i32
      %dma_start3A_37 = arith.constant 0 : i32
      %dma_start3A_38 = tpu.memref_slice %arg8[%dma_start3A_37] : memref<2560xi32, #tpu.memory_space<vmem>> -> memref<1280xi32, #tpu.memory_space<vmem>>
      %dma_start3A_39 = tpu.memref_slice %arg3[%dma_start3A, %mul3A_36] : memref<2x6400000xi32, #tpu.memory_space<hbm>> -> memref<1x1280xi32, #tpu.memory_space<hbm>>
      %dma_start3A_40 = tpu.memref_squeeze %dma_start3A_39 : memref<1x1280xi32, #tpu.memory_space<hbm>> -> memref<1280xi32, #tpu.memory_space<hbm>>
      %dma_start3A_41 = arith.constant 0 : i32
      %dma_start3A_42 = tpu.memref_slice %arg8[%dma_start3A_41] : memref<2560xi32, #tpu.memory_space<vmem>> -> memref<1280xi32, #tpu.memory_space<vmem>>
      %dma_start3A_43 = tpu.memref_slice %arg3[%dma_start3A, %mul3A_36] : memref<2x6400000xi32, #tpu.memory_space<hbm>> -> memref<1x1280xi32, #tpu.memory_space<hbm>>
      %dma_start3A_44 = tpu.memref_squeeze %dma_start3A_43 : memref<1x1280xi32, #tpu.memory_space<hbm>> -> memref<1280xi32, #tpu.memory_space<hbm>>
      tpu.enqueue_dma source(%dma_start3A_44 : memref<1280xi32, #tpu.memory_space<hbm>>) target(%dma_start3A_42 : memref<1280xi32, #tpu.memory_space<vmem>>) target_semaphore(%arg18 : memref<!tpu.dma_semaphore, #tpu.memory_space<semaphore_mem>>)
      %dma_start3A_45 = arith.constant 1 : i32
      %dma_start3A_46 = arith.constant 1280 : i32
      %dma_start3A_47 = tpu.memref_slice %arg8[%dma_start3A_46] : memref<2560xi32, #tpu.memory_space<vmem>> -> memref<1280xi32, #tpu.memory_space<vmem>>
      %dma_start3A_48 = tpu.memref_slice %arg3[%dma_start3A_45, %mul3A_36] : memref<2x6400000xi32, #tpu.memory_space<hbm>> -> memref<1x1280xi32, #tpu.memory_space<hbm>>
      %dma_start3A_49 = tpu.memref_squeeze %dma_start3A_48 : memref<1x1280xi32, #tpu.memory_space<hbm>> -> memref<1280xi32, #tpu.memory_space<hbm>>
      %dma_start3A_50 = arith.constant 1280 : i32
      %dma_start3A_51 = tpu.memref_slice %arg8[%dma_start3A_50] : memref<2560xi32, #tpu.memory_space<vmem>> -> memref<1280xi32, #tpu.memory_space<vmem>>
      %dma_start3A_52 = tpu.memref_slice %arg3[%dma_start3A_45, %mul3A_36] : memref<2x6400000xi32, #tpu.memory_space<hbm>> -> memref<1x1280xi32, #tpu.memory_space<hbm>>
      %dma_start3A_53 = tpu.memref_squeeze %dma_start3A_52 : memref<1x1280xi32, #tpu.memory_space<hbm>> -> memref<1280xi32, #tpu.memory_space<hbm>>
      tpu.enqueue_dma source(%dma_start3A_53 : memref<1280xi32, #tpu.memory_space<hbm>>) target(%dma_start3A_51 : memref<1280xi32, #tpu.memory_space<vmem>>) target_semaphore(%arg18 : memref<!tpu.dma_semaphore, #tpu.memory_space<semaphore_mem>>)
      %dma_start3A_54 = tpu.memref_slice %arg4[%mul3A_36] : memref<6400000xf32, #tpu.memory_space<hbm>> -> memref<1280xf32, #tpu.memory_space<hbm>>
      %dma_start3A_55 = tpu.memref_slice %arg4[%mul3A_36] : memref<6400000xf32, #tpu.memory_space<hbm>> -> memref<1280xf32, #tpu.memory_space<hbm>>
      tpu.enqueue_dma source(%dma_start3A_55 : memref<1280xf32, #tpu.memory_space<hbm>>) target(%arg14 : memref<1280xf32, #tpu.memory_space<vmem>>) target_semaphore(%arg18 : memref<!tpu.dma_semaphore, #tpu.memory_space<semaphore_mem>>)
    } else {
    }
    %add3A_9 = arith.constant 32 : i32
    %add3A_10 = arith.addi %add3A_9, %add3A : i32
    %lt3A_11 = arith.constant 5000 : i32
    %lt3A_12 = arith.cmpi slt, %add3A_10, %lt3A_11 : i32
    %convert_element_type3A_13 = arith.extui %lt3A_12 : i1 to i32
    %cond3A_14 = arith.constant 0 : i32
    %cond3A_15 = arith.cmpi ne, %convert_element_type3A_13, %cond3A_14 : i32
    scf.if %cond3A_15 {
      %add3A_33 = arith.constant 32 : i32
      %add3A_34 = arith.addi %add3A_33, %add3A : i32
      %mul3A_35 = arith.constant 1280 : i32
      %mul3A_36 = arith.muli %add3A_34, %mul3A_35 : i32
      %dma_start3A = arith.constant 0 : i32
      %dma_start3A_37 = arith.constant 0 : i32
      %dma_start3A_38 = tpu.memref_slice %arg9[%dma_start3A_37] : memref<2560xi32, #tpu.memory_space<vmem>> -> memref<1280xi32, #tpu.memory_space<vmem>>
      %dma_start3A_39 = tpu.memref_slice %arg3[%dma_start3A, %mul3A_36] : memref<2x6400000xi32, #tpu.memory_space<hbm>> -> memref<1x1280xi32, #tpu.memory_space<hbm>>
      %dma_start3A_40 = tpu.memref_squeeze %dma_start3A_39 : memref<1x1280xi32, #tpu.memory_space<hbm>> -> memref<1280xi32, #tpu.memory_space<hbm>>
      %dma_start3A_41 = arith.constant 0 : i32
      %dma_start3A_42 = tpu.memref_slice %arg9[%dma_start3A_41] : memref<2560xi32, #tpu.memory_space<vmem>> -> memref<1280xi32, #tpu.memory_space<vmem>>
      %dma_start3A_43 = tpu.memref_slice %arg3[%dma_start3A, %mul3A_36] : memref<2x6400000xi32, #tpu.memory_space<hbm>> -> memref<1x1280xi32, #tpu.memory_space<hbm>>
      %dma_start3A_44 = tpu.memref_squeeze %dma_start3A_43 : memref<1x1280xi32, #tpu.memory_space<hbm>> -> memref<1280xi32, #tpu.memory_space<hbm>>
      tpu.enqueue_dma source(%dma_start3A_44 : memref<1280xi32, #tpu.memory_space<hbm>>) target(%dma_start3A_42 : memref<1280xi32, #tpu.memory_space<vmem>>) target_semaphore(%arg19 : memref<!tpu.dma_semaphore, #tpu.memory_space<semaphore_mem>>)
      %dma_start3A_45 = arith.constant 1 : i32
      %dma_start3A_46 = arith.constant 1280 : i32
      %dma_start3A_47 = tpu.memref_slice %arg9[%dma_start3A_46] : memref<2560xi32, #tpu.memory_space<vmem>> -> memref<1280xi32, #tpu.memory_space<vmem>>
      %dma_start3A_48 = tpu.memref_slice %arg3[%dma_start3A_45, %mul3A_36] : memref<2x6400000xi32, #tpu.memory_space<hbm>> -> memref<1x1280xi32, #tpu.memory_space<hbm>>
      %dma_start3A_49 = tpu.memref_squeeze %dma_start3A_48 : memref<1x1280xi32, #tpu.memory_space<hbm>> -> memref<1280xi32, #tpu.memory_space<hbm>>
      %dma_start3A_50 = arith.constant 1280 : i32
      %dma_start3A_51 = tpu.memref_slice %arg9[%dma_start3A_50] : memref<2560xi32, #tpu.memory_space<vmem>> -> memref<1280xi32, #tpu.memory_space<vmem>>
      %dma_start3A_52 = tpu.memref_slice %arg3[%dma_start3A_45, %mul3A_36] : memref<2x6400000xi32, #tpu.memory_space<hbm>> -> memref<1x1280xi32, #tpu.memory_space<hbm>>
      %dma_start3A_53 = tpu.memref_squeeze %dma_start3A_52 : memref<1x1280xi32, #tpu.memory_space<hbm>> -> memref<1280xi32, #tpu.memory_space<hbm>>
      tpu.enqueue_dma source(%dma_start3A_53 : memref<1280xi32, #tpu.memory_space<hbm>>) target(%dma_start3A_51 : memref<1280xi32, #tpu.memory_space<vmem>>) target_semaphore(%arg19 : memref<!tpu.dma_semaphore, #tpu.memory_space<semaphore_mem>>)
      %dma_start3A_54 = tpu.memref_slice %arg4[%mul3A_36] : memref<6400000xf32, #tpu.memory_space<hbm>> -> memref<1280xf32, #tpu.memory_space<hbm>>
      %dma_start3A_55 = tpu.memref_slice %arg4[%mul3A_36] : memref<6400000xf32, #tpu.memory_space<hbm>> -> memref<1280xf32, #tpu.memory_space<hbm>>
      tpu.enqueue_dma source(%dma_start3A_55 : memref<1280xf32, #tpu.memory_space<hbm>>) target(%arg15 : memref<1280xf32, #tpu.memory_space<vmem>>) target_semaphore(%arg19 : memref<!tpu.dma_semaphore, #tpu.memory_space<semaphore_mem>>)
    } else {
    }
    %scan3A = arith.constant 0 : i32
    %scan3A_16 = arith.constant 0 : i32
    %scan3A_17 = arith.constant 53 : i32
    %scan3A_18 = arith.addi %scan3A_16, %scan3A_17 : i32
    %scan3A_19 = arith.constant 1 : i32
    scf.for %scan3A_33 = %scan3A_16 to %scan3A_18 step %scan3A_19  : i32 {
      %mul3A_34 = arith.constant 3 : i32
      %mul3A_35 = arith.muli %scan3A_33, %mul3A_34 : i32
      %add3A_36 = arith.constant 0 : i32
      %add3A_37 = arith.addi %mul3A_35, %add3A_36 : i32
      %mul3A_38 = arith.constant 32 : i32
      %mul3A_39 = arith.muli %add3A_37, %mul3A_38 : i32
      %add3A_40 = arith.addi %mul3A_39, %add3A : i32
      %lt3A_41 = arith.constant 5000 : i32
      %lt3A_42 = arith.cmpi slt, %add3A_40, %lt3A_41 : i32
      %convert_element_type3A_43 = arith.extui %lt3A_42 : i1 to i32
      %cond3A_44 = arith.constant 0 : i32
      %cond3A_45 = arith.cmpi ne, %convert_element_type3A_43, %cond3A_44 : i32
      scf.if %cond3A_45 {
        %mul3A_136 = arith.constant 32 : i32
        %mul3A_137 = arith.muli %add3A_37, %mul3A_136 : i32
        %add3A_138 = arith.addi %mul3A_137, %add3A : i32
        %mul3A_139 = arith.constant 1280 : i32
        %mul3A_140 = arith.muli %add3A_138, %mul3A_139 : i32
        %dma_wait3A = arith.constant 0 : i32
        %dma_wait3A_141 = arith.constant 0 : i32
        %dma_wait3A_142 = tpu.memref_slice %arg8[%dma_wait3A_141] : memref<2560xi32, #tpu.memory_space<vmem>> -> memref<1280xi32, #tpu.memory_space<vmem>>
        %dma_wait3A_143 = tpu.memref_slice %arg3[%dma_wait3A, %mul3A_140] : memref<2x6400000xi32, #tpu.memory_space<hbm>> -> memref<1x1280xi32, #tpu.memory_space<hbm>>
        %dma_wait3A_144 = tpu.memref_squeeze %dma_wait3A_143 : memref<1x1280xi32, #tpu.memory_space<hbm>> -> memref<1280xi32, #tpu.memory_space<hbm>>
        %dma_wait3A_145 = arith.constant 0 : i32
        %dma_wait3A_146 = tpu.memref_slice %arg8[%dma_wait3A_145] : memref<2560xi32, #tpu.memory_space<vmem>> -> memref<1280xi32, #tpu.memory_space<vmem>>
        %dma_wait3A_147 = tpu.memref_slice %arg3[%dma_wait3A, %mul3A_140] : memref<2x6400000xi32, #tpu.memory_space<hbm>> -> memref<1x1280xi32, #tpu.memory_space<hbm>>
        %dma_wait3A_148 = tpu.memref_squeeze %dma_wait3A_147 : memref<1x1280xi32, #tpu.memory_space<hbm>> -> memref<1280xi32, #tpu.memory_space<hbm>>
        tpu.wait_dma2 semaphore(%arg18 : memref<!tpu.dma_semaphore, #tpu.memory_space<semaphore_mem>>) src(%dma_wait3A_148 : memref<1280xi32, #tpu.memory_space<hbm>>) dst(%dma_wait3A_146 : memref<1280xi32, #tpu.memory_space<vmem>>)
        %dma_wait3A_149 = arith.constant 1 : i32
        %dma_wait3A_150 = arith.constant 1280 : i32
        %dma_wait3A_151 = tpu.memref_slice %arg8[%dma_wait3A_150] : memref<2560xi32, #tpu.memory_space<vmem>> -> memref<1280xi32, #tpu.memory_space<vmem>>
        %dma_wait3A_152 = tpu.memref_slice %arg3[%dma_wait3A_149, %mul3A_140] : memref<2x6400000xi32, #tpu.memory_space<hbm>> -> memref<1x1280xi32, #tpu.memory_space<hbm>>
        %dma_wait3A_153 = tpu.memref_squeeze %dma_wait3A_152 : memref<1x1280xi32, #tpu.memory_space<hbm>> -> memref<1280xi32, #tpu.memory_space<hbm>>
        %dma_wait3A_154 = arith.constant 1280 : i32
        %dma_wait3A_155 = tpu.memref_slice %arg8[%dma_wait3A_154] : memref<2560xi32, #tpu.memory_space<vmem>> -> memref<1280xi32, #tpu.memory_space<vmem>>
        %dma_wait3A_156 = tpu.memref_slice %arg3[%dma_wait3A_149, %mul3A_140] : memref<2x6400000xi32, #tpu.memory_space<hbm>> -> memref<1x1280xi32, #tpu.memory_space<hbm>>
        %dma_wait3A_157 = tpu.memref_squeeze %dma_wait3A_156 : memref<1x1280xi32, #tpu.memory_space<hbm>> -> memref<1280xi32, #tpu.memory_space<hbm>>
        tpu.wait_dma2 semaphore(%arg18 : memref<!tpu.dma_semaphore, #tpu.memory_space<semaphore_mem>>) src(%dma_wait3A_157 : memref<1280xi32, #tpu.memory_space<hbm>>) dst(%dma_wait3A_155 : memref<1280xi32, #tpu.memory_space<vmem>>)
        %dma_wait3A_158 = tpu.memref_slice %arg4[%mul3A_140] : memref<6400000xf32, #tpu.memory_space<hbm>> -> memref<1280xf32, #tpu.memory_space<hbm>>
        %dma_wait3A_159 = tpu.memref_slice %arg4[%mul3A_140] : memref<6400000xf32, #tpu.memory_space<hbm>> -> memref<1280xf32, #tpu.memory_space<hbm>>
        tpu.wait_dma2 semaphore(%arg18 : memref<!tpu.dma_semaphore, #tpu.memory_space<semaphore_mem>>) src(%dma_wait3A_159 : memref<1280xf32, #tpu.memory_space<hbm>>) dst(%arg14 : memref<1280xf32, #tpu.memory_space<vmem>>)
        %scan3A_160 = arith.constant 0 : i32
        %scan3A_161 = arith.constant 0 : i32
        %scan3A_162 = arith.constant 20 : i32
        %scan3A_163 = arith.addi %scan3A_161, %scan3A_162 : i32
        %scan3A_164 = arith.constant 2 : i32
        scf.for %scan3A_167 = %scan3A_161 to %scan3A_163 step %scan3A_164  : i32 {
          %mul3A_168 = arith.constant 64 : i32
          %mul3A_169 = arith.muli %scan3A_167, %mul3A_168 : i32
          %add3A_170 = arith.constant 0 : i32
          %add3A_171 = arith.addi %mul3A_169, %add3A_170 : i32
          %mul3A_172 = arith.constant 64 : i32
          %mul3A_173 = arith.muli %scan3A_167, %mul3A_172 : i32
          %add3A_174 = arith.constant 1280 : i32
          %add3A_175 = arith.addi %add3A_174, %mul3A_173 : i32
          %add3A_176 = arith.constant 0 : i32
          %add3A_177 = arith.addi %add3A_175, %add3A_176 : i32
          %get3A = arith.index_cast %add3A_171 : i32 to index
          %get3A_178 = tpu.vector_load %arg8[%get3A] {strides = array<i32>} : memref<2560xi32, #tpu.memory_space<vmem>>, vector<16xi32>,
          %get3A_179 = arith.index_cast %add3A_177 : i32 to index
          %get3A_180 = tpu.vector_load %arg8[%get3A_179] {strides = array<i32>} : memref<2560xi32, #tpu.memory_space<vmem>>, vector<16xi32>,
          %gather3A = tpu.vector_load_idx %arg7[%get3A_178] : memref<100000xf32, #tpu.memory_space<vmem>>[vector<16xi32>], vector<16xf32>,
          %gather3A_181 = tpu.vector_load_idx %arg7[%get3A_180] : memref<100000xf32, #tpu.memory_space<vmem>>[vector<16xi32>], vector<16xf32>,
          %get3A_182 = arith.index_cast %add3A_171 : i32 to index
          %get3A_183 = tpu.vector_load %arg14[%get3A_182] {strides = array<i32>} : memref<1280xf32, #tpu.memory_space<vmem>>, vector<16xf32>,
          %mul3A_184 = arith.constant 64 : i32
          %mul3A_185 = arith.muli %scan3A_167, %mul3A_184 : i32
          %add3A_186 = arith.constant 16 : i32
          %add3A_187 = arith.addi %mul3A_185, %add3A_186 : i32
          %mul3A_188 = arith.constant 64 : i32
          %mul3A_189 = arith.muli %scan3A_167, %mul3A_188 : i32
          %add3A_190 = arith.constant 1280 : i32
          %add3A_191 = arith.addi %add3A_190, %mul3A_189 : i32
          %add3A_192 = arith.constant 16 : i32
          %add3A_193 = arith.addi %add3A_191, %add3A_192 : i32
          %get3A_194 = arith.index_cast %add3A_187 : i32 to index
          %get3A_195 = tpu.vector_load %arg8[%get3A_194] {strides = array<i32>} : memref<2560xi32, #tpu.memory_space<vmem>>, vector<16xi32>,
          %get3A_196 = arith.index_cast %add3A_193 : i32 to index
          %get3A_197 = tpu.vector_load %arg8[%get3A_196] {strides = array<i32>} : memref<2560xi32, #tpu.memory_space<vmem>>, vector<16xi32>,
          %gather3A_198 = tpu.vector_load_idx %arg7[%get3A_195] : memref<100000xf32, #tpu.memory_space<vmem>>[vector<16xi32>], vector<16xf32>,
          %gather3A_199 = tpu.vector_load_idx %arg7[%get3A_197] : memref<100000xf32, #tpu.memory_space<vmem>>[vector<16xi32>], vector<16xf32>,
          %get3A_200 = arith.index_cast %add3A_187 : i32 to index
          %get3A_201 = tpu.vector_load %arg14[%get3A_200] {strides = array<i32>} : memref<1280xf32, #tpu.memory_space<vmem>>, vector<16xf32>,
          %mul3A_202 = arith.constant 64 : i32
          %mul3A_203 = arith.muli %scan3A_167, %mul3A_202 : i32
          %add3A_204 = arith.constant 32 : i32
          %add3A_205 = arith.addi %mul3A_203, %add3A_204 : i32
          %mul3A_206 = arith.constant 64 : i32
          %mul3A_207 = arith.muli %scan3A_167, %mul3A_206 : i32
          %add3A_208 = arith.constant 1280 : i32
          %add3A_209 = arith.addi %add3A_208, %mul3A_207 : i32
          %add3A_210 = arith.constant 32 : i32
          %add3A_211 = arith.addi %add3A_209, %add3A_210 : i32
          %get3A_212 = arith.index_cast %add3A_205 : i32 to index
          %get3A_213 = tpu.vector_load %arg8[%get3A_212] {strides = array<i32>} : memref<2560xi32, #tpu.memory_space<vmem>>, vector<16xi32>,
          %get3A_214 = arith.index_cast %add3A_211 : i32 to index
          %get3A_215 = tpu.vector_load %arg8[%get3A_214] {strides = array<i32>} : memref<2560xi32, #tpu.memory_space<vmem>>, vector<16xi32>,
          %gather3A_216 = tpu.vector_load_idx %arg7[%get3A_213] : memref<100000xf32, #tpu.memory_space<vmem>>[vector<16xi32>], vector<16xf32>,
          %gather3A_217 = tpu.vector_load_idx %arg7[%get3A_215] : memref<100000xf32, #tpu.memory_space<vmem>>[vector<16xi32>], vector<16xf32>,
          %get3A_218 = arith.index_cast %add3A_205 : i32 to index
          %get3A_219 = tpu.vector_load %arg14[%get3A_218] {strides = array<i32>} : memref<1280xf32, #tpu.memory_space<vmem>>, vector<16xf32>,
          %mul3A_220 = arith.constant 64 : i32
          %mul3A_221 = arith.muli %scan3A_167, %mul3A_220 : i32
          %add3A_222 = arith.constant 48 : i32
          %add3A_223 = arith.addi %mul3A_221, %add3A_222 : i32
          %mul3A_224 = arith.constant 64 : i32
          %mul3A_225 = arith.muli %scan3A_167, %mul3A_224 : i32
          %add3A_226 = arith.constant 1280 : i32
          %add3A_227 = arith.addi %add3A_226, %mul3A_225 : i32
          %add3A_228 = arith.constant 48 : i32
          %add3A_229 = arith.addi %add3A_227, %add3A_228 : i32
          %get3A_230 = arith.index_cast %add3A_223 : i32 to index
          %get3A_231 = tpu.vector_load %arg8[%get3A_230] {strides = array<i32>} : memref<2560xi32, #tpu.memory_space<vmem>>, vector<16xi32>,
          %get3A_232 = arith.index_cast %add3A_229 : i32 to index
          %get3A_233 = tpu.vector_load %arg8[%get3A_232] {strides = array<i32>} : memref<2560xi32, #tpu.memory_space<vmem>>, vector<16xi32>,
          %gather3A_234 = tpu.vector_load_idx %arg7[%get3A_231] : memref<100000xf32, #tpu.memory_space<vmem>>[vector<16xi32>], vector<16xf32>,
          %gather3A_235 = tpu.vector_load_idx %arg7[%get3A_233] : memref<100000xf32, #tpu.memory_space<vmem>>[vector<16xi32>], vector<16xf32>,
          %get3A_236 = arith.index_cast %add3A_223 : i32 to index
          %get3A_237 = tpu.vector_load %arg14[%get3A_236] {strides = array<i32>} : memref<1280xf32, #tpu.memory_space<vmem>>, vector<16xf32>,
          %sub3A_238 = arith.subf %gather3A_181, %gather3A : vector<16xf32>
          %mul3A_239 = arith.constant 0.159154937 : f32
          %mul3A_240 = vector.broadcast %mul3A_239 : f32 to vector<16xf32>
          %mul3A_241 = arith.mulf %sub3A_238, %mul3A_240 : vector<16xf32>
          %add3A_242 = arith.constant 0x4B400000 : f32
          %add3A_243 = vector.broadcast %add3A_242 : f32 to vector<16xf32>
          %add3A_244 = arith.addf %mul3A_241, %add3A_243 : vector<16xf32>
          %sub3A_245 = arith.constant 0x4B400000 : f32
          %sub3A_246 = vector.broadcast %sub3A_245 : f32 to vector<16xf32>
          %sub3A_247 = arith.subf %add3A_244, %sub3A_246 : vector<16xf32>
          %mul3A_248 = arith.constant 6.28318548 : f32
          %mul3A_249 = vector.broadcast %mul3A_248 : f32 to vector<16xf32>
          %mul3A_250 = arith.mulf %sub3A_247, %mul3A_249 : vector<16xf32>
          %sub3A_251 = arith.subf %sub3A_238, %mul3A_250 : vector<16xf32>
          %mul3A_252 = arith.mulf %sub3A_251, %sub3A_251 : vector<16xf32>
          %mul3A_253 = arith.mulf %mul3A_252, %mul3A_252 : vector<16xf32>
          %mul3A_254 = arith.constant -0.166630894 : f32
          %mul3A_255 = vector.broadcast %mul3A_254 : f32 to vector<16xf32>
          %mul3A_256 = arith.mulf %mul3A_255, %mul3A_252 : vector<16xf32>
          %add3A_257 = arith.constant 0.999983608 : f32
          %add3A_258 = vector.broadcast %add3A_257 : f32 to vector<16xf32>
          %add3A_259 = arith.addf %add3A_258, %mul3A_256 : vector<16xf32>
          %mul3A_260 = arith.constant -1.93037107E-4 : f32
          %mul3A_261 = vector.broadcast %mul3A_260 : f32 to vector<16xf32>
          %mul3A_262 = arith.mulf %mul3A_261, %mul3A_252 : vector<16xf32>
          %add3A_263 = arith.constant 0.00831161811 : f32
          %add3A_264 = vector.broadcast %add3A_263 : f32 to vector<16xf32>
          %add3A_265 = arith.addf %add3A_264, %mul3A_262 : vector<16xf32>
          %mul3A_266 = arith.constant 2.1665835E-6 : f32
          %mul3A_267 = vector.broadcast %mul3A_266 : f32 to vector<16xf32>
          %mul3A_268 = arith.mulf %mul3A_253, %mul3A_267 : vector<16xf32>
          %add3A_269 = arith.addf %add3A_265, %mul3A_268 : vector<16xf32>
          %mul3A_270 = arith.mulf %mul3A_253, %add3A_269 : vector<16xf32>
          %add3A_271 = arith.addf %add3A_259, %mul3A_270 : vector<16xf32>
          %mul3A_272 = arith.mulf %sub3A_251, %add3A_271 : vector<16xf32>
          %mul3A_273 = arith.mulf %get3A_183, %mul3A_272 : vector<16xf32>
          %sub3A_274 = arith.subf %gather3A_199, %gather3A_198 : vector<16xf32>
          %mul3A_275 = arith.constant 0.159154937 : f32
          %mul3A_276 = vector.broadcast %mul3A_275 : f32 to vector<16xf32>
          %mul3A_277 = arith.mulf %sub3A_274, %mul3A_276 : vector<16xf32>
          %add3A_278 = arith.constant 0x4B400000 : f32
          %add3A_279 = vector.broadcast %add3A_278 : f32 to vector<16xf32>
          %add3A_280 = arith.addf %mul3A_277, %add3A_279 : vector<16xf32>
          %sub3A_281 = arith.constant 0x4B400000 : f32
          %sub3A_282 = vector.broadcast %sub3A_281 : f32 to vector<16xf32>
          %sub3A_283 = arith.subf %add3A_280, %sub3A_282 : vector<16xf32>
          %mul3A_284 = arith.constant 6.28318548 : f32
          %mul3A_285 = vector.broadcast %mul3A_284 : f32 to vector<16xf32>
          %mul3A_286 = arith.mulf %sub3A_283, %mul3A_285 : vector<16xf32>
          %sub3A_287 = arith.subf %sub3A_274, %mul3A_286 : vector<16xf32>
          %mul3A_288 = arith.mulf %sub3A_287, %sub3A_287 : vector<16xf32>
          %mul3A_289 = arith.mulf %mul3A_288, %mul3A_288 : vector<16xf32>
          %mul3A_290 = arith.constant -0.166630894 : f32
          %mul3A_291 = vector.broadcast %mul3A_290 : f32 to vector<16xf32>
          %mul3A_292 = arith.mulf %mul3A_291, %mul3A_288 : vector<16xf32>
          %add3A_293 = arith.constant 0.999983608 : f32
          %add3A_294 = vector.broadcast %add3A_293 : f32 to vector<16xf32>
          %add3A_295 = arith.addf %add3A_294, %mul3A_292 : vector<16xf32>
          %mul3A_296 = arith.constant -1.93037107E-4 : f32
          %mul3A_297 = vector.broadcast %mul3A_296 : f32 to vector<16xf32>
          %mul3A_298 = arith.mulf %mul3A_297, %mul3A_288 : vector<16xf32>
          %add3A_299 = arith.constant 0.00831161811 : f32
          %add3A_300 = vector.broadcast %add3A_299 : f32 to vector<16xf32>
          %add3A_301 = arith.addf %add3A_300, %mul3A_298 : vector<16xf32>
          %mul3A_302 = arith.constant 2.1665835E-6 : f32
          %mul3A_303 = vector.broadcast %mul3A_302 : f32 to vector<16xf32>
          %mul3A_304 = arith.mulf %mul3A_289, %mul3A_303 : vector<16xf32>
          %add3A_305 = arith.addf %add3A_301, %mul3A_304 : vector<16xf32>
          %mul3A_306 = arith.mulf %mul3A_289, %add3A_305 : vector<16xf32>
          %add3A_307 = arith.addf %add3A_295, %mul3A_306 : vector<16xf32>
          %mul3A_308 = arith.mulf %sub3A_287, %add3A_307 : vector<16xf32>
          %mul3A_309 = arith.mulf %get3A_201, %mul3A_308 : vector<16xf32>
          %sub3A_310 = arith.subf %gather3A_217, %gather3A_216 : vector<16xf32>
          %mul3A_311 = arith.constant 0.159154937 : f32
          %mul3A_312 = vector.broadcast %mul3A_311 : f32 to vector<16xf32>
          %mul3A_313 = arith.mulf %sub3A_310, %mul3A_312 : vector<16xf32>
          %add3A_314 = arith.constant 0x4B400000 : f32
          %add3A_315 = vector.broadcast %add3A_314 : f32 to vector<16xf32>
          %add3A_316 = arith.addf %mul3A_313, %add3A_315 : vector<16xf32>
          %sub3A_317 = arith.constant 0x4B400000 : f32
          %sub3A_318 = vector.broadcast %sub3A_317 : f32 to vector<16xf32>
          %sub3A_319 = arith.subf %add3A_316, %sub3A_318 : vector<16xf32>
          %mul3A_320 = arith.constant 6.28318548 : f32
          %mul3A_321 = vector.broadcast %mul3A_320 : f32 to vector<16xf32>
          %mul3A_322 = arith.mulf %sub3A_319, %mul3A_321 : vector<16xf32>
          %sub3A_323 = arith.subf %sub3A_310, %mul3A_322 : vector<16xf32>
          %mul3A_324 = arith.mulf %sub3A_323, %sub3A_323 : vector<16xf32>
          %mul3A_325 = arith.mulf %mul3A_324, %mul3A_324 : vector<16xf32>
          %mul3A_326 = arith.constant -0.166630894 : f32
          %mul3A_327 = vector.broadcast %mul3A_326 : f32 to vector<16xf32>
          %mul3A_328 = arith.mulf %mul3A_327, %mul3A_324 : vector<16xf32>
          %add3A_329 = arith.constant 0.999983608 : f32
          %add3A_330 = vector.broadcast %add3A_329 : f32 to vector<16xf32>
          %add3A_331 = arith.addf %add3A_330, %mul3A_328 : vector<16xf32>
          %mul3A_332 = arith.constant -1.93037107E-4 : f32
          %mul3A_333 = vector.broadcast %mul3A_332 : f32 to vector<16xf32>
          %mul3A_334 = arith.mulf %mul3A_333, %mul3A_324 : vector<16xf32>
          %add3A_335 = arith.constant 0.00831161811 : f32
          %add3A_336 = vector.broadcast %add3A_335 : f32 to vector<16xf32>
          %add3A_337 = arith.addf %add3A_336, %mul3A_334 : vector<16xf32>
          %mul3A_338 = arith.constant 2.1665835E-6 : f32
          %mul3A_339 = vector.broadcast %mul3A_338 : f32 to vector<16xf32>
          %mul3A_340 = arith.mulf %mul3A_325, %mul3A_339 : vector<16xf32>
          %add3A_341 = arith.addf %add3A_337, %mul3A_340 : vector<16xf32>
          %mul3A_342 = arith.mulf %mul3A_325, %add3A_341 : vector<16xf32>
          %add3A_343 = arith.addf %add3A_331, %mul3A_342 : vector<16xf32>
          %mul3A_344 = arith.mulf %sub3A_323, %add3A_343 : vector<16xf32>
          %mul3A_345 = arith.mulf %get3A_219, %mul3A_344 : vector<16xf32>
          %sub3A_346 = arith.subf %gather3A_235, %gather3A_234 : vector<16xf32>
          %mul3A_347 = arith.constant 0.159154937 : f32
          %mul3A_348 = vector.broadcast %mul3A_347 : f32 to vector<16xf32>
          %mul3A_349 = arith.mulf %sub3A_346, %mul3A_348 : vector<16xf32>
          %add3A_350 = arith.constant 0x4B400000 : f32
          %add3A_351 = vector.broadcast %add3A_350 : f32 to vector<16xf32>
          %add3A_352 = arith.addf %mul3A_349, %add3A_351 : vector<16xf32>
          %sub3A_353 = arith.constant 0x4B400000 : f32
          %sub3A_354 = vector.broadcast %sub3A_353 : f32 to vector<16xf32>
          %sub3A_355 = arith.subf %add3A_352, %sub3A_354 : vector<16xf32>
          %mul3A_356 = arith.constant 6.28318548 : f32
          %mul3A_357 = vector.broadcast %mul3A_356 : f32 to vector<16xf32>
          %mul3A_358 = arith.mulf %sub3A_355, %mul3A_357 : vector<16xf32>
          %sub3A_359 = arith.subf %sub3A_346, %mul3A_358 : vector<16xf32>
          %mul3A_360 = arith.mulf %sub3A_359, %sub3A_359 : vector<16xf32>
          %mul3A_361 = arith.mulf %mul3A_360, %mul3A_360 : vector<16xf32>
          %mul3A_362 = arith.constant -0.166630894 : f32
          %mul3A_363 = vector.broadcast %mul3A_362 : f32 to vector<16xf32>
          %mul3A_364 = arith.mulf %mul3A_363, %mul3A_360 : vector<16xf32>
          %add3A_365 = arith.constant 0.999983608 : f32
          %add3A_366 = vector.broadcast %add3A_365 : f32 to vector<16xf32>
          %add3A_367 = arith.addf %add3A_366, %mul3A_364 : vector<16xf32>
          %mul3A_368 = arith.constant -1.93037107E-4 : f32
          %mul3A_369 = vector.broadcast %mul3A_368 : f32 to vector<16xf32>
          %mul3A_370 = arith.mulf %mul3A_369, %mul3A_360 : vector<16xf32>
          %add3A_371 = arith.constant 0.00831161811 : f32
          %add3A_372 = vector.broadcast %add3A_371 : f32 to vector<16xf32>
          %add3A_373 = arith.addf %add3A_372, %mul3A_370 : vector<16xf32>
          %mul3A_374 = arith.constant 2.1665835E-6 : f32
          %mul3A_375 = vector.broadcast %mul3A_374 : f32 to vector<16xf32>
          %mul3A_376 = arith.mulf %mul3A_361, %mul3A_375 : vector<16xf32>
          %add3A_377 = arith.addf %add3A_373, %mul3A_376 : vector<16xf32>
          %mul3A_378 = arith.mulf %mul3A_361, %add3A_377 : vector<16xf32>
          %add3A_379 = arith.addf %add3A_367, %mul3A_378 : vector<16xf32>
          %mul3A_380 = arith.mulf %sub3A_359, %add3A_379 : vector<16xf32>
          %mul3A_381 = arith.mulf %get3A_237, %mul3A_380 : vector<16xf32>
          %swap3A = arith.index_cast %add3A_171 : i32 to index
          %swap3A_382 = tpu.vector_load %arg11[%swap3A] {strides = array<i32>} : memref<2560xf32, #tpu.memory_space<vmem>>, vector<16xf32>,
          tpu.vector_store %arg11[%swap3A], %mul3A_273 {strides = array<i32>} : memref<2560xf32, #tpu.memory_space<vmem>>, vector<16xf32>,
          %neg3A = arith.constant 0.000000e+00 : f32
          %neg3A_383 = vector.broadcast %neg3A : f32 to vector<16xf32>
          %neg3A_384 = arith.subf %neg3A_383, %mul3A_273 : vector<16xf32>
          %swap3A_385 = arith.index_cast %add3A_177 : i32 to index
          %swap3A_386 = tpu.vector_load %arg11[%swap3A_385] {strides = array<i32>} : memref<2560xf32, #tpu.memory_space<vmem>>, vector<16xf32>,
          tpu.vector_store %arg11[%swap3A_385], %neg3A_384 {strides = array<i32>} : memref<2560xf32, #tpu.memory_space<vmem>>, vector<16xf32>,
          %swap3A_387 = arith.index_cast %add3A_187 : i32 to index
          %swap3A_388 = tpu.vector_load %arg11[%swap3A_387] {strides = array<i32>} : memref<2560xf32, #tpu.memory_space<vmem>>, vector<16xf32>,
          tpu.vector_store %arg11[%swap3A_387], %mul3A_309 {strides = array<i32>} : memref<2560xf32, #tpu.memory_space<vmem>>, vector<16xf32>,
          %neg3A_389 = arith.constant 0.000000e+00 : f32
          %neg3A_390 = vector.broadcast %neg3A_389 : f32 to vector<16xf32>
          %neg3A_391 = arith.subf %neg3A_390, %mul3A_309 : vector<16xf32>
          %swap3A_392 = arith.index_cast %add3A_193 : i32 to index
          %swap3A_393 = tpu.vector_load %arg11[%swap3A_392] {strides = array<i32>} : memref<2560xf32, #tpu.memory_space<vmem>>, vector<16xf32>,
          tpu.vector_store %arg11[%swap3A_392], %neg3A_391 {strides = array<i32>} : memref<2560xf32, #tpu.memory_space<vmem>>, vector<16xf32>,
          %swap3A_394 = arith.index_cast %add3A_205 : i32 to index
          %swap3A_395 = tpu.vector_load %arg11[%swap3A_394] {strides = array<i32>} : memref<2560xf32, #tpu.memory_space<vmem>>, vector<16xf32>,
          tpu.vector_store %arg11[%swap3A_394], %mul3A_345 {strides = array<i32>} : memref<2560xf32, #tpu.memory_space<vmem>>, vector<16xf32>,
          %neg3A_396 = arith.constant 0.000000e+00 : f32
          %neg3A_397 = vector.broadcast %neg3A_396 : f32 to vector<16xf32>
          %neg3A_398 = arith.subf %neg3A_397, %mul3A_345 : vector<16xf32>
          %swap3A_399 = arith.index_cast %add3A_211 : i32 to index
          %swap3A_400 = tpu.vector_load %arg11[%swap3A_399] {strides = array<i32>} : memref<2560xf32, #tpu.memory_space<vmem>>, vector<16xf32>,
          tpu.vector_store %arg11[%swap3A_399], %neg3A_398 {strides = array<i32>} : memref<2560xf32, #tpu.memory_space<vmem>>, vector<16xf32>,
          %swap3A_401 = arith.index_cast %add3A_223 : i32 to index
          %swap3A_402 = tpu.vector_load %arg11[%swap3A_401] {strides = array<i32>} : memref<2560xf32, #tpu.memory_space<vmem>>, vector<16xf32>,
          tpu.vector_store %arg11[%swap3A_401], %mul3A_381 {strides = array<i32>} : memref<2560xf32, #tpu.memory_space<vmem>>, vector<16xf32>,
          %neg3A_403 = arith.constant 0.000000e+00 : f32
          %neg3A_404 = vector.broadcast %neg3A_403 : f32 to vector<16xf32>
          %neg3A_405 = arith.subf %neg3A_404, %mul3A_381 : vector<16xf32>
          %swap3A_406 = arith.index_cast %add3A_229 : i32 to index
          %swap3A_407 = tpu.vector_load %arg11[%swap3A_406] {strides = array<i32>} : memref<2560xf32, #tpu.memory_space<vmem>>, vector<16xf32>,
          tpu.vector_store %arg11[%swap3A_406], %neg3A_405 {strides = array<i32>} : memref<2560xf32, #tpu.memory_space<vmem>>, vector<16xf32>,
          %scan3A_408 = arith.constant 1 : i32
          %scan3A_409 = arith.addi %scan3A_167, %scan3A_408 : i32
          %mul3A_410 = arith.constant 64 : i32
          %mul3A_411 = arith.muli %scan3A_409, %mul3A_410 : i32
          %add3A_412 = arith.constant 0 : i32
          %add3A_413 = arith.addi %mul3A_411, %add3A_412 : i32
          %mul3A_414 = arith.constant 64 : i32
          %mul3A_415 = arith.muli %scan3A_409, %mul3A_414 : i32
          %add3A_416 = arith.constant 1280 : i32
          %add3A_417 = arith.addi %add3A_416, %mul3A_415 : i32
          %add3A_418 = arith.constant 0 : i32
          %add3A_419 = arith.addi %add3A_417, %add3A_418 : i32
          %get3A_420 = arith.index_cast %add3A_413 : i32 to index
          %get3A_421 = tpu.vector_load %arg8[%get3A_420] {strides = array<i32>} : memref<2560xi32, #tpu.memory_space<vmem>>, vector<16xi32>,
          %get3A_422 = arith.index_cast %add3A_419 : i32 to index
          %get3A_423 = tpu.vector_load %arg8[%get3A_422] {strides = array<i32>} : memref<2560xi32, #tpu.memory_space<vmem>>, vector<16xi32>,
          %gather3A_424 = tpu.vector_load_idx %arg7[%get3A_421] : memref<100000xf32, #tpu.memory_space<vmem>>[vector<16xi32>], vector<16xf32>,
          %gather3A_425 = tpu.vector_load_idx %arg7[%get3A_423] : memref<100000xf32, #tpu.memory_space<vmem>>[vector<16xi32>], vector<16xf32>,
          %get3A_426 = arith.index_cast %add3A_413 : i32 to index
          %get3A_427 = tpu.vector_load %arg14[%get3A_426] {strides = array<i32>} : memref<1280xf32, #tpu.memory_space<vmem>>, vector<16xf32>,
          %mul3A_428 = arith.constant 64 : i32
          %mul3A_429 = arith.muli %scan3A_409, %mul3A_428 : i32
          %add3A_430 = arith.constant 16 : i32
          %add3A_431 = arith.addi %mul3A_429, %add3A_430 : i32
          %mul3A_432 = arith.constant 64 : i32
          %mul3A_433 = arith.muli %scan3A_409, %mul3A_432 : i32
          %add3A_434 = arith.constant 1280 : i32
          %add3A_435 = arith.addi %add3A_434, %mul3A_433 : i32
          %add3A_436 = arith.constant 16 : i32
          %add3A_437 = arith.addi %add3A_435, %add3A_436 : i32
          %get3A_438 = arith.index_cast %add3A_431 : i32 to index
          %get3A_439 = tpu.vector_load %arg8[%get3A_438] {strides = array<i32>} : memref<2560xi32, #tpu.memory_space<vmem>>, vector<16xi32>,
          %get3A_440 = arith.index_cast %add3A_437 : i32 to index
          %get3A_441 = tpu.vector_load %arg8[%get3A_440] {strides = array<i32>} : memref<2560xi32, #tpu.memory_space<vmem>>, vector<16xi32>,
          %gather3A_442 = tpu.vector_load_idx %arg7[%get3A_439] : memref<100000xf32, #tpu.memory_space<vmem>>[vector<16xi32>], vector<16xf32>,
          %gather3A_443 = tpu.vector_load_idx %arg7[%get3A_441] : memref<100000xf32, #tpu.memory_space<vmem>>[vector<16xi32>], vector<16xf32>,
          %get3A_444 = arith.index_cast %add3A_431 : i32 to index
          %get3A_445 = tpu.vector_load %arg14[%get3A_444] {strides = array<i32>} : memref<1280xf32, #tpu.memory_space<vmem>>, vector<16xf32>,
          %mul3A_446 = arith.constant 64 : i32
          %mul3A_447 = arith.muli %scan3A_409, %mul3A_446 : i32
          %add3A_448 = arith.constant 32 : i32
          %add3A_449 = arith.addi %mul3A_447, %add3A_448 : i32
          %mul3A_450 = arith.constant 64 : i32
          %mul3A_451 = arith.muli %scan3A_409, %mul3A_450 : i32
          %add3A_452 = arith.constant 1280 : i32
          %add3A_453 = arith.addi %add3A_452, %mul3A_451 : i32
          %add3A_454 = arith.constant 32 : i32
          %add3A_455 = arith.addi %add3A_453, %add3A_454 : i32
          %get3A_456 = arith.index_cast %add3A_449 : i32 to index
          %get3A_457 = tpu.vector_load %arg8[%get3A_456] {strides = array<i32>} : memref<2560xi32, #tpu.memory_space<vmem>>, vector<16xi32>,
          %get3A_458 = arith.index_cast %add3A_455 : i32 to index
          %get3A_459 = tpu.vector_load %arg8[%get3A_458] {strides = array<i32>} : memref<2560xi32, #tpu.memory_space<vmem>>, vector<16xi32>,
          %gather3A_460 = tpu.vector_load_idx %arg7[%get3A_457] : memref<100000xf32, #tpu.memory_space<vmem>>[vector<16xi32>], vector<16xf32>,
          %gather3A_461 = tpu.vector_load_idx %arg7[%get3A_459] : memref<100000xf32, #tpu.memory_space<vmem>>[vector<16xi32>], vector<16xf32>,
          %get3A_462 = arith.index_cast %add3A_449 : i32 to index
          %get3A_463 = tpu.vector_load %arg14[%get3A_462] {strides = array<i32>} : memref<1280xf32, #tpu.memory_space<vmem>>, vector<16xf32>,
          %mul3A_464 = arith.constant 64 : i32
          %mul3A_465 = arith.muli %scan3A_409, %mul3A_464 : i32
          %add3A_466 = arith.constant 48 : i32
          %add3A_467 = arith.addi %mul3A_465, %add3A_466 : i32
          %mul3A_468 = arith.constant 64 : i32
          %mul3A_469 = arith.muli %scan3A_409, %mul3A_468 : i32
          %add3A_470 = arith.constant 1280 : i32
          %add3A_471 = arith.addi %add3A_470, %mul3A_469 : i32
          %add3A_472 = arith.constant 48 : i32
          %add3A_473 = arith.addi %add3A_471, %add3A_472 : i32
          %get3A_474 = arith.index_cast %add3A_467 : i32 to index
          %get3A_475 = tpu.vector_load %arg8[%get3A_474] {strides = array<i32>} : memref<2560xi32, #tpu.memory_space<vmem>>, vector<16xi32>,
          %get3A_476 = arith.index_cast %add3A_473 : i32 to index
          %get3A_477 = tpu.vector_load %arg8[%get3A_476] {strides = array<i32>} : memref<2560xi32, #tpu.memory_space<vmem>>, vector<16xi32>,
          %gather3A_478 = tpu.vector_load_idx %arg7[%get3A_475] : memref<100000xf32, #tpu.memory_space<vmem>>[vector<16xi32>], vector<16xf32>,
          %gather3A_479 = tpu.vector_load_idx %arg7[%get3A_477] : memref<100000xf32, #tpu.memory_space<vmem>>[vector<16xi32>], vector<16xf32>,
          %get3A_480 = arith.index_cast %add3A_467 : i32 to index
          %get3A_481 = tpu.vector_load %arg14[%get3A_480] {strides = array<i32>} : memref<1280xf32, #tpu.memory_space<vmem>>, vector<16xf32>,
          %sub3A_482 = arith.subf %gather3A_425, %gather3A_424 : vector<16xf32>
          %mul3A_483 = arith.constant 0.159154937 : f32
          %mul3A_484 = vector.broadcast %mul3A_483 : f32 to vector<16xf32>
          %mul3A_485 = arith.mulf %sub3A_482, %mul3A_484 : vector<16xf32>
          %add3A_486 = arith.constant 0x4B400000 : f32
          %add3A_487 = vector.broadcast %add3A_486 : f32 to vector<16xf32>
          %add3A_488 = arith.addf %mul3A_485, %add3A_487 : vector<16xf32>
          %sub3A_489 = arith.constant 0x4B400000 : f32
          %sub3A_490 = vector.broadcast %sub3A_489 : f32 to vector<16xf32>
          %sub3A_491 = arith.subf %add3A_488, %sub3A_490 : vector<16xf32>
          %mul3A_492 = arith.constant 6.28318548 : f32
          %mul3A_493 = vector.broadcast %mul3A_492 : f32 to vector<16xf32>
          %mul3A_494 = arith.mulf %sub3A_491, %mul3A_493 : vector<16xf32>
          %sub3A_495 = arith.subf %sub3A_482, %mul3A_494 : vector<16xf32>
          %mul3A_496 = arith.mulf %sub3A_495, %sub3A_495 : vector<16xf32>
          %mul3A_497 = arith.mulf %mul3A_496, %mul3A_496 : vector<16xf32>
          %mul3A_498 = arith.constant -0.166630894 : f32
          %mul3A_499 = vector.broadcast %mul3A_498 : f32 to vector<16xf32>
          %mul3A_500 = arith.mulf %mul3A_499, %mul3A_496 : vector<16xf32>
          %add3A_501 = arith.constant 0.999983608 : f32
          %add3A_502 = vector.broadcast %add3A_501 : f32 to vector<16xf32>
          %add3A_503 = arith.addf %add3A_502, %mul3A_500 : vector<16xf32>
          %mul3A_504 = arith.constant -1.93037107E-4 : f32
          %mul3A_505 = vector.broadcast %mul3A_504 : f32 to vector<16xf32>
          %mul3A_506 = arith.mulf %mul3A_505, %mul3A_496 : vector<16xf32>
          %add3A_507 = arith.constant 0.00831161811 : f32
          %add3A_508 = vector.broadcast %add3A_507 : f32 to vector<16xf32>
          %add3A_509 = arith.addf %add3A_508, %mul3A_506 : vector<16xf32>
          %mul3A_510 = arith.constant 2.1665835E-6 : f32
          %mul3A_511 = vector.broadcast %mul3A_510 : f32 to vector<16xf32>
          %mul3A_512 = arith.mulf %mul3A_497, %mul3A_511 : vector<16xf32>
          %add3A_513 = arith.addf %add3A_509, %mul3A_512 : vector<16xf32>
          %mul3A_514 = arith.mulf %mul3A_497, %add3A_513 : vector<16xf32>
          %add3A_515 = arith.addf %add3A_503, %mul3A_514 : vector<16xf32>
          %mul3A_516 = arith.mulf %sub3A_495, %add3A_515 : vector<16xf32>
          %mul3A_517 = arith.mulf %get3A_427, %mul3A_516 : vector<16xf32>
          %sub3A_518 = arith.subf %gather3A_443, %gather3A_442 : vector<16xf32>
          %mul3A_519 = arith.constant 0.159154937 : f32
          %mul3A_520 = vector.broadcast %mul3A_519 : f32 to vector<16xf32>
          %mul3A_521 = arith.mulf %sub3A_518, %mul3A_520 : vector<16xf32>
          %add3A_522 = arith.constant 0x4B400000 : f32
          %add3A_523 = vector.broadcast %add3A_522 : f32 to vector<16xf32>
          %add3A_524 = arith.addf %mul3A_521, %add3A_523 : vector<16xf32>
          %sub3A_525 = arith.constant 0x4B400000 : f32
          %sub3A_526 = vector.broadcast %sub3A_525 : f32 to vector<16xf32>
          %sub3A_527 = arith.subf %add3A_524, %sub3A_526 : vector<16xf32>
          %mul3A_528 = arith.constant 6.28318548 : f32
          %mul3A_529 = vector.broadcast %mul3A_528 : f32 to vector<16xf32>
          %mul3A_530 = arith.mulf %sub3A_527, %mul3A_529 : vector<16xf32>
          %sub3A_531 = arith.subf %sub3A_518, %mul3A_530 : vector<16xf32>
          %mul3A_532 = arith.mulf %sub3A_531, %sub3A_531 : vector<16xf32>
          %mul3A_533 = arith.mulf %mul3A_532, %mul3A_532 : vector<16xf32>
          %mul3A_534 = arith.constant -0.166630894 : f32
          %mul3A_535 = vector.broadcast %mul3A_534 : f32 to vector<16xf32>
          %mul3A_536 = arith.mulf %mul3A_535, %mul3A_532 : vector<16xf32>
          %add3A_537 = arith.constant 0.999983608 : f32
          %add3A_538 = vector.broadcast %add3A_537 : f32 to vector<16xf32>
          %add3A_539 = arith.addf %add3A_538, %mul3A_536 : vector<16xf32>
          %mul3A_540 = arith.constant -1.93037107E-4 : f32
          %mul3A_541 = vector.broadcast %mul3A_540 : f32 to vector<16xf32>
          %mul3A_542 = arith.mulf %mul3A_541, %mul3A_532 : vector<16xf32>
          %add3A_543 = arith.constant 0.00831161811 : f32
          %add3A_544 = vector.broadcast %add3A_543 : f32 to vector<16xf32>
          %add3A_545 = arith.addf %add3A_544, %mul3A_542 : vector<16xf32>
          %mul3A_546 = arith.constant 2.1665835E-6 : f32
          %mul3A_547 = vector.broadcast %mul3A_546 : f32 to vector<16xf32>
          %mul3A_548 = arith.mulf %mul3A_533, %mul3A_547 : vector<16xf32>
          %add3A_549 = arith.addf %add3A_545, %mul3A_548 : vector<16xf32>
          %mul3A_550 = arith.mulf %mul3A_533, %add3A_549 : vector<16xf32>
          %add3A_551 = arith.addf %add3A_539, %mul3A_550 : vector<16xf32>
          %mul3A_552 = arith.mulf %sub3A_531, %add3A_551 : vector<16xf32>
          %mul3A_553 = arith.mulf %get3A_445, %mul3A_552 : vector<16xf32>
          %sub3A_554 = arith.subf %gather3A_461, %gather3A_460 : vector<16xf32>
          %mul3A_555 = arith.constant 0.159154937 : f32
          %mul3A_556 = vector.broadcast %mul3A_555 : f32 to vector<16xf32>
          %mul3A_557 = arith.mulf %sub3A_554, %mul3A_556 : vector<16xf32>
          %add3A_558 = arith.constant 0x4B400000 : f32
          %add3A_559 = vector.broadcast %add3A_558 : f32 to vector<16xf32>
          %add3A_560 = arith.addf %mul3A_557, %add3A_559 : vector<16xf32>
          %sub3A_561 = arith.constant 0x4B400000 : f32
          %sub3A_562 = vector.broadcast %sub3A_561 : f32 to vector<16xf32>
          %sub3A_563 = arith.subf %add3A_560, %sub3A_562 : vector<16xf32>
          %mul3A_564 = arith.constant 6.28318548 : f32
          %mul3A_565 = vector.broadcast %mul3A_564 : f32 to vector<16xf32>
          %mul3A_566 = arith.mulf %sub3A_563, %mul3A_565 : vector<16xf32>
          %sub3A_567 = arith.subf %sub3A_554, %mul3A_566 : vector<16xf32>
          %mul3A_568 = arith.mulf %sub3A_567, %sub3A_567 : vector<16xf32>
          %mul3A_569 = arith.mulf %mul3A_568, %mul3A_568 : vector<16xf32>
          %mul3A_570 = arith.constant -0.166630894 : f32
          %mul3A_571 = vector.broadcast %mul3A_570 : f32 to vector<16xf32>
          %mul3A_572 = arith.mulf %mul3A_571, %mul3A_568 : vector<16xf32>
          %add3A_573 = arith.constant 0.999983608 : f32
          %add3A_574 = vector.broadcast %add3A_573 : f32 to vector<16xf32>
          %add3A_575 = arith.addf %add3A_574, %mul3A_572 : vector<16xf32>
          %mul3A_576 = arith.constant -1.93037107E-4 : f32
          %mul3A_577 = vector.broadcast %mul3A_576 : f32 to vector<16xf32>
          %mul3A_578 = arith.mulf %mul3A_577, %mul3A_568 : vector<16xf32>
          %add3A_579 = arith.constant 0.00831161811 : f32
          %add3A_580 = vector.broadcast %add3A_579 : f32 to vector<16xf32>
          %add3A_581 = arith.addf %add3A_580, %mul3A_578 : vector<16xf32>
          %mul3A_582 = arith.constant 2.1665835E-6 : f32
          %mul3A_583 = vector.broadcast %mul3A_582 : f32 to vector<16xf32>
          %mul3A_584 = arith.mulf %mul3A_569, %mul3A_583 : vector<16xf32>
          %add3A_585 = arith.addf %add3A_581, %mul3A_584 : vector<16xf32>
          %mul3A_586 = arith.mulf %mul3A_569, %add3A_585 : vector<16xf32>
          %add3A_587 = arith.addf %add3A_575, %mul3A_586 : vector<16xf32>
          %mul3A_588 = arith.mulf %sub3A_567, %add3A_587 : vector<16xf32>
          %mul3A_589 = arith.mulf %get3A_463, %mul3A_588 : vector<16xf32>
          %sub3A_590 = arith.subf %gather3A_479, %gather3A_478 : vector<16xf32>
          %mul3A_591 = arith.constant 0.159154937 : f32
          %mul3A_592 = vector.broadcast %mul3A_591 : f32 to vector<16xf32>
          %mul3A_593 = arith.mulf %sub3A_590, %mul3A_592 : vector<16xf32>
          %add3A_594 = arith.constant 0x4B400000 : f32
          %add3A_595 = vector.broadcast %add3A_594 : f32 to vector<16xf32>
          %add3A_596 = arith.addf %mul3A_593, %add3A_595 : vector<16xf32>
          %sub3A_597 = arith.constant 0x4B400000 : f32
          %sub3A_598 = vector.broadcast %sub3A_597 : f32 to vector<16xf32>
          %sub3A_599 = arith.subf %add3A_596, %sub3A_598 : vector<16xf32>
          %mul3A_600 = arith.constant 6.28318548 : f32
          %mul3A_601 = vector.broadcast %mul3A_600 : f32 to vector<16xf32>
          %mul3A_602 = arith.mulf %sub3A_599, %mul3A_601 : vector<16xf32>
          %sub3A_603 = arith.subf %sub3A_590, %mul3A_602 : vector<16xf32>
          %mul3A_604 = arith.mulf %sub3A_603, %sub3A_603 : vector<16xf32>
          %mul3A_605 = arith.mulf %mul3A_604, %mul3A_604 : vector<16xf32>
          %mul3A_606 = arith.constant -0.166630894 : f32
          %mul3A_607 = vector.broadcast %mul3A_606 : f32 to vector<16xf32>
          %mul3A_608 = arith.mulf %mul3A_607, %mul3A_604 : vector<16xf32>
          %add3A_609 = arith.constant 0.999983608 : f32
          %add3A_610 = vector.broadcast %add3A_609 : f32 to vector<16xf32>
          %add3A_611 = arith.addf %add3A_610, %mul3A_608 : vector<16xf32>
          %mul3A_612 = arith.constant -1.93037107E-4 : f32
          %mul3A_613 = vector.broadcast %mul3A_612 : f32 to vector<16xf32>
          %mul3A_614 = arith.mulf %mul3A_613, %mul3A_604 : vector<16xf32>
          %add3A_615 = arith.constant 0.00831161811 : f32
          %add3A_616 = vector.broadcast %add3A_615 : f32 to vector<16xf32>
          %add3A_617 = arith.addf %add3A_616, %mul3A_614 : vector<16xf32>
          %mul3A_618 = arith.constant 2.1665835E-6 : f32
          %mul3A_619 = vector.broadcast %mul3A_618 : f32 to vector<16xf32>
          %mul3A_620 = arith.mulf %mul3A_605, %mul3A_619 : vector<16xf32>
          %add3A_621 = arith.addf %add3A_617, %mul3A_620 : vector<16xf32>
          %mul3A_622 = arith.mulf %mul3A_605, %add3A_621 : vector<16xf32>
          %add3A_623 = arith.addf %add3A_611, %mul3A_622 : vector<16xf32>
          %mul3A_624 = arith.mulf %sub3A_603, %add3A_623 : vector<16xf32>
          %mul3A_625 = arith.mulf %get3A_481, %mul3A_624 : vector<16xf32>
          %swap3A_626 = arith.index_cast %add3A_413 : i32 to index
          %swap3A_627 = tpu.vector_load %arg11[%swap3A_626] {strides = array<i32>} : memref<2560xf32, #tpu.memory_space<vmem>>, vector<16xf32>,
          tpu.vector_store %arg11[%swap3A_626], %mul3A_517 {strides = array<i32>} : memref<2560xf32, #tpu.memory_space<vmem>>, vector<16xf32>,
          %neg3A_628 = arith.constant 0.000000e+00 : f32
          %neg3A_629 = vector.broadcast %neg3A_628 : f32 to vector<16xf32>
          %neg3A_630 = arith.subf %neg3A_629, %mul3A_517 : vector<16xf32>
          %swap3A_631 = arith.index_cast %add3A_419 : i32 to index
          %swap3A_632 = tpu.vector_load %arg11[%swap3A_631] {strides = array<i32>} : memref<2560xf32, #tpu.memory_space<vmem>>, vector<16xf32>,
          tpu.vector_store %arg11[%swap3A_631], %neg3A_630 {strides = array<i32>} : memref<2560xf32, #tpu.memory_space<vmem>>, vector<16xf32>,
          %swap3A_633 = arith.index_cast %add3A_431 : i32 to index
          %swap3A_634 = tpu.vector_load %arg11[%swap3A_633] {strides = array<i32>} : memref<2560xf32, #tpu.memory_space<vmem>>, vector<16xf32>,
          tpu.vector_store %arg11[%swap3A_633], %mul3A_553 {strides = array<i32>} : memref<2560xf32, #tpu.memory_space<vmem>>, vector<16xf32>,
          %neg3A_635 = arith.constant 0.000000e+00 : f32
          %neg3A_636 = vector.broadcast %neg3A_635 : f32 to vector<16xf32>
          %neg3A_637 = arith.subf %neg3A_636, %mul3A_553 : vector<16xf32>
          %swap3A_638 = arith.index_cast %add3A_437 : i32 to index
          %swap3A_639 = tpu.vector_load %arg11[%swap3A_638] {strides = array<i32>} : memref<2560xf32, #tpu.memory_space<vmem>>, vector<16xf32>,
          tpu.vector_store %arg11[%swap3A_638], %neg3A_637 {strides = array<i32>} : memref<2560xf32, #tpu.memory_space<vmem>>, vector<16xf32>,
          %swap3A_640 = arith.index_cast %add3A_449 : i32 to index
          %swap3A_641 = tpu.vector_load %arg11[%swap3A_640] {strides = array<i32>} : memref<2560xf32, #tpu.memory_space<vmem>>, vector<16xf32>,
          tpu.vector_store %arg11[%swap3A_640], %mul3A_589 {strides = array<i32>} : memref<2560xf32, #tpu.memory_space<vmem>>, vector<16xf32>,
          %neg3A_642 = arith.constant 0.000000e+00 : f32
          %neg3A_643 = vector.broadcast %neg3A_642 : f32 to vector<16xf32>
          %neg3A_644 = arith.subf %neg3A_643, %mul3A_589 : vector<16xf32>
          %swap3A_645 = arith.index_cast %add3A_455 : i32 to index
          %swap3A_646 = tpu.vector_load %arg11[%swap3A_645] {strides = array<i32>} : memref<2560xf32, #tpu.memory_space<vmem>>, vector<16xf32>,
          tpu.vector_store %arg11[%swap3A_645], %neg3A_644 {strides = array<i32>} : memref<2560xf32, #tpu.memory_space<vmem>>, vector<16xf32>,
          %swap3A_647 = arith.index_cast %add3A_467 : i32 to index
          %swap3A_648 = tpu.vector_load %arg11[%swap3A_647] {strides = array<i32>} : memref<2560xf32, #tpu.memory_space<vmem>>, vector<16xf32>,
          tpu.vector_store %arg11[%swap3A_647], %mul3A_625 {strides = array<i32>} : memref<2560xf32, #tpu.memory_space<vmem>>, vector<16xf32>,
          %neg3A_649 = arith.constant 0.000000e+00 : f32
          %neg3A_650 = vector.broadcast %neg3A_649 : f32 to vector<16xf32>
          %neg3A_651 = arith.subf %neg3A_650, %mul3A_625 : vector<16xf32>
          %swap3A_652 = arith.index_cast %add3A_473 : i32 to index
          %swap3A_653 = tpu.vector_load %arg11[%swap3A_652] {strides = array<i32>} : memref<2560xf32, #tpu.memory_space<vmem>>, vector<16xf32>,
          tpu.vector_store %arg11[%swap3A_652], %neg3A_651 {strides = array<i32>} : memref<2560xf32, #tpu.memory_space<vmem>>, vector<16xf32>,
        }
        %scan3A_165 = arith.constant 20 : i32
        %dma_start3A = arith.constant 0 : i32
        %dma_start3A_166 = tpu.memref_slice %arg17[%dma_start3A] : memref<100352xf32, #tpu.memory_space<vmem_shared>> -> memref<100352xf32, #tpu.memory_space<vmem_shared>>
        tpu.enqueue_indirect_dma source(%arg11 : memref<2560xf32, #tpu.memory_space<vmem>>) target(%dma_start3A_166 : memref<100352xf32, #tpu.memory_space<vmem_shared>>) offsets(%arg8 : memref<2560xi32, #tpu.memory_space<vmem>>) semaphore(%arg21 : memref<!tpu.dma_semaphore, #tpu.memory_space<semaphore_mem>>) {add = true}
      } else {
      }
      %ge3A = arith.constant 1 : i32
      %ge3A_46 = arith.cmpi sge, %add3A_37, %ge3A : i32
      %sub3A = arith.constant 1 : i32
      %sub3A_47 = arith.subi %add3A_37, %sub3A : i32
      %mul3A_48 = arith.constant 32 : i32
      %mul3A_49 = arith.muli %sub3A_47, %mul3A_48 : i32
      %add3A_50 = arith.addi %mul3A_49, %add3A : i32
      %lt3A_51 = arith.constant 5000 : i32
      %lt3A_52 = arith.cmpi slt, %add3A_50, %lt3A_51 : i32
      %and3A = arith.andi %ge3A_46, %lt3A_52 : i1
      %convert_element_type3A_53 = arith.extui %and3A : i1 to i32
      %cond3A_54 = arith.constant 0 : i32
      %cond3A_55 = arith.cmpi ne, %convert_element_type3A_53, %cond3A_54 : i32
      scf.if %cond3A_55 {
        %dma_wait3A = arith.constant 0 : i32
        %dma_wait3A_136 = tpu.memref_slice %arg17[%dma_wait3A] : memref<100352xf32, #tpu.memory_space<vmem_shared>> -> memref<100352xf32, #tpu.memory_space<vmem_shared>>
        tpu.wait_indirect_dma semaphore(%arg23 : memref<!tpu.dma_semaphore, #tpu.memory_space<semaphore_mem>>) src(%arg13 : memref<2560xf32, #tpu.memory_space<vmem>>) dst(%dma_wait3A_136 : memref<100352xf32, #tpu.memory_space<vmem_shared>>)
      } else {
      }
      %add3A_56 = arith.constant 2 : i32
      %add3A_57 = arith.addi %add3A_37, %add3A_56 : i32
      %mul3A_58 = arith.constant 32 : i32
      %mul3A_59 = arith.muli %add3A_57, %mul3A_58 : i32
      %add3A_60 = arith.addi %mul3A_59, %add3A : i32
      %lt3A_61 = arith.constant 5000 : i32
      %lt3A_62 = arith.cmpi slt, %add3A_60, %lt3A_61 : i32
      %convert_element_type3A_63 = arith.extui %lt3A_62 : i1 to i32
      %cond3A_64 = arith.constant 0 : i32
      %cond3A_65 = arith.cmpi ne, %convert_element_type3A_63, %cond3A_64 : i32
      scf.if %cond3A_65 {
        %mul3A_136 = arith.constant 32 : i32
        %mul3A_137 = arith.muli %add3A_57, %mul3A_136 : i32
        %add3A_138 = arith.addi %mul3A_137, %add3A : i32
        %mul3A_139 = arith.constant 1280 : i32
        %mul3A_140 = arith.muli %add3A_138, %mul3A_139 : i32
        %dma_start3A = arith.constant 0 : i32
        %dma_start3A_141 = arith.constant 0 : i32
        %dma_start3A_142 = tpu.memref_slice %arg10[%dma_start3A_141] : memref<2560xi32, #tpu.memory_space<vmem>> -> memref<1280xi32, #tpu.memory_space<vmem>>
        %dma_start3A_143 = tpu.memref_slice %arg3[%dma_start3A, %mul3A_140] : memref<2x6400000xi32, #tpu.memory_space<hbm>> -> memref<1x1280xi32, #tpu.memory_space<hbm>>
        %dma_start3A_144 = tpu.memref_squeeze %dma_start3A_143 : memref<1x1280xi32, #tpu.memory_space<hbm>> -> memref<1280xi32, #tpu.memory_space<hbm>>
        %dma_start3A_145 = arith.constant 0 : i32
        %dma_start3A_146 = tpu.memref_slice %arg10[%dma_start3A_145] : memref<2560xi32, #tpu.memory_space<vmem>> -> memref<1280xi32, #tpu.memory_space<vmem>>
        %dma_start3A_147 = tpu.memref_slice %arg3[%dma_start3A, %mul3A_140] : memref<2x6400000xi32, #tpu.memory_space<hbm>> -> memref<1x1280xi32, #tpu.memory_space<hbm>>
        %dma_start3A_148 = tpu.memref_squeeze %dma_start3A_147 : memref<1x1280xi32, #tpu.memory_space<hbm>> -> memref<1280xi32, #tpu.memory_space<hbm>>
        tpu.enqueue_dma source(%dma_start3A_148 : memref<1280xi32, #tpu.memory_space<hbm>>) target(%dma_start3A_146 : memref<1280xi32, #tpu.memory_space<vmem>>) target_semaphore(%arg20 : memref<!tpu.dma_semaphore, #tpu.memory_space<semaphore_mem>>)
        %dma_start3A_149 = arith.constant 1 : i32
        %dma_start3A_150 = arith.constant 1280 : i32
        %dma_start3A_151 = tpu.memref_slice %arg10[%dma_start3A_150] : memref<2560xi32, #tpu.memory_space<vmem>> -> memref<1280xi32, #tpu.memory_space<vmem>>
        %dma_start3A_152 = tpu.memref_slice %arg3[%dma_start3A_149, %mul3A_140] : memref<2x6400000xi32, #tpu.memory_space<hbm>> -> memref<1x1280xi32, #tpu.memory_space<hbm>>
        %dma_start3A_153 = tpu.memref_squeeze %dma_start3A_152 : memref<1x1280xi32, #tpu.memory_space<hbm>> -> memref<1280xi32, #tpu.memory_space<hbm>>
        %dma_start3A_154 = arith.constant 1280 : i32
        %dma_start3A_155 = tpu.memref_slice %arg10[%dma_start3A_154] : memref<2560xi32, #tpu.memory_space<vmem>> -> memref<1280xi32, #tpu.memory_space<vmem>>
        %dma_start3A_156 = tpu.memref_slice %arg3[%dma_start3A_149, %mul3A_140] : memref<2x6400000xi32, #tpu.memory_space<hbm>> -> memref<1x1280xi32, #tpu.memory_space<hbm>>
        %dma_start3A_157 = tpu.memref_squeeze %dma_start3A_156 : memref<1x1280xi32, #tpu.memory_space<hbm>> -> memref<1280xi32, #tpu.memory_space<hbm>>
        tpu.enqueue_dma source(%dma_start3A_157 : memref<1280xi32, #tpu.memory_space<hbm>>) target(%dma_start3A_155 : memref<1280xi32, #tpu.memory_space<vmem>>) target_semaphore(%arg20 : memref<!tpu.dma_semaphore, #tpu.memory_space<semaphore_mem>>)
        %dma_start3A_158 = tpu.memref_slice %arg4[%mul3A_140] : memref<6400000xf32, #tpu.memory_space<hbm>> -> memref<1280xf32, #tpu.memory_space<hbm>>
        %dma_start3A_159 = tpu.memref_slice %arg4[%mul3A_140] : memref<6400000xf32, #tpu.memory_space<hbm>> -> memref<1280xf32, #tpu.memory_space<hbm>>
        tpu.enqueue_dma source(%dma_start3A_159 : memref<1280xf32, #tpu.memory_space<hbm>>) target(%arg16 : memref<1280xf32, #tpu.memory_space<vmem>>) target_semaphore(%arg20 : memref<!tpu.dma_semaphore, #tpu.memory_space<semaphore_mem>>)
      } else {
      }
      %mul3A_66 = arith.constant 3 : i32
      %mul3A_67 = arith.muli %scan3A_33, %mul3A_66 : i32
      %add3A_68 = arith.constant 1 : i32
      %add3A_69 = arith.addi %mul3A_67, %add3A_68 : i32
      %mul3A_70 = arith.constant 32 : i32
      %mul3A_71 = arith.muli %add3A_69, %mul3A_70 : i32
      %add3A_72 = arith.addi %mul3A_71, %add3A : i32
      %lt3A_73 = arith.constant 5000 : i32
      %lt3A_74 = arith.cmpi slt, %add3A_72, %lt3A_73 : i32
      %convert_element_type3A_75 = arith.extui %lt3A_74 : i1 to i32
      %cond3A_76 = arith.constant 0 : i32
      %cond3A_77 = arith.cmpi ne, %convert_element_type3A_75, %cond3A_76 : i32
      scf.if %cond3A_77 {
        %mul3A_136 = arith.constant 32 : i32
        %mul3A_137 = arith.muli %add3A_69, %mul3A_136 : i32
        %add3A_138 = arith.addi %mul3A_137, %add3A : i32
        %mul3A_139 = arith.constant 1280 : i32
        %mul3A_140 = arith.muli %add3A_138, %mul3A_139 : i32
        %dma_wait3A = arith.constant 0 : i32
        %dma_wait3A_141 = arith.constant 0 : i32
        %dma_wait3A_142 = tpu.memref_slice %arg9[%dma_wait3A_141] : memref<2560xi32, #tpu.memory_space<vmem>> -> memref<1280xi32, #tpu.memory_space<vmem>>
        %dma_wait3A_143 = tpu.memref_slice %arg3[%dma_wait3A, %mul3A_140] : memref<2x6400000xi32, #tpu.memory_space<hbm>> -> memref<1x1280xi32, #tpu.memory_space<hbm>>
        %dma_wait3A_144 = tpu.memref_squeeze %dma_wait3A_143 : memref<1x1280xi32, #tpu.memory_space<hbm>> -> memref<1280xi32, #tpu.memory_space<hbm>>
        %dma_wait3A_145 = arith.constant 0 : i32
        %dma_wait3A_146 = tpu.memref_slice %arg9[%dma_wait3A_145] : memref<2560xi32, #tpu.memory_space<vmem>> -> memref<1280xi32, #tpu.memory_space<vmem>>
        %dma_wait3A_147 = tpu.memref_slice %arg3[%dma_wait3A, %mul3A_140] : memref<2x6400000xi32, #tpu.memory_space<hbm>> -> memref<1x1280xi32, #tpu.memory_space<hbm>>
        %dma_wait3A_148 = tpu.memref_squeeze %dma_wait3A_147 : memref<1x1280xi32, #tpu.memory_space<hbm>> -> memref<1280xi32, #tpu.memory_space<hbm>>
        tpu.wait_dma2 semaphore(%arg19 : memref<!tpu.dma_semaphore, #tpu.memory_space<semaphore_mem>>) src(%dma_wait3A_148 : memref<1280xi32, #tpu.memory_space<hbm>>) dst(%dma_wait3A_146 : memref<1280xi32, #tpu.memory_space<vmem>>)
        %dma_wait3A_149 = arith.constant 1 : i32
        %dma_wait3A_150 = arith.constant 1280 : i32
        %dma_wait3A_151 = tpu.memref_slice %arg9[%dma_wait3A_150] : memref<2560xi32, #tpu.memory_space<vmem>> -> memref<1280xi32, #tpu.memory_space<vmem>>
        %dma_wait3A_152 = tpu.memref_slice %arg3[%dma_wait3A_149, %mul3A_140] : memref<2x6400000xi32, #tpu.memory_space<hbm>> -> memref<1x1280xi32, #tpu.memory_space<hbm>>
        %dma_wait3A_153 = tpu.memref_squeeze %dma_wait3A_152 : memref<1x1280xi32, #tpu.memory_space<hbm>> -> memref<1280xi32, #tpu.memory_space<hbm>>
        %dma_wait3A_154 = arith.constant 1280 : i32
        %dma_wait3A_155 = tpu.memref_slice %arg9[%dma_wait3A_154] : memref<2560xi32, #tpu.memory_space<vmem>> -> memref<1280xi32, #tpu.memory_space<vmem>>
        %dma_wait3A_156 = tpu.memref_slice %arg3[%dma_wait3A_149, %mul3A_140] : memref<2x6400000xi32, #tpu.memory_space<hbm>> -> memref<1x1280xi32, #tpu.memory_space<hbm>>
        %dma_wait3A_157 = tpu.memref_squeeze %dma_wait3A_156 : memref<1x1280xi32, #tpu.memory_space<hbm>> -> memref<1280xi32, #tpu.memory_space<hbm>>
        tpu.wait_dma2 semaphore(%arg19 : memref<!tpu.dma_semaphore, #tpu.memory_space<semaphore_mem>>) src(%dma_wait3A_157 : memref<1280xi32, #tpu.memory_space<hbm>>) dst(%dma_wait3A_155 : memref<1280xi32, #tpu.memory_space<vmem>>)
        %dma_wait3A_158 = tpu.memref_slice %arg4[%mul3A_140] : memref<6400000xf32, #tpu.memory_space<hbm>> -> memref<1280xf32, #tpu.memory_space<hbm>>
        %dma_wait3A_159 = tpu.memref_slice %arg4[%mul3A_140] : memref<6400000xf32, #tpu.memory_space<hbm>> -> memref<1280xf32, #tpu.memory_space<hbm>>
        tpu.wait_dma2 semaphore(%arg19 : memref<!tpu.dma_semaphore, #tpu.memory_space<semaphore_mem>>) src(%dma_wait3A_159 : memref<1280xf32, #tpu.memory_space<hbm>>) dst(%arg15 : memref<1280xf32, #tpu.memory_space<vmem>>)
        %scan3A_160 = arith.constant 0 : i32
        %scan3A_161 = arith.constant 0 : i32
        %scan3A_162 = arith.constant 20 : i32
        %scan3A_163 = arith.addi %scan3A_161, %scan3A_162 : i32
        %scan3A_164 = arith.constant 2 : i32
        scf.for %scan3A_167 = %scan3A_161 to %scan3A_163 step %scan3A_164  : i32 {
          %mul3A_168 = arith.constant 64 : i32
          %mul3A_169 = arith.muli %scan3A_167, %mul3A_168 : i32
          %add3A_170 = arith.constant 0 : i32
          %add3A_171 = arith.addi %mul3A_169, %add3A_170 : i32
          %mul3A_172 = arith.constant 64 : i32
          %mul3A_173 = arith.muli %scan3A_167, %mul3A_172 : i32
          %add3A_174 = arith.constant 1280 : i32
          %add3A_175 = arith.addi %add3A_174, %mul3A_173 : i32
          %add3A_176 = arith.constant 0 : i32
          %add3A_177 = arith.addi %add3A_175, %add3A_176 : i32
          %get3A = arith.index_cast %add3A_171 : i32 to index
          %get3A_178 = tpu.vector_load %arg9[%get3A] {strides = array<i32>} : memref<2560xi32, #tpu.memory_space<vmem>>, vector<16xi32>,
          %get3A_179 = arith.index_cast %add3A_177 : i32 to index
          %get3A_180 = tpu.vector_load %arg9[%get3A_179] {strides = array<i32>} : memref<2560xi32, #tpu.memory_space<vmem>>, vector<16xi32>,
          %gather3A = tpu.vector_load_idx %arg7[%get3A_178] : memref<100000xf32, #tpu.memory_space<vmem>>[vector<16xi32>], vector<16xf32>,
          %gather3A_181 = tpu.vector_load_idx %arg7[%get3A_180] : memref<100000xf32, #tpu.memory_space<vmem>>[vector<16xi32>], vector<16xf32>,
          %get3A_182 = arith.index_cast %add3A_171 : i32 to index
          %get3A_183 = tpu.vector_load %arg15[%get3A_182] {strides = array<i32>} : memref<1280xf32, #tpu.memory_space<vmem>>, vector<16xf32>,
          %mul3A_184 = arith.constant 64 : i32
          %mul3A_185 = arith.muli %scan3A_167, %mul3A_184 : i32
          %add3A_186 = arith.constant 16 : i32
          %add3A_187 = arith.addi %mul3A_185, %add3A_186 : i32
          %mul3A_188 = arith.constant 64 : i32
          %mul3A_189 = arith.muli %scan3A_167, %mul3A_188 : i32
          %add3A_190 = arith.constant 1280 : i32
          %add3A_191 = arith.addi %add3A_190, %mul3A_189 : i32
          %add3A_192 = arith.constant 16 : i32
          %add3A_193 = arith.addi %add3A_191, %add3A_192 : i32
          %get3A_194 = arith.index_cast %add3A_187 : i32 to index
          %get3A_195 = tpu.vector_load %arg9[%get3A_194] {strides = array<i32>} : memref<2560xi32, #tpu.memory_space<vmem>>, vector<16xi32>,
          %get3A_196 = arith.index_cast %add3A_193 : i32 to index
          %get3A_197 = tpu.vector_load %arg9[%get3A_196] {strides = array<i32>} : memref<2560xi32, #tpu.memory_space<vmem>>, vector<16xi32>,
          %gather3A_198 = tpu.vector_load_idx %arg7[%get3A_195] : memref<100000xf32, #tpu.memory_space<vmem>>[vector<16xi32>], vector<16xf32>,
          %gather3A_199 = tpu.vector_load_idx %arg7[%get3A_197] : memref<100000xf32, #tpu.memory_space<vmem>>[vector<16xi32>], vector<16xf32>,
          %get3A_200 = arith.index_cast %add3A_187 : i32 to index
          %get3A_201 = tpu.vector_load %arg15[%get3A_200] {strides = array<i32>} : memref<1280xf32, #tpu.memory_space<vmem>>, vector<16xf32>,
          %mul3A_202 = arith.constant 64 : i32
          %mul3A_203 = arith.muli %scan3A_167, %mul3A_202 : i32
          %add3A_204 = arith.constant 32 : i32
          %add3A_205 = arith.addi %mul3A_203, %add3A_204 : i32
          %mul3A_206 = arith.constant 64 : i32
          %mul3A_207 = arith.muli %scan3A_167, %mul3A_206 : i32
          %add3A_208 = arith.constant 1280 : i32
          %add3A_209 = arith.addi %add3A_208, %mul3A_207 : i32
          %add3A_210 = arith.constant 32 : i32
          %add3A_211 = arith.addi %add3A_209, %add3A_210 : i32
          %get3A_212 = arith.index_cast %add3A_205 : i32 to index
          %get3A_213 = tpu.vector_load %arg9[%get3A_212] {strides = array<i32>} : memref<2560xi32, #tpu.memory_space<vmem>>, vector<16xi32>,
          %get3A_214 = arith.index_cast %add3A_211 : i32 to index
          %get3A_215 = tpu.vector_load %arg9[%get3A_214] {strides = array<i32>} : memref<2560xi32, #tpu.memory_space<vmem>>, vector<16xi32>,
          %gather3A_216 = tpu.vector_load_idx %arg7[%get3A_213] : memref<100000xf32, #tpu.memory_space<vmem>>[vector<16xi32>], vector<16xf32>,
          %gather3A_217 = tpu.vector_load_idx %arg7[%get3A_215] : memref<100000xf32, #tpu.memory_space<vmem>>[vector<16xi32>], vector<16xf32>,
          %get3A_218 = arith.index_cast %add3A_205 : i32 to index
          %get3A_219 = tpu.vector_load %arg15[%get3A_218] {strides = array<i32>} : memref<1280xf32, #tpu.memory_space<vmem>>, vector<16xf32>,
          %mul3A_220 = arith.constant 64 : i32
          %mul3A_221 = arith.muli %scan3A_167, %mul3A_220 : i32
          %add3A_222 = arith.constant 48 : i32
          %add3A_223 = arith.addi %mul3A_221, %add3A_222 : i32
          %mul3A_224 = arith.constant 64 : i32
          %mul3A_225 = arith.muli %scan3A_167, %mul3A_224 : i32
          %add3A_226 = arith.constant 1280 : i32
          %add3A_227 = arith.addi %add3A_226, %mul3A_225 : i32
          %add3A_228 = arith.constant 48 : i32
          %add3A_229 = arith.addi %add3A_227, %add3A_228 : i32
          %get3A_230 = arith.index_cast %add3A_223 : i32 to index
          %get3A_231 = tpu.vector_load %arg9[%get3A_230] {strides = array<i32>} : memref<2560xi32, #tpu.memory_space<vmem>>, vector<16xi32>,
          %get3A_232 = arith.index_cast %add3A_229 : i32 to index
          %get3A_233 = tpu.vector_load %arg9[%get3A_232] {strides = array<i32>} : memref<2560xi32, #tpu.memory_space<vmem>>, vector<16xi32>,
          %gather3A_234 = tpu.vector_load_idx %arg7[%get3A_231] : memref<100000xf32, #tpu.memory_space<vmem>>[vector<16xi32>], vector<16xf32>,
          %gather3A_235 = tpu.vector_load_idx %arg7[%get3A_233] : memref<100000xf32, #tpu.memory_space<vmem>>[vector<16xi32>], vector<16xf32>,
          %get3A_236 = arith.index_cast %add3A_223 : i32 to index
          %get3A_237 = tpu.vector_load %arg15[%get3A_236] {strides = array<i32>} : memref<1280xf32, #tpu.memory_space<vmem>>, vector<16xf32>,
          %sub3A_238 = arith.subf %gather3A_181, %gather3A : vector<16xf32>
          %mul3A_239 = arith.constant 0.159154937 : f32
          %mul3A_240 = vector.broadcast %mul3A_239 : f32 to vector<16xf32>
          %mul3A_241 = arith.mulf %sub3A_238, %mul3A_240 : vector<16xf32>
          %add3A_242 = arith.constant 0x4B400000 : f32
          %add3A_243 = vector.broadcast %add3A_242 : f32 to vector<16xf32>
          %add3A_244 = arith.addf %mul3A_241, %add3A_243 : vector<16xf32>
          %sub3A_245 = arith.constant 0x4B400000 : f32
          %sub3A_246 = vector.broadcast %sub3A_245 : f32 to vector<16xf32>
          %sub3A_247 = arith.subf %add3A_244, %sub3A_246 : vector<16xf32>
          %mul3A_248 = arith.constant 6.28318548 : f32
          %mul3A_249 = vector.broadcast %mul3A_248 : f32 to vector<16xf32>
          %mul3A_250 = arith.mulf %sub3A_247, %mul3A_249 : vector<16xf32>
          %sub3A_251 = arith.subf %sub3A_238, %mul3A_250 : vector<16xf32>
          %mul3A_252 = arith.mulf %sub3A_251, %sub3A_251 : vector<16xf32>
          %mul3A_253 = arith.mulf %mul3A_252, %mul3A_252 : vector<16xf32>
          %mul3A_254 = arith.constant -0.166630894 : f32
          %mul3A_255 = vector.broadcast %mul3A_254 : f32 to vector<16xf32>
          %mul3A_256 = arith.mulf %mul3A_255, %mul3A_252 : vector<16xf32>
          %add3A_257 = arith.constant 0.999983608 : f32
          %add3A_258 = vector.broadcast %add3A_257 : f32 to vector<16xf32>
          %add3A_259 = arith.addf %add3A_258, %mul3A_256 : vector<16xf32>
          %mul3A_260 = arith.constant -1.93037107E-4 : f32
          %mul3A_261 = vector.broadcast %mul3A_260 : f32 to vector<16xf32>
          %mul3A_262 = arith.mulf %mul3A_261, %mul3A_252 : vector<16xf32>
          %add3A_263 = arith.constant 0.00831161811 : f32
          %add3A_264 = vector.broadcast %add3A_263 : f32 to vector<16xf32>
          %add3A_265 = arith.addf %add3A_264, %mul3A_262 : vector<16xf32>
          %mul3A_266 = arith.constant 2.1665835E-6 : f32
          %mul3A_267 = vector.broadcast %mul3A_266 : f32 to vector<16xf32>
          %mul3A_268 = arith.mulf %mul3A_253, %mul3A_267 : vector<16xf32>
          %add3A_269 = arith.addf %add3A_265, %mul3A_268 : vector<16xf32>
          %mul3A_270 = arith.mulf %mul3A_253, %add3A_269 : vector<16xf32>
          %add3A_271 = arith.addf %add3A_259, %mul3A_270 : vector<16xf32>
          %mul3A_272 = arith.mulf %sub3A_251, %add3A_271 : vector<16xf32>
          %mul3A_273 = arith.mulf %get3A_183, %mul3A_272 : vector<16xf32>
          %sub3A_274 = arith.subf %gather3A_199, %gather3A_198 : vector<16xf32>
          %mul3A_275 = arith.constant 0.159154937 : f32
          %mul3A_276 = vector.broadcast %mul3A_275 : f32 to vector<16xf32>
          %mul3A_277 = arith.mulf %sub3A_274, %mul3A_276 : vector<16xf32>
          %add3A_278 = arith.constant 0x4B400000 : f32
          %add3A_279 = vector.broadcast %add3A_278 : f32 to vector<16xf32>
          %add3A_280 = arith.addf %mul3A_277, %add3A_279 : vector<16xf32>
          %sub3A_281 = arith.constant 0x4B400000 : f32
          %sub3A_282 = vector.broadcast %sub3A_281 : f32 to vector<16xf32>
          %sub3A_283 = arith.subf %add3A_280, %sub3A_282 : vector<16xf32>
          %mul3A_284 = arith.constant 6.28318548 : f32
          %mul3A_285 = vector.broadcast %mul3A_284 : f32 to vector<16xf32>
          %mul3A_286 = arith.mulf %sub3A_283, %mul3A_285 : vector<16xf32>
          %sub3A_287 = arith.subf %sub3A_274, %mul3A_286 : vector<16xf32>
          %mul3A_288 = arith.mulf %sub3A_287, %sub3A_287 : vector<16xf32>
          %mul3A_289 = arith.mulf %mul3A_288, %mul3A_288 : vector<16xf32>
          %mul3A_290 = arith.constant -0.166630894 : f32
          %mul3A_291 = vector.broadcast %mul3A_290 : f32 to vector<16xf32>
          %mul3A_292 = arith.mulf %mul3A_291, %mul3A_288 : vector<16xf32>
          %add3A_293 = arith.constant 0.999983608 : f32
          %add3A_294 = vector.broadcast %add3A_293 : f32 to vector<16xf32>
          %add3A_295 = arith.addf %add3A_294, %mul3A_292 : vector<16xf32>
          %mul3A_296 = arith.constant -1.93037107E-4 : f32
          %mul3A_297 = vector.broadcast %mul3A_296 : f32 to vector<16xf32>
          %mul3A_298 = arith.mulf %mul3A_297, %mul3A_288 : vector<16xf32>
          %add3A_299 = arith.constant 0.00831161811 : f32
          %add3A_300 = vector.broadcast %add3A_299 : f32 to vector<16xf32>
          %add3A_301 = arith.addf %add3A_300, %mul3A_298 : vector<16xf32>
          %mul3A_302 = arith.constant 2.1665835E-6 : f32
          %mul3A_303 = vector.broadcast %mul3A_302 : f32 to vector<16xf32>
          %mul3A_304 = arith.mulf %mul3A_289, %mul3A_303 : vector<16xf32>
          %add3A_305 = arith.addf %add3A_301, %mul3A_304 : vector<16xf32>
          %mul3A_306 = arith.mulf %mul3A_289, %add3A_305 : vector<16xf32>
          %add3A_307 = arith.addf %add3A_295, %mul3A_306 : vector<16xf32>
          %mul3A_308 = arith.mulf %sub3A_287, %add3A_307 : vector<16xf32>
          %mul3A_309 = arith.mulf %get3A_201, %mul3A_308 : vector<16xf32>
          %sub3A_310 = arith.subf %gather3A_217, %gather3A_216 : vector<16xf32>
          %mul3A_311 = arith.constant 0.159154937 : f32
          %mul3A_312 = vector.broadcast %mul3A_311 : f32 to vector<16xf32>
          %mul3A_313 = arith.mulf %sub3A_310, %mul3A_312 : vector<16xf32>
          %add3A_314 = arith.constant 0x4B400000 : f32
          %add3A_315 = vector.broadcast %add3A_314 : f32 to vector<16xf32>
          %add3A_316 = arith.addf %mul3A_313, %add3A_315 : vector<16xf32>
          %sub3A_317 = arith.constant 0x4B400000 : f32
          %sub3A_318 = vector.broadcast %sub3A_317 : f32 to vector<16xf32>
          %sub3A_319 = arith.subf %add3A_316, %sub3A_318 : vector<16xf32>
          %mul3A_320 = arith.constant 6.28318548 : f32
          %mul3A_321 = vector.broadcast %mul3A_320 : f32 to vector<16xf32>
          %mul3A_322 = arith.mulf %sub3A_319, %mul3A_321 : vector<16xf32>
          %sub3A_323 = arith.subf %sub3A_310, %mul3A_322 : vector<16xf32>
          %mul3A_324 = arith.mulf %sub3A_323, %sub3A_323 : vector<16xf32>
          %mul3A_325 = arith.mulf %mul3A_324, %mul3A_324 : vector<16xf32>
          %mul3A_326 = arith.constant -0.166630894 : f32
          %mul3A_327 = vector.broadcast %mul3A_326 : f32 to vector<16xf32>
          %mul3A_328 = arith.mulf %mul3A_327, %mul3A_324 : vector<16xf32>
          %add3A_329 = arith.constant 0.999983608 : f32
          %add3A_330 = vector.broadcast %add3A_329 : f32 to vector<16xf32>
          %add3A_331 = arith.addf %add3A_330, %mul3A_328 : vector<16xf32>
          %mul3A_332 = arith.constant -1.93037107E-4 : f32
          %mul3A_333 = vector.broadcast %mul3A_332 : f32 to vector<16xf32>
          %mul3A_334 = arith.mulf %mul3A_333, %mul3A_324 : vector<16xf32>
          %add3A_335 = arith.constant 0.00831161811 : f32
          %add3A_336 = vector.broadcast %add3A_335 : f32 to vector<16xf32>
          %add3A_337 = arith.addf %add3A_336, %mul3A_334 : vector<16xf32>
          %mul3A_338 = arith.constant 2.1665835E-6 : f32
          %mul3A_339 = vector.broadcast %mul3A_338 : f32 to vector<16xf32>
          %mul3A_340 = arith.mulf %mul3A_325, %mul3A_339 : vector<16xf32>
          %add3A_341 = arith.addf %add3A_337, %mul3A_340 : vector<16xf32>
          %mul3A_342 = arith.mulf %mul3A_325, %add3A_341 : vector<16xf32>
          %add3A_343 = arith.addf %add3A_331, %mul3A_342 : vector<16xf32>
          %mul3A_344 = arith.mulf %sub3A_323, %add3A_343 : vector<16xf32>
          %mul3A_345 = arith.mulf %get3A_219, %mul3A_344 : vector<16xf32>
          %sub3A_346 = arith.subf %gather3A_235, %gather3A_234 : vector<16xf32>
          %mul3A_347 = arith.constant 0.159154937 : f32
          %mul3A_348 = vector.broadcast %mul3A_347 : f32 to vector<16xf32>
          %mul3A_349 = arith.mulf %sub3A_346, %mul3A_348 : vector<16xf32>
          %add3A_350 = arith.constant 0x4B400000 : f32
          %add3A_351 = vector.broadcast %add3A_350 : f32 to vector<16xf32>
          %add3A_352 = arith.addf %mul3A_349, %add3A_351 : vector<16xf32>
          %sub3A_353 = arith.constant 0x4B400000 : f32
          %sub3A_354 = vector.broadcast %sub3A_353 : f32 to vector<16xf32>
          %sub3A_355 = arith.subf %add3A_352, %sub3A_354 : vector<16xf32>
          %mul3A_356 = arith.constant 6.28318548 : f32
          %mul3A_357 = vector.broadcast %mul3A_356 : f32 to vector<16xf32>
          %mul3A_358 = arith.mulf %sub3A_355, %mul3A_357 : vector<16xf32>
          %sub3A_359 = arith.subf %sub3A_346, %mul3A_358 : vector<16xf32>
          %mul3A_360 = arith.mulf %sub3A_359, %sub3A_359 : vector<16xf32>
          %mul3A_361 = arith.mulf %mul3A_360, %mul3A_360 : vector<16xf32>
          %mul3A_362 = arith.constant -0.166630894 : f32
          %mul3A_363 = vector.broadcast %mul3A_362 : f32 to vector<16xf32>
          %mul3A_364 = arith.mulf %mul3A_363, %mul3A_360 : vector<16xf32>
          %add3A_365 = arith.constant 0.999983608 : f32
          %add3A_366 = vector.broadcast %add3A_365 : f32 to vector<16xf32>
          %add3A_367 = arith.addf %add3A_366, %mul3A_364 : vector<16xf32>
          %mul3A_368 = arith.constant -1.93037107E-4 : f32
          %mul3A_369 = vector.broadcast %mul3A_368 : f32 to vector<16xf32>
          %mul3A_370 = arith.mulf %mul3A_369, %mul3A_360 : vector<16xf32>
          %add3A_371 = arith.constant 0.00831161811 : f32
          %add3A_372 = vector.broadcast %add3A_371 : f32 to vector<16xf32>
          %add3A_373 = arith.addf %add3A_372, %mul3A_370 : vector<16xf32>
          %mul3A_374 = arith.constant 2.1665835E-6 : f32
          %mul3A_375 = vector.broadcast %mul3A_374 : f32 to vector<16xf32>
          %mul3A_376 = arith.mulf %mul3A_361, %mul3A_375 : vector<16xf32>
          %add3A_377 = arith.addf %add3A_373, %mul3A_376 : vector<16xf32>
          %mul3A_378 = arith.mulf %mul3A_361, %add3A_377 : vector<16xf32>
          %add3A_379 = arith.addf %add3A_367, %mul3A_378 : vector<16xf32>
          %mul3A_380 = arith.mulf %sub3A_359, %add3A_379 : vector<16xf32>
          %mul3A_381 = arith.mulf %get3A_237, %mul3A_380 : vector<16xf32>
          %swap3A = arith.index_cast %add3A_171 : i32 to index
          %swap3A_382 = tpu.vector_load %arg12[%swap3A] {strides = array<i32>} : memref<2560xf32, #tpu.memory_space<vmem>>, vector<16xf32>,
          tpu.vector_store %arg12[%swap3A], %mul3A_273 {strides = array<i32>} : memref<2560xf32, #tpu.memory_space<vmem>>, vector<16xf32>,
          %neg3A = arith.constant 0.000000e+00 : f32
          %neg3A_383 = vector.broadcast %neg3A : f32 to vector<16xf32>
          %neg3A_384 = arith.subf %neg3A_383, %mul3A_273 : vector<16xf32>
          %swap3A_385 = arith.index_cast %add3A_177 : i32 to index
          %swap3A_386 = tpu.vector_load %arg12[%swap3A_385] {strides = array<i32>} : memref<2560xf32, #tpu.memory_space<vmem>>, vector<16xf32>,
          tpu.vector_store %arg12[%swap3A_385], %neg3A_384 {strides = array<i32>} : memref<2560xf32, #tpu.memory_space<vmem>>, vector<16xf32>,
          %swap3A_387 = arith.index_cast %add3A_187 : i32 to index
          %swap3A_388 = tpu.vector_load %arg12[%swap3A_387] {strides = array<i32>} : memref<2560xf32, #tpu.memory_space<vmem>>, vector<16xf32>,
          tpu.vector_store %arg12[%swap3A_387], %mul3A_309 {strides = array<i32>} : memref<2560xf32, #tpu.memory_space<vmem>>, vector<16xf32>,
          %neg3A_389 = arith.constant 0.000000e+00 : f32
          %neg3A_390 = vector.broadcast %neg3A_389 : f32 to vector<16xf32>
          %neg3A_391 = arith.subf %neg3A_390, %mul3A_309 : vector<16xf32>
          %swap3A_392 = arith.index_cast %add3A_193 : i32 to index
          %swap3A_393 = tpu.vector_load %arg12[%swap3A_392] {strides = array<i32>} : memref<2560xf32, #tpu.memory_space<vmem>>, vector<16xf32>,
          tpu.vector_store %arg12[%swap3A_392], %neg3A_391 {strides = array<i32>} : memref<2560xf32, #tpu.memory_space<vmem>>, vector<16xf32>,
          %swap3A_394 = arith.index_cast %add3A_205 : i32 to index
          %swap3A_395 = tpu.vector_load %arg12[%swap3A_394] {strides = array<i32>} : memref<2560xf32, #tpu.memory_space<vmem>>, vector<16xf32>,
          tpu.vector_store %arg12[%swap3A_394], %mul3A_345 {strides = array<i32>} : memref<2560xf32, #tpu.memory_space<vmem>>, vector<16xf32>,
          %neg3A_396 = arith.constant 0.000000e+00 : f32
          %neg3A_397 = vector.broadcast %neg3A_396 : f32 to vector<16xf32>
          %neg3A_398 = arith.subf %neg3A_397, %mul3A_345 : vector<16xf32>
          %swap3A_399 = arith.index_cast %add3A_211 : i32 to index
          %swap3A_400 = tpu.vector_load %arg12[%swap3A_399] {strides = array<i32>} : memref<2560xf32, #tpu.memory_space<vmem>>, vector<16xf32>,
          tpu.vector_store %arg12[%swap3A_399], %neg3A_398 {strides = array<i32>} : memref<2560xf32, #tpu.memory_space<vmem>>, vector<16xf32>,
          %swap3A_401 = arith.index_cast %add3A_223 : i32 to index
          %swap3A_402 = tpu.vector_load %arg12[%swap3A_401] {strides = array<i32>} : memref<2560xf32, #tpu.memory_space<vmem>>, vector<16xf32>,
          tpu.vector_store %arg12[%swap3A_401], %mul3A_381 {strides = array<i32>} : memref<2560xf32, #tpu.memory_space<vmem>>, vector<16xf32>,
          %neg3A_403 = arith.constant 0.000000e+00 : f32
          %neg3A_404 = vector.broadcast %neg3A_403 : f32 to vector<16xf32>
          %neg3A_405 = arith.subf %neg3A_404, %mul3A_381 : vector<16xf32>
          %swap3A_406 = arith.index_cast %add3A_229 : i32 to index
          %swap3A_407 = tpu.vector_load %arg12[%swap3A_406] {strides = array<i32>} : memref<2560xf32, #tpu.memory_space<vmem>>, vector<16xf32>,
          tpu.vector_store %arg12[%swap3A_406], %neg3A_405 {strides = array<i32>} : memref<2560xf32, #tpu.memory_space<vmem>>, vector<16xf32>,
          %scan3A_408 = arith.constant 1 : i32
          %scan3A_409 = arith.addi %scan3A_167, %scan3A_408 : i32
          %mul3A_410 = arith.constant 64 : i32
          %mul3A_411 = arith.muli %scan3A_409, %mul3A_410 : i32
          %add3A_412 = arith.constant 0 : i32
          %add3A_413 = arith.addi %mul3A_411, %add3A_412 : i32
          %mul3A_414 = arith.constant 64 : i32
          %mul3A_415 = arith.muli %scan3A_409, %mul3A_414 : i32
          %add3A_416 = arith.constant 1280 : i32
          %add3A_417 = arith.addi %add3A_416, %mul3A_415 : i32
          %add3A_418 = arith.constant 0 : i32
          %add3A_419 = arith.addi %add3A_417, %add3A_418 : i32
          %get3A_420 = arith.index_cast %add3A_413 : i32 to index
          %get3A_421 = tpu.vector_load %arg9[%get3A_420] {strides = array<i32>} : memref<2560xi32, #tpu.memory_space<vmem>>, vector<16xi32>,
          %get3A_422 = arith.index_cast %add3A_419 : i32 to index
          %get3A_423 = tpu.vector_load %arg9[%get3A_422] {strides = array<i32>} : memref<2560xi32, #tpu.memory_space<vmem>>, vector<16xi32>,
          %gather3A_424 = tpu.vector_load_idx %arg7[%get3A_421] : memref<100000xf32, #tpu.memory_space<vmem>>[vector<16xi32>], vector<16xf32>,
          %gather3A_425 = tpu.vector_load_idx %arg7[%get3A_423] : memref<100000xf32, #tpu.memory_space<vmem>>[vector<16xi32>], vector<16xf32>,
          %get3A_426 = arith.index_cast %add3A_413 : i32 to index
          %get3A_427 = tpu.vector_load %arg15[%get3A_426] {strides = array<i32>} : memref<1280xf32, #tpu.memory_space<vmem>>, vector<16xf32>,
          %mul3A_428 = arith.constant 64 : i32
          %mul3A_429 = arith.muli %scan3A_409, %mul3A_428 : i32
          %add3A_430 = arith.constant 16 : i32
          %add3A_431 = arith.addi %mul3A_429, %add3A_430 : i32
          %mul3A_432 = arith.constant 64 : i32
          %mul3A_433 = arith.muli %scan3A_409, %mul3A_432 : i32
          %add3A_434 = arith.constant 1280 : i32
          %add3A_435 = arith.addi %add3A_434, %mul3A_433 : i32
          %add3A_436 = arith.constant 16 : i32
          %add3A_437 = arith.addi %add3A_435, %add3A_436 : i32
          %get3A_438 = arith.index_cast %add3A_431 : i32 to index
          %get3A_439 = tpu.vector_load %arg9[%get3A_438] {strides = array<i32>} : memref<2560xi32, #tpu.memory_space<vmem>>, vector<16xi32>,
          %get3A_440 = arith.index_cast %add3A_437 : i32 to index
          %get3A_441 = tpu.vector_load %arg9[%get3A_440] {strides = array<i32>} : memref<2560xi32, #tpu.memory_space<vmem>>, vector<16xi32>,
          %gather3A_442 = tpu.vector_load_idx %arg7[%get3A_439] : memref<100000xf32, #tpu.memory_space<vmem>>[vector<16xi32>], vector<16xf32>,
          %gather3A_443 = tpu.vector_load_idx %arg7[%get3A_441] : memref<100000xf32, #tpu.memory_space<vmem>>[vector<16xi32>], vector<16xf32>,
          %get3A_444 = arith.index_cast %add3A_431 : i32 to index
          %get3A_445 = tpu.vector_load %arg15[%get3A_444] {strides = array<i32>} : memref<1280xf32, #tpu.memory_space<vmem>>, vector<16xf32>,
          %mul3A_446 = arith.constant 64 : i32
          %mul3A_447 = arith.muli %scan3A_409, %mul3A_446 : i32
          %add3A_448 = arith.constant 32 : i32
          %add3A_449 = arith.addi %mul3A_447, %add3A_448 : i32
          %mul3A_450 = arith.constant 64 : i32
          %mul3A_451 = arith.muli %scan3A_409, %mul3A_450 : i32
          %add3A_452 = arith.constant 1280 : i32
          %add3A_453 = arith.addi %add3A_452, %mul3A_451 : i32
          %add3A_454 = arith.constant 32 : i32
          %add3A_455 = arith.addi %add3A_453, %add3A_454 : i32
          %get3A_456 = arith.index_cast %add3A_449 : i32 to index
          %get3A_457 = tpu.vector_load %arg9[%get3A_456] {strides = array<i32>} : memref<2560xi32, #tpu.memory_space<vmem>>, vector<16xi32>,
          %get3A_458 = arith.index_cast %add3A_455 : i32 to index
          %get3A_459 = tpu.vector_load %arg9[%get3A_458] {strides = array<i32>} : memref<2560xi32, #tpu.memory_space<vmem>>, vector<16xi32>,
          %gather3A_460 = tpu.vector_load_idx %arg7[%get3A_457] : memref<100000xf32, #tpu.memory_space<vmem>>[vector<16xi32>], vector<16xf32>,
          %gather3A_461 = tpu.vector_load_idx %arg7[%get3A_459] : memref<100000xf32, #tpu.memory_space<vmem>>[vector<16xi32>], vector<16xf32>,
          %get3A_462 = arith.index_cast %add3A_449 : i32 to index
          %get3A_463 = tpu.vector_load %arg15[%get3A_462] {strides = array<i32>} : memref<1280xf32, #tpu.memory_space<vmem>>, vector<16xf32>,
          %mul3A_464 = arith.constant 64 : i32
          %mul3A_465 = arith.muli %scan3A_409, %mul3A_464 : i32
          %add3A_466 = arith.constant 48 : i32
          %add3A_467 = arith.addi %mul3A_465, %add3A_466 : i32
          %mul3A_468 = arith.constant 64 : i32
          %mul3A_469 = arith.muli %scan3A_409, %mul3A_468 : i32
          %add3A_470 = arith.constant 1280 : i32
          %add3A_471 = arith.addi %add3A_470, %mul3A_469 : i32
          %add3A_472 = arith.constant 48 : i32
          %add3A_473 = arith.addi %add3A_471, %add3A_472 : i32
          %get3A_474 = arith.index_cast %add3A_467 : i32 to index
          %get3A_475 = tpu.vector_load %arg9[%get3A_474] {strides = array<i32>} : memref<2560xi32, #tpu.memory_space<vmem>>, vector<16xi32>,
          %get3A_476 = arith.index_cast %add3A_473 : i32 to index
          %get3A_477 = tpu.vector_load %arg9[%get3A_476] {strides = array<i32>} : memref<2560xi32, #tpu.memory_space<vmem>>, vector<16xi32>,
          %gather3A_478 = tpu.vector_load_idx %arg7[%get3A_475] : memref<100000xf32, #tpu.memory_space<vmem>>[vector<16xi32>], vector<16xf32>,
          %gather3A_479 = tpu.vector_load_idx %arg7[%get3A_477] : memref<100000xf32, #tpu.memory_space<vmem>>[vector<16xi32>], vector<16xf32>,
          %get3A_480 = arith.index_cast %add3A_467 : i32 to index
          %get3A_481 = tpu.vector_load %arg15[%get3A_480] {strides = array<i32>} : memref<1280xf32, #tpu.memory_space<vmem>>, vector<16xf32>,
          %sub3A_482 = arith.subf %gather3A_425, %gather3A_424 : vector<16xf32>
          %mul3A_483 = arith.constant 0.159154937 : f32
          %mul3A_484 = vector.broadcast %mul3A_483 : f32 to vector<16xf32>
          %mul3A_485 = arith.mulf %sub3A_482, %mul3A_484 : vector<16xf32>
          %add3A_486 = arith.constant 0x4B400000 : f32
          %add3A_487 = vector.broadcast %add3A_486 : f32 to vector<16xf32>
          %add3A_488 = arith.addf %mul3A_485, %add3A_487 : vector<16xf32>
          %sub3A_489 = arith.constant 0x4B400000 : f32
          %sub3A_490 = vector.broadcast %sub3A_489 : f32 to vector<16xf32>
          %sub3A_491 = arith.subf %add3A_488, %sub3A_490 : vector<16xf32>
          %mul3A_492 = arith.constant 6.28318548 : f32
          %mul3A_493 = vector.broadcast %mul3A_492 : f32 to vector<16xf32>
          %mul3A_494 = arith.mulf %sub3A_491, %mul3A_493 : vector<16xf32>
          %sub3A_495 = arith.subf %sub3A_482, %mul3A_494 : vector<16xf32>
          %mul3A_496 = arith.mulf %sub3A_495, %sub3A_495 : vector<16xf32>
          %mul3A_497 = arith.mulf %mul3A_496, %mul3A_496 : vector<16xf32>
          %mul3A_498 = arith.constant -0.166630894 : f32
          %mul3A_499 = vector.broadcast %mul3A_498 : f32 to vector<16xf32>
          %mul3A_500 = arith.mulf %mul3A_499, %mul3A_496 : vector<16xf32>
          %add3A_501 = arith.constant 0.999983608 : f32
          %add3A_502 = vector.broadcast %add3A_501 : f32 to vector<16xf32>
          %add3A_503 = arith.addf %add3A_502, %mul3A_500 : vector<16xf32>
          %mul3A_504 = arith.constant -1.93037107E-4 : f32
          %mul3A_505 = vector.broadcast %mul3A_504 : f32 to vector<16xf32>
          %mul3A_506 = arith.mulf %mul3A_505, %mul3A_496 : vector<16xf32>
          %add3A_507 = arith.constant 0.00831161811 : f32
          %add3A_508 = vector.broadcast %add3A_507 : f32 to vector<16xf32>
          %add3A_509 = arith.addf %add3A_508, %mul3A_506 : vector<16xf32>
          %mul3A_510 = arith.constant 2.1665835E-6 : f32
          %mul3A_511 = vector.broadcast %mul3A_510 : f32 to vector<16xf32>
          %mul3A_512 = arith.mulf %mul3A_497, %mul3A_511 : vector<16xf32>
          %add3A_513 = arith.addf %add3A_509, %mul3A_512 : vector<16xf32>
          %mul3A_514 = arith.mulf %mul3A_497, %add3A_513 : vector<16xf32>
          %add3A_515 = arith.addf %add3A_503, %mul3A_514 : vector<16xf32>
          %mul3A_516 = arith.mulf %sub3A_495, %add3A_515 : vector<16xf32>
          %mul3A_517 = arith.mulf %get3A_427, %mul3A_516 : vector<16xf32>
          %sub3A_518 = arith.subf %gather3A_443, %gather3A_442 : vector<16xf32>
          %mul3A_519 = arith.constant 0.159154937 : f32
          %mul3A_520 = vector.broadcast %mul3A_519 : f32 to vector<16xf32>
          %mul3A_521 = arith.mulf %sub3A_518, %mul3A_520 : vector<16xf32>
          %add3A_522 = arith.constant 0x4B400000 : f32
          %add3A_523 = vector.broadcast %add3A_522 : f32 to vector<16xf32>
          %add3A_524 = arith.addf %mul3A_521, %add3A_523 : vector<16xf32>
          %sub3A_525 = arith.constant 0x4B400000 : f32
          %sub3A_526 = vector.broadcast %sub3A_525 : f32 to vector<16xf32>
          %sub3A_527 = arith.subf %add3A_524, %sub3A_526 : vector<16xf32>
          %mul3A_528 = arith.constant 6.28318548 : f32
          %mul3A_529 = vector.broadcast %mul3A_528 : f32 to vector<16xf32>
          %mul3A_530 = arith.mulf %sub3A_527, %mul3A_529 : vector<16xf32>
          %sub3A_531 = arith.subf %sub3A_518, %mul3A_530 : vector<16xf32>
          %mul3A_532 = arith.mulf %sub3A_531, %sub3A_531 : vector<16xf32>
          %mul3A_533 = arith.mulf %mul3A_532, %mul3A_532 : vector<16xf32>
          %mul3A_534 = arith.constant -0.166630894 : f32
          %mul3A_535 = vector.broadcast %mul3A_534 : f32 to vector<16xf32>
          %mul3A_536 = arith.mulf %mul3A_535, %mul3A_532 : vector<16xf32>
          %add3A_537 = arith.constant 0.999983608 : f32
          %add3A_538 = vector.broadcast %add3A_537 : f32 to vector<16xf32>
          %add3A_539 = arith.addf %add3A_538, %mul3A_536 : vector<16xf32>
          %mul3A_540 = arith.constant -1.93037107E-4 : f32
          %mul3A_541 = vector.broadcast %mul3A_540 : f32 to vector<16xf32>
          %mul3A_542 = arith.mulf %mul3A_541, %mul3A_532 : vector<16xf32>
          %add3A_543 = arith.constant 0.00831161811 : f32
          %add3A_544 = vector.broadcast %add3A_543 : f32 to vector<16xf32>
          %add3A_545 = arith.addf %add3A_544, %mul3A_542 : vector<16xf32>
          %mul3A_546 = arith.constant 2.1665835E-6 : f32
          %mul3A_547 = vector.broadcast %mul3A_546 : f32 to vector<16xf32>
          %mul3A_548 = arith.mulf %mul3A_533, %mul3A_547 : vector<16xf32>
          %add3A_549 = arith.addf %add3A_545, %mul3A_548 : vector<16xf32>
          %mul3A_550 = arith.mulf %mul3A_533, %add3A_549 : vector<16xf32>
          %add3A_551 = arith.addf %add3A_539, %mul3A_550 : vector<16xf32>
          %mul3A_552 = arith.mulf %sub3A_531, %add3A_551 : vector<16xf32>
          %mul3A_553 = arith.mulf %get3A_445, %mul3A_552 : vector<16xf32>
          %sub3A_554 = arith.subf %gather3A_461, %gather3A_460 : vector<16xf32>
          %mul3A_555 = arith.constant 0.159154937 : f32
          %mul3A_556 = vector.broadcast %mul3A_555 : f32 to vector<16xf32>
          %mul3A_557 = arith.mulf %sub3A_554, %mul3A_556 : vector<16xf32>
          %add3A_558 = arith.constant 0x4B400000 : f32
          %add3A_559 = vector.broadcast %add3A_558 : f32 to vector<16xf32>
          %add3A_560 = arith.addf %mul3A_557, %add3A_559 : vector<16xf32>
          %sub3A_561 = arith.constant 0x4B400000 : f32
          %sub3A_562 = vector.broadcast %sub3A_561 : f32 to vector<16xf32>
          %sub3A_563 = arith.subf %add3A_560, %sub3A_562 : vector<16xf32>
          %mul3A_564 = arith.constant 6.28318548 : f32
          %mul3A_565 = vector.broadcast %mul3A_564 : f32 to vector<16xf32>
          %mul3A_566 = arith.mulf %sub3A_563, %mul3A_565 : vector<16xf32>
          %sub3A_567 = arith.subf %sub3A_554, %mul3A_566 : vector<16xf32>
          %mul3A_568 = arith.mulf %sub3A_567, %sub3A_567 : vector<16xf32>
          %mul3A_569 = arith.mulf %mul3A_568, %mul3A_568 : vector<16xf32>
          %mul3A_570 = arith.constant -0.166630894 : f32
          %mul3A_571 = vector.broadcast %mul3A_570 : f32 to vector<16xf32>
          %mul3A_572 = arith.mulf %mul3A_571, %mul3A_568 : vector<16xf32>
          %add3A_573 = arith.constant 0.999983608 : f32
          %add3A_574 = vector.broadcast %add3A_573 : f32 to vector<16xf32>
          %add3A_575 = arith.addf %add3A_574, %mul3A_572 : vector<16xf32>
          %mul3A_576 = arith.constant -1.93037107E-4 : f32
          %mul3A_577 = vector.broadcast %mul3A_576 : f32 to vector<16xf32>
          %mul3A_578 = arith.mulf %mul3A_577, %mul3A_568 : vector<16xf32>
          %add3A_579 = arith.constant 0.00831161811 : f32
          %add3A_580 = vector.broadcast %add3A_579 : f32 to vector<16xf32>
          %add3A_581 = arith.addf %add3A_580, %mul3A_578 : vector<16xf32>
          %mul3A_582 = arith.constant 2.1665835E-6 : f32
          %mul3A_583 = vector.broadcast %mul3A_582 : f32 to vector<16xf32>
          %mul3A_584 = arith.mulf %mul3A_569, %mul3A_583 : vector<16xf32>
          %add3A_585 = arith.addf %add3A_581, %mul3A_584 : vector<16xf32>
          %mul3A_586 = arith.mulf %mul3A_569, %add3A_585 : vector<16xf32>
          %add3A_587 = arith.addf %add3A_575, %mul3A_586 : vector<16xf32>
          %mul3A_588 = arith.mulf %sub3A_567, %add3A_587 : vector<16xf32>
          %mul3A_589 = arith.mulf %get3A_463, %mul3A_588 : vector<16xf32>
          %sub3A_590 = arith.subf %gather3A_479, %gather3A_478 : vector<16xf32>
          %mul3A_591 = arith.constant 0.159154937 : f32
          %mul3A_592 = vector.broadcast %mul3A_591 : f32 to vector<16xf32>
          %mul3A_593 = arith.mulf %sub3A_590, %mul3A_592 : vector<16xf32>
          %add3A_594 = arith.constant 0x4B400000 : f32
          %add3A_595 = vector.broadcast %add3A_594 : f32 to vector<16xf32>
          %add3A_596 = arith.addf %mul3A_593, %add3A_595 : vector<16xf32>
          %sub3A_597 = arith.constant 0x4B400000 : f32
          %sub3A_598 = vector.broadcast %sub3A_597 : f32 to vector<16xf32>
          %sub3A_599 = arith.subf %add3A_596, %sub3A_598 : vector<16xf32>
          %mul3A_600 = arith.constant 6.28318548 : f32
          %mul3A_601 = vector.broadcast %mul3A_600 : f32 to vector<16xf32>
          %mul3A_602 = arith.mulf %sub3A_599, %mul3A_601 : vector<16xf32>
          %sub3A_603 = arith.subf %sub3A_590, %mul3A_602 : vector<16xf32>
          %mul3A_604 = arith.mulf %sub3A_603, %sub3A_603 : vector<16xf32>
          %mul3A_605 = arith.mulf %mul3A_604, %mul3A_604 : vector<16xf32>
          %mul3A_606 = arith.constant -0.166630894 : f32
          %mul3A_607 = vector.broadcast %mul3A_606 : f32 to vector<16xf32>
          %mul3A_608 = arith.mulf %mul3A_607, %mul3A_604 : vector<16xf32>
          %add3A_609 = arith.constant 0.999983608 : f32
          %add3A_610 = vector.broadcast %add3A_609 : f32 to vector<16xf32>
          %add3A_611 = arith.addf %add3A_610, %mul3A_608 : vector<16xf32>
          %mul3A_612 = arith.constant -1.93037107E-4 : f32
          %mul3A_613 = vector.broadcast %mul3A_612 : f32 to vector<16xf32>
          %mul3A_614 = arith.mulf %mul3A_613, %mul3A_604 : vector<16xf32>
          %add3A_615 = arith.constant 0.00831161811 : f32
          %add3A_616 = vector.broadcast %add3A_615 : f32 to vector<16xf32>
          %add3A_617 = arith.addf %add3A_616, %mul3A_614 : vector<16xf32>
          %mul3A_618 = arith.constant 2.1665835E-6 : f32
          %mul3A_619 = vector.broadcast %mul3A_618 : f32 to vector<16xf32>
          %mul3A_620 = arith.mulf %mul3A_605, %mul3A_619 : vector<16xf32>
          %add3A_621 = arith.addf %add3A_617, %mul3A_620 : vector<16xf32>
          %mul3A_622 = arith.mulf %mul3A_605, %add3A_621 : vector<16xf32>
          %add3A_623 = arith.addf %add3A_611, %mul3A_622 : vector<16xf32>
          %mul3A_624 = arith.mulf %sub3A_603, %add3A_623 : vector<16xf32>
          %mul3A_625 = arith.mulf %get3A_481, %mul3A_624 : vector<16xf32>
          %swap3A_626 = arith.index_cast %add3A_413 : i32 to index
          %swap3A_627 = tpu.vector_load %arg12[%swap3A_626] {strides = array<i32>} : memref<2560xf32, #tpu.memory_space<vmem>>, vector<16xf32>,
          tpu.vector_store %arg12[%swap3A_626], %mul3A_517 {strides = array<i32>} : memref<2560xf32, #tpu.memory_space<vmem>>, vector<16xf32>,
          %neg3A_628 = arith.constant 0.000000e+00 : f32
          %neg3A_629 = vector.broadcast %neg3A_628 : f32 to vector<16xf32>
          %neg3A_630 = arith.subf %neg3A_629, %mul3A_517 : vector<16xf32>
          %swap3A_631 = arith.index_cast %add3A_419 : i32 to index
          %swap3A_632 = tpu.vector_load %arg12[%swap3A_631] {strides = array<i32>} : memref<2560xf32, #tpu.memory_space<vmem>>, vector<16xf32>,
          tpu.vector_store %arg12[%swap3A_631], %neg3A_630 {strides = array<i32>} : memref<2560xf32, #tpu.memory_space<vmem>>, vector<16xf32>,
          %swap3A_633 = arith.index_cast %add3A_431 : i32 to index
          %swap3A_634 = tpu.vector_load %arg12[%swap3A_633] {strides = array<i32>} : memref<2560xf32, #tpu.memory_space<vmem>>, vector<16xf32>,
          tpu.vector_store %arg12[%swap3A_633], %mul3A_553 {strides = array<i32>} : memref<2560xf32, #tpu.memory_space<vmem>>, vector<16xf32>,
          %neg3A_635 = arith.constant 0.000000e+00 : f32
          %neg3A_636 = vector.broadcast %neg3A_635 : f32 to vector<16xf32>
          %neg3A_637 = arith.subf %neg3A_636, %mul3A_553 : vector<16xf32>
          %swap3A_638 = arith.index_cast %add3A_437 : i32 to index
          %swap3A_639 = tpu.vector_load %arg12[%swap3A_638] {strides = array<i32>} : memref<2560xf32, #tpu.memory_space<vmem>>, vector<16xf32>,
          tpu.vector_store %arg12[%swap3A_638], %neg3A_637 {strides = array<i32>} : memref<2560xf32, #tpu.memory_space<vmem>>, vector<16xf32>,
          %swap3A_640 = arith.index_cast %add3A_449 : i32 to index
          %swap3A_641 = tpu.vector_load %arg12[%swap3A_640] {strides = array<i32>} : memref<2560xf32, #tpu.memory_space<vmem>>, vector<16xf32>,
          tpu.vector_store %arg12[%swap3A_640], %mul3A_589 {strides = array<i32>} : memref<2560xf32, #tpu.memory_space<vmem>>, vector<16xf32>,
          %neg3A_642 = arith.constant 0.000000e+00 : f32
          %neg3A_643 = vector.broadcast %neg3A_642 : f32 to vector<16xf32>
          %neg3A_644 = arith.subf %neg3A_643, %mul3A_589 : vector<16xf32>
          %swap3A_645 = arith.index_cast %add3A_455 : i32 to index
          %swap3A_646 = tpu.vector_load %arg12[%swap3A_645] {strides = array<i32>} : memref<2560xf32, #tpu.memory_space<vmem>>, vector<16xf32>,
          tpu.vector_store %arg12[%swap3A_645], %neg3A_644 {strides = array<i32>} : memref<2560xf32, #tpu.memory_space<vmem>>, vector<16xf32>,
          %swap3A_647 = arith.index_cast %add3A_467 : i32 to index
          %swap3A_648 = tpu.vector_load %arg12[%swap3A_647] {strides = array<i32>} : memref<2560xf32, #tpu.memory_space<vmem>>, vector<16xf32>,
          tpu.vector_store %arg12[%swap3A_647], %mul3A_625 {strides = array<i32>} : memref<2560xf32, #tpu.memory_space<vmem>>, vector<16xf32>,
          %neg3A_649 = arith.constant 0.000000e+00 : f32
          %neg3A_650 = vector.broadcast %neg3A_649 : f32 to vector<16xf32>
          %neg3A_651 = arith.subf %neg3A_650, %mul3A_625 : vector<16xf32>
          %swap3A_652 = arith.index_cast %add3A_473 : i32 to index
          %swap3A_653 = tpu.vector_load %arg12[%swap3A_652] {strides = array<i32>} : memref<2560xf32, #tpu.memory_space<vmem>>, vector<16xf32>,
          tpu.vector_store %arg12[%swap3A_652], %neg3A_651 {strides = array<i32>} : memref<2560xf32, #tpu.memory_space<vmem>>, vector<16xf32>,
        }
        %scan3A_165 = arith.constant 20 : i32
        %dma_start3A = arith.constant 0 : i32
        %dma_start3A_166 = tpu.memref_slice %arg17[%dma_start3A] : memref<100352xf32, #tpu.memory_space<vmem_shared>> -> memref<100352xf32, #tpu.memory_space<vmem_shared>>
        tpu.enqueue_indirect_dma source(%arg12 : memref<2560xf32, #tpu.memory_space<vmem>>) target(%dma_start3A_166 : memref<100352xf32, #tpu.memory_space<vmem_shared>>) offsets(%arg9 : memref<2560xi32, #tpu.memory_space<vmem>>) semaphore(%arg22 : memref<!tpu.dma_semaphore, #tpu.memory_space<semaphore_mem>>) {add = true}
      } else {
      }
      %ge3A_78 = arith.constant 1 : i32
      %ge3A_79 = arith.cmpi sge, %add3A_69, %ge3A_78 : i32
      %sub3A_80 = arith.constant 1 : i32
      %sub3A_81 = arith.subi %add3A_69, %sub3A_80 : i32
      %mul3A_82 = arith.constant 32 : i32
      %mul3A_83 = arith.muli %sub3A_81, %mul3A_82 : i32
      %add3A_84 = arith.addi %mul3A_83, %add3A : i32
      %lt3A_85 = arith.constant 5000 : i32
      %lt3A_86 = arith.cmpi slt, %add3A_84, %lt3A_85 : i32
      %and3A_87 = arith.andi %ge3A_79, %lt3A_86 : i1
      %convert_element_type3A_88 = arith.extui %and3A_87 : i1 to i32
      %cond3A_89 = arith.constant 0 : i32
      %cond3A_90 = arith.cmpi ne, %convert_element_type3A_88, %cond3A_89 : i32
      scf.if %cond3A_90 {
        %dma_wait3A = arith.constant 0 : i32
        %dma_wait3A_136 = tpu.memref_slice %arg17[%dma_wait3A] : memref<100352xf32, #tpu.memory_space<vmem_shared>> -> memref<100352xf32, #tpu.memory_space<vmem_shared>>
        tpu.wait_indirect_dma semaphore(%arg21 : memref<!tpu.dma_semaphore, #tpu.memory_space<semaphore_mem>>) src(%arg11 : memref<2560xf32, #tpu.memory_space<vmem>>) dst(%dma_wait3A_136 : memref<100352xf32, #tpu.memory_space<vmem_shared>>)
      } else {
      }
      %add3A_91 = arith.constant 2 : i32
      %add3A_92 = arith.addi %add3A_69, %add3A_91 : i32
      %mul3A_93 = arith.constant 32 : i32
      %mul3A_94 = arith.muli %add3A_92, %mul3A_93 : i32
      %add3A_95 = arith.addi %mul3A_94, %add3A : i32
      %lt3A_96 = arith.constant 5000 : i32
      %lt3A_97 = arith.cmpi slt, %add3A_95, %lt3A_96 : i32
      %convert_element_type3A_98 = arith.extui %lt3A_97 : i1 to i32
      %cond3A_99 = arith.constant 0 : i32
      %cond3A_100 = arith.cmpi ne, %convert_element_type3A_98, %cond3A_99 : i32
      scf.if %cond3A_100 {
        %mul3A_136 = arith.constant 32 : i32
        %mul3A_137 = arith.muli %add3A_92, %mul3A_136 : i32
        %add3A_138 = arith.addi %mul3A_137, %add3A : i32
        %mul3A_139 = arith.constant 1280 : i32
        %mul3A_140 = arith.muli %add3A_138, %mul3A_139 : i32
        %dma_start3A = arith.constant 0 : i32
        %dma_start3A_141 = arith.constant 0 : i32
        %dma_start3A_142 = tpu.memref_slice %arg8[%dma_start3A_141] : memref<2560xi32, #tpu.memory_space<vmem>> -> memref<1280xi32, #tpu.memory_space<vmem>>
        %dma_start3A_143 = tpu.memref_slice %arg3[%dma_start3A, %mul3A_140] : memref<2x6400000xi32, #tpu.memory_space<hbm>> -> memref<1x1280xi32, #tpu.memory_space<hbm>>
        %dma_start3A_144 = tpu.memref_squeeze %dma_start3A_143 : memref<1x1280xi32, #tpu.memory_space<hbm>> -> memref<1280xi32, #tpu.memory_space<hbm>>
        %dma_start3A_145 = arith.constant 0 : i32
        %dma_start3A_146 = tpu.memref_slice %arg8[%dma_start3A_145] : memref<2560xi32, #tpu.memory_space<vmem>> -> memref<1280xi32, #tpu.memory_space<vmem>>
        %dma_start3A_147 = tpu.memref_slice %arg3[%dma_start3A, %mul3A_140] : memref<2x6400000xi32, #tpu.memory_space<hbm>> -> memref<1x1280xi32, #tpu.memory_space<hbm>>
        %dma_start3A_148 = tpu.memref_squeeze %dma_start3A_147 : memref<1x1280xi32, #tpu.memory_space<hbm>> -> memref<1280xi32, #tpu.memory_space<hbm>>
        tpu.enqueue_dma source(%dma_start3A_148 : memref<1280xi32, #tpu.memory_space<hbm>>) target(%dma_start3A_146 : memref<1280xi32, #tpu.memory_space<vmem>>) target_semaphore(%arg18 : memref<!tpu.dma_semaphore, #tpu.memory_space<semaphore_mem>>)
        %dma_start3A_149 = arith.constant 1 : i32
        %dma_start3A_150 = arith.constant 1280 : i32
        %dma_start3A_151 = tpu.memref_slice %arg8[%dma_start3A_150] : memref<2560xi32, #tpu.memory_space<vmem>> -> memref<1280xi32, #tpu.memory_space<vmem>>
        %dma_start3A_152 = tpu.memref_slice %arg3[%dma_start3A_149, %mul3A_140] : memref<2x6400000xi32, #tpu.memory_space<hbm>> -> memref<1x1280xi32, #tpu.memory_space<hbm>>
        %dma_start3A_153 = tpu.memref_squeeze %dma_start3A_152 : memref<1x1280xi32, #tpu.memory_space<hbm>> -> memref<1280xi32, #tpu.memory_space<hbm>>
        %dma_start3A_154 = arith.constant 1280 : i32
        %dma_start3A_155 = tpu.memref_slice %arg8[%dma_start3A_154] : memref<2560xi32, #tpu.memory_space<vmem>> -> memref<1280xi32, #tpu.memory_space<vmem>>
        %dma_start3A_156 = tpu.memref_slice %arg3[%dma_start3A_149, %mul3A_140] : memref<2x6400000xi32, #tpu.memory_space<hbm>> -> memref<1x1280xi32, #tpu.memory_space<hbm>>
        %dma_start3A_157 = tpu.memref_squeeze %dma_start3A_156 : memref<1x1280xi32, #tpu.memory_space<hbm>> -> memref<1280xi32, #tpu.memory_space<hbm>>
        tpu.enqueue_dma source(%dma_start3A_157 : memref<1280xi32, #tpu.memory_space<hbm>>) target(%dma_start3A_155 : memref<1280xi32, #tpu.memory_space<vmem>>) target_semaphore(%arg18 : memref<!tpu.dma_semaphore, #tpu.memory_space<semaphore_mem>>)
        %dma_start3A_158 = tpu.memref_slice %arg4[%mul3A_140] : memref<6400000xf32, #tpu.memory_space<hbm>> -> memref<1280xf32, #tpu.memory_space<hbm>>
        %dma_start3A_159 = tpu.memref_slice %arg4[%mul3A_140] : memref<6400000xf32, #tpu.memory_space<hbm>> -> memref<1280xf32, #tpu.memory_space<hbm>>
        tpu.enqueue_dma source(%dma_start3A_159 : memref<1280xf32, #tpu.memory_space<hbm>>) target(%arg14 : memref<1280xf32, #tpu.memory_space<vmem>>) target_semaphore(%arg18 : memref<!tpu.dma_semaphore, #tpu.memory_space<semaphore_mem>>)
      } else {
      }
      %mul3A_101 = arith.constant 3 : i32
      %mul3A_102 = arith.muli %scan3A_33, %mul3A_101 : i32
      %add3A_103 = arith.constant 2 : i32
      %add3A_104 = arith.addi %mul3A_102, %add3A_103 : i32
      %mul3A_105 = arith.constant 32 : i32
      %mul3A_106 = arith.muli %add3A_104, %mul3A_105 : i32
      %add3A_107 = arith.addi %mul3A_106, %add3A : i32
      %lt3A_108 = arith.constant 5000 : i32
      %lt3A_109 = arith.cmpi slt, %add3A_107, %lt3A_108 : i32
      %convert_element_type3A_110 = arith.extui %lt3A_109 : i1 to i32
      %cond3A_111 = arith.constant 0 : i32
      %cond3A_112 = arith.cmpi ne, %convert_element_type3A_110, %cond3A_111 : i32
      scf.if %cond3A_112 {
        %mul3A_136 = arith.constant 32 : i32
        %mul3A_137 = arith.muli %add3A_104, %mul3A_136 : i32
        %add3A_138 = arith.addi %mul3A_137, %add3A : i32
        %mul3A_139 = arith.constant 1280 : i32
        %mul3A_140 = arith.muli %add3A_138, %mul3A_139 : i32
        %dma_wait3A = arith.constant 0 : i32
        %dma_wait3A_141 = arith.constant 0 : i32
        %dma_wait3A_142 = tpu.memref_slice %arg10[%dma_wait3A_141] : memref<2560xi32, #tpu.memory_space<vmem>> -> memref<1280xi32, #tpu.memory_space<vmem>>
        %dma_wait3A_143 = tpu.memref_slice %arg3[%dma_wait3A, %mul3A_140] : memref<2x6400000xi32, #tpu.memory_space<hbm>> -> memref<1x1280xi32, #tpu.memory_space<hbm>>
        %dma_wait3A_144 = tpu.memref_squeeze %dma_wait3A_143 : memref<1x1280xi32, #tpu.memory_space<hbm>> -> memref<1280xi32, #tpu.memory_space<hbm>>
        %dma_wait3A_145 = arith.constant 0 : i32
        %dma_wait3A_146 = tpu.memref_slice %arg10[%dma_wait3A_145] : memref<2560xi32, #tpu.memory_space<vmem>> -> memref<1280xi32, #tpu.memory_space<vmem>>
        %dma_wait3A_147 = tpu.memref_slice %arg3[%dma_wait3A, %mul3A_140] : memref<2x6400000xi32, #tpu.memory_space<hbm>> -> memref<1x1280xi32, #tpu.memory_space<hbm>>
        %dma_wait3A_148 = tpu.memref_squeeze %dma_wait3A_147 : memref<1x1280xi32, #tpu.memory_space<hbm>> -> memref<1280xi32, #tpu.memory_space<hbm>>
        tpu.wait_dma2 semaphore(%arg20 : memref<!tpu.dma_semaphore, #tpu.memory_space<semaphore_mem>>) src(%dma_wait3A_148 : memref<1280xi32, #tpu.memory_space<hbm>>) dst(%dma_wait3A_146 : memref<1280xi32, #tpu.memory_space<vmem>>)
        %dma_wait3A_149 = arith.constant 1 : i32
        %dma_wait3A_150 = arith.constant 1280 : i32
        %dma_wait3A_151 = tpu.memref_slice %arg10[%dma_wait3A_150] : memref<2560xi32, #tpu.memory_space<vmem>> -> memref<1280xi32, #tpu.memory_space<vmem>>
        %dma_wait3A_152 = tpu.memref_slice %arg3[%dma_wait3A_149, %mul3A_140] : memref<2x6400000xi32, #tpu.memory_space<hbm>> -> memref<1x1280xi32, #tpu.memory_space<hbm>>
        %dma_wait3A_153 = tpu.memref_squeeze %dma_wait3A_152 : memref<1x1280xi32, #tpu.memory_space<hbm>> -> memref<1280xi32, #tpu.memory_space<hbm>>
        %dma_wait3A_154 = arith.constant 1280 : i32
        %dma_wait3A_155 = tpu.memref_slice %arg10[%dma_wait3A_154] : memref<2560xi32, #tpu.memory_space<vmem>> -> memref<1280xi32, #tpu.memory_space<vmem>>
        %dma_wait3A_156 = tpu.memref_slice %arg3[%dma_wait3A_149, %mul3A_140] : memref<2x6400000xi32, #tpu.memory_space<hbm>> -> memref<1x1280xi32, #tpu.memory_space<hbm>>
        %dma_wait3A_157 = tpu.memref_squeeze %dma_wait3A_156 : memref<1x1280xi32, #tpu.memory_space<hbm>> -> memref<1280xi32, #tpu.memory_space<hbm>>
        tpu.wait_dma2 semaphore(%arg20 : memref<!tpu.dma_semaphore, #tpu.memory_space<semaphore_mem>>) src(%dma_wait3A_157 : memref<1280xi32, #tpu.memory_space<hbm>>) dst(%dma_wait3A_155 : memref<1280xi32, #tpu.memory_space<vmem>>)
        %dma_wait3A_158 = tpu.memref_slice %arg4[%mul3A_140] : memref<6400000xf32, #tpu.memory_space<hbm>> -> memref<1280xf32, #tpu.memory_space<hbm>>
        %dma_wait3A_159 = tpu.memref_slice %arg4[%mul3A_140] : memref<6400000xf32, #tpu.memory_space<hbm>> -> memref<1280xf32, #tpu.memory_space<hbm>>
        tpu.wait_dma2 semaphore(%arg20 : memref<!tpu.dma_semaphore, #tpu.memory_space<semaphore_mem>>) src(%dma_wait3A_159 : memref<1280xf32, #tpu.memory_space<hbm>>) dst(%arg16 : memref<1280xf32, #tpu.memory_space<vmem>>)
        %scan3A_160 = arith.constant 0 : i32
        %scan3A_161 = arith.constant 0 : i32
        %scan3A_162 = arith.constant 20 : i32
        %scan3A_163 = arith.addi %scan3A_161, %scan3A_162 : i32
        %scan3A_164 = arith.constant 2 : i32
        scf.for %scan3A_167 = %scan3A_161 to %scan3A_163 step %scan3A_164  : i32 {
          %mul3A_168 = arith.constant 64 : i32
          %mul3A_169 = arith.muli %scan3A_167, %mul3A_168 : i32
          %add3A_170 = arith.constant 0 : i32
          %add3A_171 = arith.addi %mul3A_169, %add3A_170 : i32
          %mul3A_172 = arith.constant 64 : i32
          %mul3A_173 = arith.muli %scan3A_167, %mul3A_172 : i32
          %add3A_174 = arith.constant 1280 : i32
          %add3A_175 = arith.addi %add3A_174, %mul3A_173 : i32
          %add3A_176 = arith.constant 0 : i32
          %add3A_177 = arith.addi %add3A_175, %add3A_176 : i32
          %get3A = arith.index_cast %add3A_171 : i32 to index
          %get3A_178 = tpu.vector_load %arg10[%get3A] {strides = array<i32>} : memref<2560xi32, #tpu.memory_space<vmem>>, vector<16xi32>,
          %get3A_179 = arith.index_cast %add3A_177 : i32 to index
          %get3A_180 = tpu.vector_load %arg10[%get3A_179] {strides = array<i32>} : memref<2560xi32, #tpu.memory_space<vmem>>, vector<16xi32>,
          %gather3A = tpu.vector_load_idx %arg7[%get3A_178] : memref<100000xf32, #tpu.memory_space<vmem>>[vector<16xi32>], vector<16xf32>,
          %gather3A_181 = tpu.vector_load_idx %arg7[%get3A_180] : memref<100000xf32, #tpu.memory_space<vmem>>[vector<16xi32>], vector<16xf32>,
          %get3A_182 = arith.index_cast %add3A_171 : i32 to index
          %get3A_183 = tpu.vector_load %arg16[%get3A_182] {strides = array<i32>} : memref<1280xf32, #tpu.memory_space<vmem>>, vector<16xf32>,
          %mul3A_184 = arith.constant 64 : i32
          %mul3A_185 = arith.muli %scan3A_167, %mul3A_184 : i32
          %add3A_186 = arith.constant 16 : i32
          %add3A_187 = arith.addi %mul3A_185, %add3A_186 : i32
          %mul3A_188 = arith.constant 64 : i32
          %mul3A_189 = arith.muli %scan3A_167, %mul3A_188 : i32
          %add3A_190 = arith.constant 1280 : i32
          %add3A_191 = arith.addi %add3A_190, %mul3A_189 : i32
          %add3A_192 = arith.constant 16 : i32
          %add3A_193 = arith.addi %add3A_191, %add3A_192 : i32
          %get3A_194 = arith.index_cast %add3A_187 : i32 to index
          %get3A_195 = tpu.vector_load %arg10[%get3A_194] {strides = array<i32>} : memref<2560xi32, #tpu.memory_space<vmem>>, vector<16xi32>,
          %get3A_196 = arith.index_cast %add3A_193 : i32 to index
          %get3A_197 = tpu.vector_load %arg10[%get3A_196] {strides = array<i32>} : memref<2560xi32, #tpu.memory_space<vmem>>, vector<16xi32>,
          %gather3A_198 = tpu.vector_load_idx %arg7[%get3A_195] : memref<100000xf32, #tpu.memory_space<vmem>>[vector<16xi32>], vector<16xf32>,
          %gather3A_199 = tpu.vector_load_idx %arg7[%get3A_197] : memref<100000xf32, #tpu.memory_space<vmem>>[vector<16xi32>], vector<16xf32>,
          %get3A_200 = arith.index_cast %add3A_187 : i32 to index
          %get3A_201 = tpu.vector_load %arg16[%get3A_200] {strides = array<i32>} : memref<1280xf32, #tpu.memory_space<vmem>>, vector<16xf32>,
          %mul3A_202 = arith.constant 64 : i32
          %mul3A_203 = arith.muli %scan3A_167, %mul3A_202 : i32
          %add3A_204 = arith.constant 32 : i32
          %add3A_205 = arith.addi %mul3A_203, %add3A_204 : i32
          %mul3A_206 = arith.constant 64 : i32
          %mul3A_207 = arith.muli %scan3A_167, %mul3A_206 : i32
          %add3A_208 = arith.constant 1280 : i32
          %add3A_209 = arith.addi %add3A_208, %mul3A_207 : i32
          %add3A_210 = arith.constant 32 : i32
          %add3A_211 = arith.addi %add3A_209, %add3A_210 : i32
          %get3A_212 = arith.index_cast %add3A_205 : i32 to index
          %get3A_213 = tpu.vector_load %arg10[%get3A_212] {strides = array<i32>} : memref<2560xi32, #tpu.memory_space<vmem>>, vector<16xi32>,
          %get3A_214 = arith.index_cast %add3A_211 : i32 to index
          %get3A_215 = tpu.vector_load %arg10[%get3A_214] {strides = array<i32>} : memref<2560xi32, #tpu.memory_space<vmem>>, vector<16xi32>,
          %gather3A_216 = tpu.vector_load_idx %arg7[%get3A_213] : memref<100000xf32, #tpu.memory_space<vmem>>[vector<16xi32>], vector<16xf32>,
          %gather3A_217 = tpu.vector_load_idx %arg7[%get3A_215] : memref<100000xf32, #tpu.memory_space<vmem>>[vector<16xi32>], vector<16xf32>,
          %get3A_218 = arith.index_cast %add3A_205 : i32 to index
          %get3A_219 = tpu.vector_load %arg16[%get3A_218] {strides = array<i32>} : memref<1280xf32, #tpu.memory_space<vmem>>, vector<16xf32>,
          %mul3A_220 = arith.constant 64 : i32
          %mul3A_221 = arith.muli %scan3A_167, %mul3A_220 : i32
          %add3A_222 = arith.constant 48 : i32
          %add3A_223 = arith.addi %mul3A_221, %add3A_222 : i32
          %mul3A_224 = arith.constant 64 : i32
          %mul3A_225 = arith.muli %scan3A_167, %mul3A_224 : i32
          %add3A_226 = arith.constant 1280 : i32
          %add3A_227 = arith.addi %add3A_226, %mul3A_225 : i32
          %add3A_228 = arith.constant 48 : i32
          %add3A_229 = arith.addi %add3A_227, %add3A_228 : i32
          %get3A_230 = arith.index_cast %add3A_223 : i32 to index
          %get3A_231 = tpu.vector_load %arg10[%get3A_230] {strides = array<i32>} : memref<2560xi32, #tpu.memory_space<vmem>>, vector<16xi32>,
          %get3A_232 = arith.index_cast %add3A_229 : i32 to index
          %get3A_233 = tpu.vector_load %arg10[%get3A_232] {strides = array<i32>} : memref<2560xi32, #tpu.memory_space<vmem>>, vector<16xi32>,
          %gather3A_234 = tpu.vector_load_idx %arg7[%get3A_231] : memref<100000xf32, #tpu.memory_space<vmem>>[vector<16xi32>], vector<16xf32>,
          %gather3A_235 = tpu.vector_load_idx %arg7[%get3A_233] : memref<100000xf32, #tpu.memory_space<vmem>>[vector<16xi32>], vector<16xf32>,
          %get3A_236 = arith.index_cast %add3A_223 : i32 to index
          %get3A_237 = tpu.vector_load %arg16[%get3A_236] {strides = array<i32>} : memref<1280xf32, #tpu.memory_space<vmem>>, vector<16xf32>,
          %sub3A_238 = arith.subf %gather3A_181, %gather3A : vector<16xf32>
          %mul3A_239 = arith.constant 0.159154937 : f32
          %mul3A_240 = vector.broadcast %mul3A_239 : f32 to vector<16xf32>
          %mul3A_241 = arith.mulf %sub3A_238, %mul3A_240 : vector<16xf32>
          %add3A_242 = arith.constant 0x4B400000 : f32
          %add3A_243 = vector.broadcast %add3A_242 : f32 to vector<16xf32>
          %add3A_244 = arith.addf %mul3A_241, %add3A_243 : vector<16xf32>
          %sub3A_245 = arith.constant 0x4B400000 : f32
          %sub3A_246 = vector.broadcast %sub3A_245 : f32 to vector<16xf32>
          %sub3A_247 = arith.subf %add3A_244, %sub3A_246 : vector<16xf32>
          %mul3A_248 = arith.constant 6.28318548 : f32
          %mul3A_249 = vector.broadcast %mul3A_248 : f32 to vector<16xf32>
          %mul3A_250 = arith.mulf %sub3A_247, %mul3A_249 : vector<16xf32>
          %sub3A_251 = arith.subf %sub3A_238, %mul3A_250 : vector<16xf32>
          %mul3A_252 = arith.mulf %sub3A_251, %sub3A_251 : vector<16xf32>
          %mul3A_253 = arith.mulf %mul3A_252, %mul3A_252 : vector<16xf32>
          %mul3A_254 = arith.constant -0.166630894 : f32
          %mul3A_255 = vector.broadcast %mul3A_254 : f32 to vector<16xf32>
          %mul3A_256 = arith.mulf %mul3A_255, %mul3A_252 : vector<16xf32>
          %add3A_257 = arith.constant 0.999983608 : f32
          %add3A_258 = vector.broadcast %add3A_257 : f32 to vector<16xf32>
          %add3A_259 = arith.addf %add3A_258, %mul3A_256 : vector<16xf32>
          %mul3A_260 = arith.constant -1.93037107E-4 : f32
          %mul3A_261 = vector.broadcast %mul3A_260 : f32 to vector<16xf32>
          %mul3A_262 = arith.mulf %mul3A_261, %mul3A_252 : vector<16xf32>
          %add3A_263 = arith.constant 0.00831161811 : f32
          %add3A_264 = vector.broadcast %add3A_263 : f32 to vector<16xf32>
          %add3A_265 = arith.addf %add3A_264, %mul3A_262 : vector<16xf32>
          %mul3A_266 = arith.constant 2.1665835E-6 : f32
          %mul3A_267 = vector.broadcast %mul3A_266 : f32 to vector<16xf32>
          %mul3A_268 = arith.mulf %mul3A_253, %mul3A_267 : vector<16xf32>
          %add3A_269 = arith.addf %add3A_265, %mul3A_268 : vector<16xf32>
          %mul3A_270 = arith.mulf %mul3A_253, %add3A_269 : vector<16xf32>
          %add3A_271 = arith.addf %add3A_259, %mul3A_270 : vector<16xf32>
          %mul3A_272 = arith.mulf %sub3A_251, %add3A_271 : vector<16xf32>
          %mul3A_273 = arith.mulf %get3A_183, %mul3A_272 : vector<16xf32>
          %sub3A_274 = arith.subf %gather3A_199, %gather3A_198 : vector<16xf32>
          %mul3A_275 = arith.constant 0.159154937 : f32
          %mul3A_276 = vector.broadcast %mul3A_275 : f32 to vector<16xf32>
          %mul3A_277 = arith.mulf %sub3A_274, %mul3A_276 : vector<16xf32>
          %add3A_278 = arith.constant 0x4B400000 : f32
          %add3A_279 = vector.broadcast %add3A_278 : f32 to vector<16xf32>
          %add3A_280 = arith.addf %mul3A_277, %add3A_279 : vector<16xf32>
          %sub3A_281 = arith.constant 0x4B400000 : f32
          %sub3A_282 = vector.broadcast %sub3A_281 : f32 to vector<16xf32>
          %sub3A_283 = arith.subf %add3A_280, %sub3A_282 : vector<16xf32>
          %mul3A_284 = arith.constant 6.28318548 : f32
          %mul3A_285 = vector.broadcast %mul3A_284 : f32 to vector<16xf32>
          %mul3A_286 = arith.mulf %sub3A_283, %mul3A_285 : vector<16xf32>
          %sub3A_287 = arith.subf %sub3A_274, %mul3A_286 : vector<16xf32>
          %mul3A_288 = arith.mulf %sub3A_287, %sub3A_287 : vector<16xf32>
          %mul3A_289 = arith.mulf %mul3A_288, %mul3A_288 : vector<16xf32>
          %mul3A_290 = arith.constant -0.166630894 : f32
          %mul3A_291 = vector.broadcast %mul3A_290 : f32 to vector<16xf32>
          %mul3A_292 = arith.mulf %mul3A_291, %mul3A_288 : vector<16xf32>
          %add3A_293 = arith.constant 0.999983608 : f32
          %add3A_294 = vector.broadcast %add3A_293 : f32 to vector<16xf32>
          %add3A_295 = arith.addf %add3A_294, %mul3A_292 : vector<16xf32>
          %mul3A_296 = arith.constant -1.93037107E-4 : f32
          %mul3A_297 = vector.broadcast %mul3A_296 : f32 to vector<16xf32>
          %mul3A_298 = arith.mulf %mul3A_297, %mul3A_288 : vector<16xf32>
          %add3A_299 = arith.constant 0.00831161811 : f32
          %add3A_300 = vector.broadcast %add3A_299 : f32 to vector<16xf32>
          %add3A_301 = arith.addf %add3A_300, %mul3A_298 : vector<16xf32>
          %mul3A_302 = arith.constant 2.1665835E-6 : f32
          %mul3A_303 = vector.broadcast %mul3A_302 : f32 to vector<16xf32>
          %mul3A_304 = arith.mulf %mul3A_289, %mul3A_303 : vector<16xf32>
          %add3A_305 = arith.addf %add3A_301, %mul3A_304 : vector<16xf32>
          %mul3A_306 = arith.mulf %mul3A_289, %add3A_305 : vector<16xf32>
          %add3A_307 = arith.addf %add3A_295, %mul3A_306 : vector<16xf32>
          %mul3A_308 = arith.mulf %sub3A_287, %add3A_307 : vector<16xf32>
          %mul3A_309 = arith.mulf %get3A_201, %mul3A_308 : vector<16xf32>
          %sub3A_310 = arith.subf %gather3A_217, %gather3A_216 : vector<16xf32>
          %mul3A_311 = arith.constant 0.159154937 : f32
          %mul3A_312 = vector.broadcast %mul3A_311 : f32 to vector<16xf32>
          %mul3A_313 = arith.mulf %sub3A_310, %mul3A_312 : vector<16xf32>
          %add3A_314 = arith.constant 0x4B400000 : f32
          %add3A_315 = vector.broadcast %add3A_314 : f32 to vector<16xf32>
          %add3A_316 = arith.addf %mul3A_313, %add3A_315 : vector<16xf32>
          %sub3A_317 = arith.constant 0x4B400000 : f32
          %sub3A_318 = vector.broadcast %sub3A_317 : f32 to vector<16xf32>
          %sub3A_319 = arith.subf %add3A_316, %sub3A_318 : vector<16xf32>
          %mul3A_320 = arith.constant 6.28318548 : f32
          %mul3A_321 = vector.broadcast %mul3A_320 : f32 to vector<16xf32>
          %mul3A_322 = arith.mulf %sub3A_319, %mul3A_321 : vector<16xf32>
          %sub3A_323 = arith.subf %sub3A_310, %mul3A_322 : vector<16xf32>
          %mul3A_324 = arith.mulf %sub3A_323, %sub3A_323 : vector<16xf32>
          %mul3A_325 = arith.mulf %mul3A_324, %mul3A_324 : vector<16xf32>
          %mul3A_326 = arith.constant -0.166630894 : f32
          %mul3A_327 = vector.broadcast %mul3A_326 : f32 to vector<16xf32>
          %mul3A_328 = arith.mulf %mul3A_327, %mul3A_324 : vector<16xf32>
          %add3A_329 = arith.constant 0.999983608 : f32
          %add3A_330 = vector.broadcast %add3A_329 : f32 to vector<16xf32>
          %add3A_331 = arith.addf %add3A_330, %mul3A_328 : vector<16xf32>
          %mul3A_332 = arith.constant -1.93037107E-4 : f32
          %mul3A_333 = vector.broadcast %mul3A_332 : f32 to vector<16xf32>
          %mul3A_334 = arith.mulf %mul3A_333, %mul3A_324 : vector<16xf32>
          %add3A_335 = arith.constant 0.00831161811 : f32
          %add3A_336 = vector.broadcast %add3A_335 : f32 to vector<16xf32>
          %add3A_337 = arith.addf %add3A_336, %mul3A_334 : vector<16xf32>
          %mul3A_338 = arith.constant 2.1665835E-6 : f32
          %mul3A_339 = vector.broadcast %mul3A_338 : f32 to vector<16xf32>
          %mul3A_340 = arith.mulf %mul3A_325, %mul3A_339 : vector<16xf32>
          %add3A_341 = arith.addf %add3A_337, %mul3A_340 : vector<16xf32>
          %mul3A_342 = arith.mulf %mul3A_325, %add3A_341 : vector<16xf32>
          %add3A_343 = arith.addf %add3A_331, %mul3A_342 : vector<16xf32>
          %mul3A_344 = arith.mulf %sub3A_323, %add3A_343 : vector<16xf32>
          %mul3A_345 = arith.mulf %get3A_219, %mul3A_344 : vector<16xf32>
          %sub3A_346 = arith.subf %gather3A_235, %gather3A_234 : vector<16xf32>
          %mul3A_347 = arith.constant 0.159154937 : f32
          %mul3A_348 = vector.broadcast %mul3A_347 : f32 to vector<16xf32>
          %mul3A_349 = arith.mulf %sub3A_346, %mul3A_348 : vector<16xf32>
          %add3A_350 = arith.constant 0x4B400000 : f32
          %add3A_351 = vector.broadcast %add3A_350 : f32 to vector<16xf32>
          %add3A_352 = arith.addf %mul3A_349, %add3A_351 : vector<16xf32>
          %sub3A_353 = arith.constant 0x4B400000 : f32
          %sub3A_354 = vector.broadcast %sub3A_353 : f32 to vector<16xf32>
          %sub3A_355 = arith.subf %add3A_352, %sub3A_354 : vector<16xf32>
          %mul3A_356 = arith.constant 6.28318548 : f32
          %mul3A_357 = vector.broadcast %mul3A_356 : f32 to vector<16xf32>
          %mul3A_358 = arith.mulf %sub3A_355, %mul3A_357 : vector<16xf32>
          %sub3A_359 = arith.subf %sub3A_346, %mul3A_358 : vector<16xf32>
          %mul3A_360 = arith.mulf %sub3A_359, %sub3A_359 : vector<16xf32>
          %mul3A_361 = arith.mulf %mul3A_360, %mul3A_360 : vector<16xf32>
          %mul3A_362 = arith.constant -0.166630894 : f32
          %mul3A_363 = vector.broadcast %mul3A_362 : f32 to vector<16xf32>
          %mul3A_364 = arith.mulf %mul3A_363, %mul3A_360 : vector<16xf32>
          %add3A_365 = arith.constant 0.999983608 : f32
          %add3A_366 = vector.broadcast %add3A_365 : f32 to vector<16xf32>
          %add3A_367 = arith.addf %add3A_366, %mul3A_364 : vector<16xf32>
          %mul3A_368 = arith.constant -1.93037107E-4 : f32
          %mul3A_369 = vector.broadcast %mul3A_368 : f32 to vector<16xf32>
          %mul3A_370 = arith.mulf %mul3A_369, %mul3A_360 : vector<16xf32>
          %add3A_371 = arith.constant 0.00831161811 : f32
          %add3A_372 = vector.broadcast %add3A_371 : f32 to vector<16xf32>
          %add3A_373 = arith.addf %add3A_372, %mul3A_370 : vector<16xf32>
          %mul3A_374 = arith.constant 2.1665835E-6 : f32
          %mul3A_375 = vector.broadcast %mul3A_374 : f32 to vector<16xf32>
          %mul3A_376 = arith.mulf %mul3A_361, %mul3A_375 : vector<16xf32>
          %add3A_377 = arith.addf %add3A_373, %mul3A_376 : vector<16xf32>
          %mul3A_378 = arith.mulf %mul3A_361, %add3A_377 : vector<16xf32>
          %add3A_379 = arith.addf %add3A_367, %mul3A_378 : vector<16xf32>
          %mul3A_380 = arith.mulf %sub3A_359, %add3A_379 : vector<16xf32>
          %mul3A_381 = arith.mulf %get3A_237, %mul3A_380 : vector<16xf32>
          %swap3A = arith.index_cast %add3A_171 : i32 to index
          %swap3A_382 = tpu.vector_load %arg13[%swap3A] {strides = array<i32>} : memref<2560xf32, #tpu.memory_space<vmem>>, vector<16xf32>,
          tpu.vector_store %arg13[%swap3A], %mul3A_273 {strides = array<i32>} : memref<2560xf32, #tpu.memory_space<vmem>>, vector<16xf32>,
          %neg3A = arith.constant 0.000000e+00 : f32
          %neg3A_383 = vector.broadcast %neg3A : f32 to vector<16xf32>
          %neg3A_384 = arith.subf %neg3A_383, %mul3A_273 : vector<16xf32>
          %swap3A_385 = arith.index_cast %add3A_177 : i32 to index
          %swap3A_386 = tpu.vector_load %arg13[%swap3A_385] {strides = array<i32>} : memref<2560xf32, #tpu.memory_space<vmem>>, vector<16xf32>,
          tpu.vector_store %arg13[%swap3A_385], %neg3A_384 {strides = array<i32>} : memref<2560xf32, #tpu.memory_space<vmem>>, vector<16xf32>,
          %swap3A_387 = arith.index_cast %add3A_187 : i32 to index
          %swap3A_388 = tpu.vector_load %arg13[%swap3A_387] {strides = array<i32>} : memref<2560xf32, #tpu.memory_space<vmem>>, vector<16xf32>,
          tpu.vector_store %arg13[%swap3A_387], %mul3A_309 {strides = array<i32>} : memref<2560xf32, #tpu.memory_space<vmem>>, vector<16xf32>,
          %neg3A_389 = arith.constant 0.000000e+00 : f32
          %neg3A_390 = vector.broadcast %neg3A_389 : f32 to vector<16xf32>
          %neg3A_391 = arith.subf %neg3A_390, %mul3A_309 : vector<16xf32>
          %swap3A_392 = arith.index_cast %add3A_193 : i32 to index
          %swap3A_393 = tpu.vector_load %arg13[%swap3A_392] {strides = array<i32>} : memref<2560xf32, #tpu.memory_space<vmem>>, vector<16xf32>,
          tpu.vector_store %arg13[%swap3A_392], %neg3A_391 {strides = array<i32>} : memref<2560xf32, #tpu.memory_space<vmem>>, vector<16xf32>,
          %swap3A_394 = arith.index_cast %add3A_205 : i32 to index
          %swap3A_395 = tpu.vector_load %arg13[%swap3A_394] {strides = array<i32>} : memref<2560xf32, #tpu.memory_space<vmem>>, vector<16xf32>,
          tpu.vector_store %arg13[%swap3A_394], %mul3A_345 {strides = array<i32>} : memref<2560xf32, #tpu.memory_space<vmem>>, vector<16xf32>,
          %neg3A_396 = arith.constant 0.000000e+00 : f32
          %neg3A_397 = vector.broadcast %neg3A_396 : f32 to vector<16xf32>
          %neg3A_398 = arith.subf %neg3A_397, %mul3A_345 : vector<16xf32>
          %swap3A_399 = arith.index_cast %add3A_211 : i32 to index
          %swap3A_400 = tpu.vector_load %arg13[%swap3A_399] {strides = array<i32>} : memref<2560xf32, #tpu.memory_space<vmem>>, vector<16xf32>,
          tpu.vector_store %arg13[%swap3A_399], %neg3A_398 {strides = array<i32>} : memref<2560xf32, #tpu.memory_space<vmem>>, vector<16xf32>,
          %swap3A_401 = arith.index_cast %add3A_223 : i32 to index
          %swap3A_402 = tpu.vector_load %arg13[%swap3A_401] {strides = array<i32>} : memref<2560xf32, #tpu.memory_space<vmem>>, vector<16xf32>,
          tpu.vector_store %arg13[%swap3A_401], %mul3A_381 {strides = array<i32>} : memref<2560xf32, #tpu.memory_space<vmem>>, vector<16xf32>,
          %neg3A_403 = arith.constant 0.000000e+00 : f32
          %neg3A_404 = vector.broadcast %neg3A_403 : f32 to vector<16xf32>
          %neg3A_405 = arith.subf %neg3A_404, %mul3A_381 : vector<16xf32>
          %swap3A_406 = arith.index_cast %add3A_229 : i32 to index
          %swap3A_407 = tpu.vector_load %arg13[%swap3A_406] {strides = array<i32>} : memref<2560xf32, #tpu.memory_space<vmem>>, vector<16xf32>,
          tpu.vector_store %arg13[%swap3A_406], %neg3A_405 {strides = array<i32>} : memref<2560xf32, #tpu.memory_space<vmem>>, vector<16xf32>,
          %scan3A_408 = arith.constant 1 : i32
          %scan3A_409 = arith.addi %scan3A_167, %scan3A_408 : i32
          %mul3A_410 = arith.constant 64 : i32
          %mul3A_411 = arith.muli %scan3A_409, %mul3A_410 : i32
          %add3A_412 = arith.constant 0 : i32
          %add3A_413 = arith.addi %mul3A_411, %add3A_412 : i32
          %mul3A_414 = arith.constant 64 : i32
          %mul3A_415 = arith.muli %scan3A_409, %mul3A_414 : i32
          %add3A_416 = arith.constant 1280 : i32
          %add3A_417 = arith.addi %add3A_416, %mul3A_415 : i32
          %add3A_418 = arith.constant 0 : i32
          %add3A_419 = arith.addi %add3A_417, %add3A_418 : i32
          %get3A_420 = arith.index_cast %add3A_413 : i32 to index
          %get3A_421 = tpu.vector_load %arg10[%get3A_420] {strides = array<i32>} : memref<2560xi32, #tpu.memory_space<vmem>>, vector<16xi32>,
          %get3A_422 = arith.index_cast %add3A_419 : i32 to index
          %get3A_423 = tpu.vector_load %arg10[%get3A_422] {strides = array<i32>} : memref<2560xi32, #tpu.memory_space<vmem>>, vector<16xi32>,
          %gather3A_424 = tpu.vector_load_idx %arg7[%get3A_421] : memref<100000xf32, #tpu.memory_space<vmem>>[vector<16xi32>], vector<16xf32>,
          %gather3A_425 = tpu.vector_load_idx %arg7[%get3A_423] : memref<100000xf32, #tpu.memory_space<vmem>>[vector<16xi32>], vector<16xf32>,
          %get3A_426 = arith.index_cast %add3A_413 : i32 to index
          %get3A_427 = tpu.vector_load %arg16[%get3A_426] {strides = array<i32>} : memref<1280xf32, #tpu.memory_space<vmem>>, vector<16xf32>,
          %mul3A_428 = arith.constant 64 : i32
          %mul3A_429 = arith.muli %scan3A_409, %mul3A_428 : i32
          %add3A_430 = arith.constant 16 : i32
          %add3A_431 = arith.addi %mul3A_429, %add3A_430 : i32
          %mul3A_432 = arith.constant 64 : i32
          %mul3A_433 = arith.muli %scan3A_409, %mul3A_432 : i32
          %add3A_434 = arith.constant 1280 : i32
          %add3A_435 = arith.addi %add3A_434, %mul3A_433 : i32
          %add3A_436 = arith.constant 16 : i32
          %add3A_437 = arith.addi %add3A_435, %add3A_436 : i32
          %get3A_438 = arith.index_cast %add3A_431 : i32 to index
          %get3A_439 = tpu.vector_load %arg10[%get3A_438] {strides = array<i32>} : memref<2560xi32, #tpu.memory_space<vmem>>, vector<16xi32>,
          %get3A_440 = arith.index_cast %add3A_437 : i32 to index
          %get3A_441 = tpu.vector_load %arg10[%get3A_440] {strides = array<i32>} : memref<2560xi32, #tpu.memory_space<vmem>>, vector<16xi32>,
          %gather3A_442 = tpu.vector_load_idx %arg7[%get3A_439] : memref<100000xf32, #tpu.memory_space<vmem>>[vector<16xi32>], vector<16xf32>,
          %gather3A_443 = tpu.vector_load_idx %arg7[%get3A_441] : memref<100000xf32, #tpu.memory_space<vmem>>[vector<16xi32>], vector<16xf32>,
          %get3A_444 = arith.index_cast %add3A_431 : i32 to index
          %get3A_445 = tpu.vector_load %arg16[%get3A_444] {strides = array<i32>} : memref<1280xf32, #tpu.memory_space<vmem>>, vector<16xf32>,
          %mul3A_446 = arith.constant 64 : i32
          %mul3A_447 = arith.muli %scan3A_409, %mul3A_446 : i32
          %add3A_448 = arith.constant 32 : i32
          %add3A_449 = arith.addi %mul3A_447, %add3A_448 : i32
          %mul3A_450 = arith.constant 64 : i32
          %mul3A_451 = arith.muli %scan3A_409, %mul3A_450 : i32
          %add3A_452 = arith.constant 1280 : i32
          %add3A_453 = arith.addi %add3A_452, %mul3A_451 : i32
          %add3A_454 = arith.constant 32 : i32
          %add3A_455 = arith.addi %add3A_453, %add3A_454 : i32
          %get3A_456 = arith.index_cast %add3A_449 : i32 to index
          %get3A_457 = tpu.vector_load %arg10[%get3A_456] {strides = array<i32>} : memref<2560xi32, #tpu.memory_space<vmem>>, vector<16xi32>,
          %get3A_458 = arith.index_cast %add3A_455 : i32 to index
          %get3A_459 = tpu.vector_load %arg10[%get3A_458] {strides = array<i32>} : memref<2560xi32, #tpu.memory_space<vmem>>, vector<16xi32>,
          %gather3A_460 = tpu.vector_load_idx %arg7[%get3A_457] : memref<100000xf32, #tpu.memory_space<vmem>>[vector<16xi32>], vector<16xf32>,
          %gather3A_461 = tpu.vector_load_idx %arg7[%get3A_459] : memref<100000xf32, #tpu.memory_space<vmem>>[vector<16xi32>], vector<16xf32>,
          %get3A_462 = arith.index_cast %add3A_449 : i32 to index
          %get3A_463 = tpu.vector_load %arg16[%get3A_462] {strides = array<i32>} : memref<1280xf32, #tpu.memory_space<vmem>>, vector<16xf32>,
          %mul3A_464 = arith.constant 64 : i32
          %mul3A_465 = arith.muli %scan3A_409, %mul3A_464 : i32
          %add3A_466 = arith.constant 48 : i32
          %add3A_467 = arith.addi %mul3A_465, %add3A_466 : i32
          %mul3A_468 = arith.constant 64 : i32
          %mul3A_469 = arith.muli %scan3A_409, %mul3A_468 : i32
          %add3A_470 = arith.constant 1280 : i32
          %add3A_471 = arith.addi %add3A_470, %mul3A_469 : i32
          %add3A_472 = arith.constant 48 : i32
          %add3A_473 = arith.addi %add3A_471, %add3A_472 : i32
          %get3A_474 = arith.index_cast %add3A_467 : i32 to index
          %get3A_475 = tpu.vector_load %arg10[%get3A_474] {strides = array<i32>} : memref<2560xi32, #tpu.memory_space<vmem>>, vector<16xi32>,
          %get3A_476 = arith.index_cast %add3A_473 : i32 to index
          %get3A_477 = tpu.vector_load %arg10[%get3A_476] {strides = array<i32>} : memref<2560xi32, #tpu.memory_space<vmem>>, vector<16xi32>,
          %gather3A_478 = tpu.vector_load_idx %arg7[%get3A_475] : memref<100000xf32, #tpu.memory_space<vmem>>[vector<16xi32>], vector<16xf32>,
          %gather3A_479 = tpu.vector_load_idx %arg7[%get3A_477] : memref<100000xf32, #tpu.memory_space<vmem>>[vector<16xi32>], vector<16xf32>,
          %get3A_480 = arith.index_cast %add3A_467 : i32 to index
          %get3A_481 = tpu.vector_load %arg16[%get3A_480] {strides = array<i32>} : memref<1280xf32, #tpu.memory_space<vmem>>, vector<16xf32>,
          %sub3A_482 = arith.subf %gather3A_425, %gather3A_424 : vector<16xf32>
          %mul3A_483 = arith.constant 0.159154937 : f32
          %mul3A_484 = vector.broadcast %mul3A_483 : f32 to vector<16xf32>
          %mul3A_485 = arith.mulf %sub3A_482, %mul3A_484 : vector<16xf32>
          %add3A_486 = arith.constant 0x4B400000 : f32
          %add3A_487 = vector.broadcast %add3A_486 : f32 to vector<16xf32>
          %add3A_488 = arith.addf %mul3A_485, %add3A_487 : vector<16xf32>
          %sub3A_489 = arith.constant 0x4B400000 : f32
          %sub3A_490 = vector.broadcast %sub3A_489 : f32 to vector<16xf32>
          %sub3A_491 = arith.subf %add3A_488, %sub3A_490 : vector<16xf32>
          %mul3A_492 = arith.constant 6.28318548 : f32
          %mul3A_493 = vector.broadcast %mul3A_492 : f32 to vector<16xf32>
          %mul3A_494 = arith.mulf %sub3A_491, %mul3A_493 : vector<16xf32>
          %sub3A_495 = arith.subf %sub3A_482, %mul3A_494 : vector<16xf32>
          %mul3A_496 = arith.mulf %sub3A_495, %sub3A_495 : vector<16xf32>
          %mul3A_497 = arith.mulf %mul3A_496, %mul3A_496 : vector<16xf32>
          %mul3A_498 = arith.constant -0.166630894 : f32
          %mul3A_499 = vector.broadcast %mul3A_498 : f32 to vector<16xf32>
          %mul3A_500 = arith.mulf %mul3A_499, %mul3A_496 : vector<16xf32>
          %add3A_501 = arith.constant 0.999983608 : f32
          %add3A_502 = vector.broadcast %add3A_501 : f32 to vector<16xf32>
          %add3A_503 = arith.addf %add3A_502, %mul3A_500 : vector<16xf32>
          %mul3A_504 = arith.constant -1.93037107E-4 : f32
          %mul3A_505 = vector.broadcast %mul3A_504 : f32 to vector<16xf32>
          %mul3A_506 = arith.mulf %mul3A_505, %mul3A_496 : vector<16xf32>
          %add3A_507 = arith.constant 0.00831161811 : f32
          %add3A_508 = vector.broadcast %add3A_507 : f32 to vector<16xf32>
          %add3A_509 = arith.addf %add3A_508, %mul3A_506 : vector<16xf32>
          %mul3A_510 = arith.constant 2.1665835E-6 : f32
          %mul3A_511 = vector.broadcast %mul3A_510 : f32 to vector<16xf32>
          %mul3A_512 = arith.mulf %mul3A_497, %mul3A_511 : vector<16xf32>
          %add3A_513 = arith.addf %add3A_509, %mul3A_512 : vector<16xf32>
          %mul3A_514 = arith.mulf %mul3A_497, %add3A_513 : vector<16xf32>
          %add3A_515 = arith.addf %add3A_503, %mul3A_514 : vector<16xf32>
          %mul3A_516 = arith.mulf %sub3A_495, %add3A_515 : vector<16xf32>
          %mul3A_517 = arith.mulf %get3A_427, %mul3A_516 : vector<16xf32>
          %sub3A_518 = arith.subf %gather3A_443, %gather3A_442 : vector<16xf32>
          %mul3A_519 = arith.constant 0.159154937 : f32
          %mul3A_520 = vector.broadcast %mul3A_519 : f32 to vector<16xf32>
          %mul3A_521 = arith.mulf %sub3A_518, %mul3A_520 : vector<16xf32>
          %add3A_522 = arith.constant 0x4B400000 : f32
          %add3A_523 = vector.broadcast %add3A_522 : f32 to vector<16xf32>
          %add3A_524 = arith.addf %mul3A_521, %add3A_523 : vector<16xf32>
          %sub3A_525 = arith.constant 0x4B400000 : f32
          %sub3A_526 = vector.broadcast %sub3A_525 : f32 to vector<16xf32>
          %sub3A_527 = arith.subf %add3A_524, %sub3A_526 : vector<16xf32>
          %mul3A_528 = arith.constant 6.28318548 : f32
          %mul3A_529 = vector.broadcast %mul3A_528 : f32 to vector<16xf32>
          %mul3A_530 = arith.mulf %sub3A_527, %mul3A_529 : vector<16xf32>
          %sub3A_531 = arith.subf %sub3A_518, %mul3A_530 : vector<16xf32>
          %mul3A_532 = arith.mulf %sub3A_531, %sub3A_531 : vector<16xf32>
          %mul3A_533 = arith.mulf %mul3A_532, %mul3A_532 : vector<16xf32>
          %mul3A_534 = arith.constant -0.166630894 : f32
          %mul3A_535 = vector.broadcast %mul3A_534 : f32 to vector<16xf32>
          %mul3A_536 = arith.mulf %mul3A_535, %mul3A_532 : vector<16xf32>
          %add3A_537 = arith.constant 0.999983608 : f32
          %add3A_538 = vector.broadcast %add3A_537 : f32 to vector<16xf32>
          %add3A_539 = arith.addf %add3A_538, %mul3A_536 : vector<16xf32>
          %mul3A_540 = arith.constant -1.93037107E-4 : f32
          %mul3A_541 = vector.broadcast %mul3A_540 : f32 to vector<16xf32>
          %mul3A_542 = arith.mulf %mul3A_541, %mul3A_532 : vector<16xf32>
          %add3A_543 = arith.constant 0.00831161811 : f32
          %add3A_544 = vector.broadcast %add3A_543 : f32 to vector<16xf32>
          %add3A_545 = arith.addf %add3A_544, %mul3A_542 : vector<16xf32>
          %mul3A_546 = arith.constant 2.1665835E-6 : f32
          %mul3A_547 = vector.broadcast %mul3A_546 : f32 to vector<16xf32>
          %mul3A_548 = arith.mulf %mul3A_533, %mul3A_547 : vector<16xf32>
          %add3A_549 = arith.addf %add3A_545, %mul3A_548 : vector<16xf32>
          %mul3A_550 = arith.mulf %mul3A_533, %add3A_549 : vector<16xf32>
          %add3A_551 = arith.addf %add3A_539, %mul3A_550 : vector<16xf32>
          %mul3A_552 = arith.mulf %sub3A_531, %add3A_551 : vector<16xf32>
          %mul3A_553 = arith.mulf %get3A_445, %mul3A_552 : vector<16xf32>
          %sub3A_554 = arith.subf %gather3A_461, %gather3A_460 : vector<16xf32>
          %mul3A_555 = arith.constant 0.159154937 : f32
          %mul3A_556 = vector.broadcast %mul3A_555 : f32 to vector<16xf32>
          %mul3A_557 = arith.mulf %sub3A_554, %mul3A_556 : vector<16xf32>
          %add3A_558 = arith.constant 0x4B400000 : f32
          %add3A_559 = vector.broadcast %add3A_558 : f32 to vector<16xf32>
          %add3A_560 = arith.addf %mul3A_557, %add3A_559 : vector<16xf32>
          %sub3A_561 = arith.constant 0x4B400000 : f32
          %sub3A_562 = vector.broadcast %sub3A_561 : f32 to vector<16xf32>
          %sub3A_563 = arith.subf %add3A_560, %sub3A_562 : vector<16xf32>
          %mul3A_564 = arith.constant 6.28318548 : f32
          %mul3A_565 = vector.broadcast %mul3A_564 : f32 to vector<16xf32>
          %mul3A_566 = arith.mulf %sub3A_563, %mul3A_565 : vector<16xf32>
          %sub3A_567 = arith.subf %sub3A_554, %mul3A_566 : vector<16xf32>
          %mul3A_568 = arith.mulf %sub3A_567, %sub3A_567 : vector<16xf32>
          %mul3A_569 = arith.mulf %mul3A_568, %mul3A_568 : vector<16xf32>
          %mul3A_570 = arith.constant -0.166630894 : f32
          %mul3A_571 = vector.broadcast %mul3A_570 : f32 to vector<16xf32>
          %mul3A_572 = arith.mulf %mul3A_571, %mul3A_568 : vector<16xf32>
          %add3A_573 = arith.constant 0.999983608 : f32
          %add3A_574 = vector.broadcast %add3A_573 : f32 to vector<16xf32>
          %add3A_575 = arith.addf %add3A_574, %mul3A_572 : vector<16xf32>
          %mul3A_576 = arith.constant -1.93037107E-4 : f32
          %mul3A_577 = vector.broadcast %mul3A_576 : f32 to vector<16xf32>
          %mul3A_578 = arith.mulf %mul3A_577, %mul3A_568 : vector<16xf32>
          %add3A_579 = arith.constant 0.00831161811 : f32
          %add3A_580 = vector.broadcast %add3A_579 : f32 to vector<16xf32>
          %add3A_581 = arith.addf %add3A_580, %mul3A_578 : vector<16xf32>
          %mul3A_582 = arith.constant 2.1665835E-6 : f32
          %mul3A_583 = vector.broadcast %mul3A_582 : f32 to vector<16xf32>
          %mul3A_584 = arith.mulf %mul3A_569, %mul3A_583 : vector<16xf32>
          %add3A_585 = arith.addf %add3A_581, %mul3A_584 : vector<16xf32>
          %mul3A_586 = arith.mulf %mul3A_569, %add3A_585 : vector<16xf32>
          %add3A_587 = arith.addf %add3A_575, %mul3A_586 : vector<16xf32>
          %mul3A_588 = arith.mulf %sub3A_567, %add3A_587 : vector<16xf32>
          %mul3A_589 = arith.mulf %get3A_463, %mul3A_588 : vector<16xf32>
          %sub3A_590 = arith.subf %gather3A_479, %gather3A_478 : vector<16xf32>
          %mul3A_591 = arith.constant 0.159154937 : f32
          %mul3A_592 = vector.broadcast %mul3A_591 : f32 to vector<16xf32>
          %mul3A_593 = arith.mulf %sub3A_590, %mul3A_592 : vector<16xf32>
          %add3A_594 = arith.constant 0x4B400000 : f32
          %add3A_595 = vector.broadcast %add3A_594 : f32 to vector<16xf32>
          %add3A_596 = arith.addf %mul3A_593, %add3A_595 : vector<16xf32>
          %sub3A_597 = arith.constant 0x4B400000 : f32
          %sub3A_598 = vector.broadcast %sub3A_597 : f32 to vector<16xf32>
          %sub3A_599 = arith.subf %add3A_596, %sub3A_598 : vector<16xf32>
          %mul3A_600 = arith.constant 6.28318548 : f32
          %mul3A_601 = vector.broadcast %mul3A_600 : f32 to vector<16xf32>
          %mul3A_602 = arith.mulf %sub3A_599, %mul3A_601 : vector<16xf32>
          %sub3A_603 = arith.subf %sub3A_590, %mul3A_602 : vector<16xf32>
          %mul3A_604 = arith.mulf %sub3A_603, %sub3A_603 : vector<16xf32>
          %mul3A_605 = arith.mulf %mul3A_604, %mul3A_604 : vector<16xf32>
          %mul3A_606 = arith.constant -0.166630894 : f32
          %mul3A_607 = vector.broadcast %mul3A_606 : f32 to vector<16xf32>
          %mul3A_608 = arith.mulf %mul3A_607, %mul3A_604 : vector<16xf32>
          %add3A_609 = arith.constant 0.999983608 : f32
          %add3A_610 = vector.broadcast %add3A_609 : f32 to vector<16xf32>
          %add3A_611 = arith.addf %add3A_610, %mul3A_608 : vector<16xf32>
          %mul3A_612 = arith.constant -1.93037107E-4 : f32
          %mul3A_613 = vector.broadcast %mul3A_612 : f32 to vector<16xf32>
          %mul3A_614 = arith.mulf %mul3A_613, %mul3A_604 : vector<16xf32>
          %add3A_615 = arith.constant 0.00831161811 : f32
          %add3A_616 = vector.broadcast %add3A_615 : f32 to vector<16xf32>
          %add3A_617 = arith.addf %add3A_616, %mul3A_614 : vector<16xf32>
          %mul3A_618 = arith.constant 2.1665835E-6 : f32
          %mul3A_619 = vector.broadcast %mul3A_618 : f32 to vector<16xf32>
          %mul3A_620 = arith.mulf %mul3A_605, %mul3A_619 : vector<16xf32>
          %add3A_621 = arith.addf %add3A_617, %mul3A_620 : vector<16xf32>
          %mul3A_622 = arith.mulf %mul3A_605, %add3A_621 : vector<16xf32>
          %add3A_623 = arith.addf %add3A_611, %mul3A_622 : vector<16xf32>
          %mul3A_624 = arith.mulf %sub3A_603, %add3A_623 : vector<16xf32>
          %mul3A_625 = arith.mulf %get3A_481, %mul3A_624 : vector<16xf32>
          %swap3A_626 = arith.index_cast %add3A_413 : i32 to index
          %swap3A_627 = tpu.vector_load %arg13[%swap3A_626] {strides = array<i32>} : memref<2560xf32, #tpu.memory_space<vmem>>, vector<16xf32>,
          tpu.vector_store %arg13[%swap3A_626], %mul3A_517 {strides = array<i32>} : memref<2560xf32, #tpu.memory_space<vmem>>, vector<16xf32>,
          %neg3A_628 = arith.constant 0.000000e+00 : f32
          %neg3A_629 = vector.broadcast %neg3A_628 : f32 to vector<16xf32>
          %neg3A_630 = arith.subf %neg3A_629, %mul3A_517 : vector<16xf32>
          %swap3A_631 = arith.index_cast %add3A_419 : i32 to index
          %swap3A_632 = tpu.vector_load %arg13[%swap3A_631] {strides = array<i32>} : memref<2560xf32, #tpu.memory_space<vmem>>, vector<16xf32>,
          tpu.vector_store %arg13[%swap3A_631], %neg3A_630 {strides = array<i32>} : memref<2560xf32, #tpu.memory_space<vmem>>, vector<16xf32>,
          %swap3A_633 = arith.index_cast %add3A_431 : i32 to index
          %swap3A_634 = tpu.vector_load %arg13[%swap3A_633] {strides = array<i32>} : memref<2560xf32, #tpu.memory_space<vmem>>, vector<16xf32>,
          tpu.vector_store %arg13[%swap3A_633], %mul3A_553 {strides = array<i32>} : memref<2560xf32, #tpu.memory_space<vmem>>, vector<16xf32>,
          %neg3A_635 = arith.constant 0.000000e+00 : f32
          %neg3A_636 = vector.broadcast %neg3A_635 : f32 to vector<16xf32>
          %neg3A_637 = arith.subf %neg3A_636, %mul3A_553 : vector<16xf32>
          %swap3A_638 = arith.index_cast %add3A_437 : i32 to index
          %swap3A_639 = tpu.vector_load %arg13[%swap3A_638] {strides = array<i32>} : memref<2560xf32, #tpu.memory_space<vmem>>, vector<16xf32>,
          tpu.vector_store %arg13[%swap3A_638], %neg3A_637 {strides = array<i32>} : memref<2560xf32, #tpu.memory_space<vmem>>, vector<16xf32>,
          %swap3A_640 = arith.index_cast %add3A_449 : i32 to index
          %swap3A_641 = tpu.vector_load %arg13[%swap3A_640] {strides = array<i32>} : memref<2560xf32, #tpu.memory_space<vmem>>, vector<16xf32>,
          tpu.vector_store %arg13[%swap3A_640], %mul3A_589 {strides = array<i32>} : memref<2560xf32, #tpu.memory_space<vmem>>, vector<16xf32>,
          %neg3A_642 = arith.constant 0.000000e+00 : f32
          %neg3A_643 = vector.broadcast %neg3A_642 : f32 to vector<16xf32>
          %neg3A_644 = arith.subf %neg3A_643, %mul3A_589 : vector<16xf32>
          %swap3A_645 = arith.index_cast %add3A_455 : i32 to index
          %swap3A_646 = tpu.vector_load %arg13[%swap3A_645] {strides = array<i32>} : memref<2560xf32, #tpu.memory_space<vmem>>, vector<16xf32>,
          tpu.vector_store %arg13[%swap3A_645], %neg3A_644 {strides = array<i32>} : memref<2560xf32, #tpu.memory_space<vmem>>, vector<16xf32>,
          %swap3A_647 = arith.index_cast %add3A_467 : i32 to index
          %swap3A_648 = tpu.vector_load %arg13[%swap3A_647] {strides = array<i32>} : memref<2560xf32, #tpu.memory_space<vmem>>, vector<16xf32>,
          tpu.vector_store %arg13[%swap3A_647], %mul3A_625 {strides = array<i32>} : memref<2560xf32, #tpu.memory_space<vmem>>, vector<16xf32>,
          %neg3A_649 = arith.constant 0.000000e+00 : f32
          %neg3A_650 = vector.broadcast %neg3A_649 : f32 to vector<16xf32>
          %neg3A_651 = arith.subf %neg3A_650, %mul3A_625 : vector<16xf32>
          %swap3A_652 = arith.index_cast %add3A_473 : i32 to index
          %swap3A_653 = tpu.vector_load %arg13[%swap3A_652] {strides = array<i32>} : memref<2560xf32, #tpu.memory_space<vmem>>, vector<16xf32>,
          tpu.vector_store %arg13[%swap3A_652], %neg3A_651 {strides = array<i32>} : memref<2560xf32, #tpu.memory_space<vmem>>, vector<16xf32>,
        }
        %scan3A_165 = arith.constant 20 : i32
        %dma_start3A = arith.constant 0 : i32
        %dma_start3A_166 = tpu.memref_slice %arg17[%dma_start3A] : memref<100352xf32, #tpu.memory_space<vmem_shared>> -> memref<100352xf32, #tpu.memory_space<vmem_shared>>
        tpu.enqueue_indirect_dma source(%arg13 : memref<2560xf32, #tpu.memory_space<vmem>>) target(%dma_start3A_166 : memref<100352xf32, #tpu.memory_space<vmem_shared>>) offsets(%arg10 : memref<2560xi32, #tpu.memory_space<vmem>>) semaphore(%arg23 : memref<!tpu.dma_semaphore, #tpu.memory_space<semaphore_mem>>) {add = true}
      } else {
      }
      %ge3A_113 = arith.constant 1 : i32
      %ge3A_114 = arith.cmpi sge, %add3A_104, %ge3A_113 : i32
      %sub3A_115 = arith.constant 1 : i32
      %sub3A_116 = arith.subi %add3A_104, %sub3A_115 : i32
      %mul3A_117 = arith.constant 32 : i32
      %mul3A_118 = arith.muli %sub3A_116, %mul3A_117 : i32
      %add3A_119 = arith.addi %mul3A_118, %add3A : i32
      %lt3A_120 = arith.constant 5000 : i32
      %lt3A_121 = arith.cmpi slt, %add3A_119, %lt3A_120 : i32
      %and3A_122 = arith.andi %ge3A_114, %lt3A_121 : i1
      %convert_element_type3A_123 = arith.extui %and3A_122 : i1 to i32
      %cond3A_124 = arith.constant 0 : i32
      %cond3A_125 = arith.cmpi ne, %convert_element_type3A_123, %cond3A_124 : i32
      scf.if %cond3A_125 {
        %dma_wait3A = arith.constant 0 : i32
        %dma_wait3A_136 = tpu.memref_slice %arg17[%dma_wait3A] : memref<100352xf32, #tpu.memory_space<vmem_shared>> -> memref<100352xf32, #tpu.memory_space<vmem_shared>>
        tpu.wait_indirect_dma semaphore(%arg22 : memref<!tpu.dma_semaphore, #tpu.memory_space<semaphore_mem>>) src(%arg12 : memref<2560xf32, #tpu.memory_space<vmem>>) dst(%dma_wait3A_136 : memref<100352xf32, #tpu.memory_space<vmem_shared>>)
      } else {
      }
      %add3A_126 = arith.constant 2 : i32
      %add3A_127 = arith.addi %add3A_104, %add3A_126 : i32
      %mul3A_128 = arith.constant 32 : i32
      %mul3A_129 = arith.muli %add3A_127, %mul3A_128 : i32
      %add3A_130 = arith.addi %mul3A_129, %add3A : i32
      %lt3A_131 = arith.constant 5000 : i32
      %lt3A_132 = arith.cmpi slt, %add3A_130, %lt3A_131 : i32
      %convert_element_type3A_133 = arith.extui %lt3A_132 : i1 to i32
      %cond3A_134 = arith.constant 0 : i32
      %cond3A_135 = arith.cmpi ne, %convert_element_type3A_133, %cond3A_134 : i32
      scf.if %cond3A_135 {
        %mul3A_136 = arith.constant 32 : i32
        %mul3A_137 = arith.muli %add3A_127, %mul3A_136 : i32
        %add3A_138 = arith.addi %mul3A_137, %add3A : i32
        %mul3A_139 = arith.constant 1280 : i32
        %mul3A_140 = arith.muli %add3A_138, %mul3A_139 : i32
        %dma_start3A = arith.constant 0 : i32
        %dma_start3A_141 = arith.constant 0 : i32
        %dma_start3A_142 = tpu.memref_slice %arg9[%dma_start3A_141] : memref<2560xi32, #tpu.memory_space<vmem>> -> memref<1280xi32, #tpu.memory_space<vmem>>
        %dma_start3A_143 = tpu.memref_slice %arg3[%dma_start3A, %mul3A_140] : memref<2x6400000xi32, #tpu.memory_space<hbm>> -> memref<1x1280xi32, #tpu.memory_space<hbm>>
        %dma_start3A_144 = tpu.memref_squeeze %dma_start3A_143 : memref<1x1280xi32, #tpu.memory_space<hbm>> -> memref<1280xi32, #tpu.memory_space<hbm>>
        %dma_start3A_145 = arith.constant 0 : i32
        %dma_start3A_146 = tpu.memref_slice %arg9[%dma_start3A_145] : memref<2560xi32, #tpu.memory_space<vmem>> -> memref<1280xi32, #tpu.memory_space<vmem>>
        %dma_start3A_147 = tpu.memref_slice %arg3[%dma_start3A, %mul3A_140] : memref<2x6400000xi32, #tpu.memory_space<hbm>> -> memref<1x1280xi32, #tpu.memory_space<hbm>>
        %dma_start3A_148 = tpu.memref_squeeze %dma_start3A_147 : memref<1x1280xi32, #tpu.memory_space<hbm>> -> memref<1280xi32, #tpu.memory_space<hbm>>
        tpu.enqueue_dma source(%dma_start3A_148 : memref<1280xi32, #tpu.memory_space<hbm>>) target(%dma_start3A_146 : memref<1280xi32, #tpu.memory_space<vmem>>) target_semaphore(%arg19 : memref<!tpu.dma_semaphore, #tpu.memory_space<semaphore_mem>>)
        %dma_start3A_149 = arith.constant 1 : i32
        %dma_start3A_150 = arith.constant 1280 : i32
        %dma_start3A_151 = tpu.memref_slice %arg9[%dma_start3A_150] : memref<2560xi32, #tpu.memory_space<vmem>> -> memref<1280xi32, #tpu.memory_space<vmem>>
        %dma_start3A_152 = tpu.memref_slice %arg3[%dma_start3A_149, %mul3A_140] : memref<2x6400000xi32, #tpu.memory_space<hbm>> -> memref<1x1280xi32, #tpu.memory_space<hbm>>
        %dma_start3A_153 = tpu.memref_squeeze %dma_start3A_152 : memref<1x1280xi32, #tpu.memory_space<hbm>> -> memref<1280xi32, #tpu.memory_space<hbm>>
        %dma_start3A_154 = arith.constant 1280 : i32
        %dma_start3A_155 = tpu.memref_slice %arg9[%dma_start3A_154] : memref<2560xi32, #tpu.memory_space<vmem>> -> memref<1280xi32, #tpu.memory_space<vmem>>
        %dma_start3A_156 = tpu.memref_slice %arg3[%dma_start3A_149, %mul3A_140] : memref<2x6400000xi32, #tpu.memory_space<hbm>> -> memref<1x1280xi32, #tpu.memory_space<hbm>>
        %dma_start3A_157 = tpu.memref_squeeze %dma_start3A_156 : memref<1x1280xi32, #tpu.memory_space<hbm>> -> memref<1280xi32, #tpu.memory_space<hbm>>
        tpu.enqueue_dma source(%dma_start3A_157 : memref<1280xi32, #tpu.memory_space<hbm>>) target(%dma_start3A_155 : memref<1280xi32, #tpu.memory_space<vmem>>) target_semaphore(%arg19 : memref<!tpu.dma_semaphore, #tpu.memory_space<semaphore_mem>>)
        %dma_start3A_158 = tpu.memref_slice %arg4[%mul3A_140] : memref<6400000xf32, #tpu.memory_space<hbm>> -> memref<1280xf32, #tpu.memory_space<hbm>>
        %dma_start3A_159 = tpu.memref_slice %arg4[%mul3A_140] : memref<6400000xf32, #tpu.memory_space<hbm>> -> memref<1280xf32, #tpu.memory_space<hbm>>
        tpu.enqueue_dma source(%dma_start3A_159 : memref<1280xf32, #tpu.memory_space<hbm>>) target(%arg15 : memref<1280xf32, #tpu.memory_space<vmem>>) target_semaphore(%arg19 : memref<!tpu.dma_semaphore, #tpu.memory_space<semaphore_mem>>)
      } else {
      }
    }
    %scan3A_20 = arith.constant 53 : i32
    %add3A_21 = arith.constant 5056 : i32
    %add3A_22 = arith.addi %add3A_21, %add3A : i32
    %lt3A_23 = arith.constant 5000 : i32
    %lt3A_24 = arith.cmpi slt, %add3A_22, %lt3A_23 : i32
    %convert_element_type3A_25 = arith.extui %lt3A_24 : i1 to i32
    %cond3A_26 = arith.constant 0 : i32
    %cond3A_27 = arith.cmpi ne, %convert_element_type3A_25, %cond3A_26 : i32
    scf.if %cond3A_27 {
      %dma_wait3A = arith.constant 0 : i32
      %dma_wait3A_33 = tpu.memref_slice %arg17[%dma_wait3A] : memref<100352xf32, #tpu.memory_space<vmem_shared>> -> memref<100352xf32, #tpu.memory_space<vmem_shared>>
      tpu.wait_indirect_dma semaphore(%arg23 : memref<!tpu.dma_semaphore, #tpu.memory_space<semaphore_mem>>) src(%arg13 : memref<2560xf32, #tpu.memory_space<vmem>>) dst(%dma_wait3A_33 : memref<100352xf32, #tpu.memory_space<vmem_shared>>)
    } else {
    }
    %barrier3A_28 = arith.constant 0 : index
    tpu.barrier barrier_id(%barrier3A_28)
    %mul3A_29 = arith.constant 6272 : i32
    %mul3A_30 = arith.muli %arg1, %mul3A_29 : i32
    %mul3A_31 = arith.constant 6272 : i32
    %mul3A_32 = arith.muli %arg1, %mul3A_31 : i32
    "tpu.region"() ({
      %run_scoped3A = tpu.sem_alloc : memref<!tpu.dma_semaphore, #tpu.memory_space<semaphore_mem>>
      %dma_start3A = tpu.memref_slice %arg6[%arg0, %mul3A_32] : memref<2x100352xf32, #tpu.memory_space<hbm>> -> memref<1x6272xf32, #tpu.memory_space<hbm>>
      %dma_start3A_33 = tpu.memref_squeeze %dma_start3A : memref<1x6272xf32, #tpu.memory_space<hbm>> -> memref<6272xf32, #tpu.memory_space<hbm>>
      %dma_start3A_34 = tpu.memref_slice %arg17[%mul3A_30] : memref<100352xf32, #tpu.memory_space<vmem_shared>> -> memref<6272xf32, #tpu.memory_space<vmem_shared>>
      tpu.enqueue_dma source(%dma_start3A_34 : memref<6272xf32, #tpu.memory_space<vmem_shared>>) target(%dma_start3A_33 : memref<6272xf32, #tpu.memory_space<hbm>>) target_semaphore(%run_scoped3A : memref<!tpu.dma_semaphore, #tpu.memory_space<semaphore_mem>>)
      %dma_wait3A = tpu.memref_slice %arg6[%arg0, %mul3A_32] : memref<2x100352xf32, #tpu.memory_space<hbm>> -> memref<1x6272xf32, #tpu.memory_space<hbm>>
      %dma_wait3A_35 = tpu.memref_squeeze %dma_wait3A : memref<1x6272xf32, #tpu.memory_space<hbm>> -> memref<6272xf32, #tpu.memory_space<hbm>>
      %dma_wait3A_36 = tpu.memref_slice %arg17[%mul3A_30] : memref<100352xf32, #tpu.memory_space<vmem_shared>> -> memref<6272xf32, #tpu.memory_space<vmem_shared>>
      tpu.wait_dma2 semaphore(%run_scoped3A : memref<!tpu.dma_semaphore, #tpu.memory_space<semaphore_mem>>) src(%dma_wait3A_36 : memref<6272xf32, #tpu.memory_space<vmem_shared>>) dst(%dma_wait3A_35 : memref<6272xf32, #tpu.memory_space<hbm>>)
      tpu.yield
    }) : () -> ()
    return
  }
}

module attributes {stable_mosaic.version = 14 : i64} {
  func.func @_combine_body(%arg0: memref<784x128xf32, #tpu.memory_space<vmem>>, %arg1: memref<784x128xf32, #tpu.memory_space<vmem>>, %arg2: memref<784x128xf32, #tpu.memory_space<vmem>>, %arg3: memref<784x128xf32, #tpu.memory_space<vmem>>, %arg4: memref<2x784x128xf32, #tpu.memory_space<vmem>>, %arg5: memref<784x128xf32, #tpu.memory_space<vmem>>) attributes {dimension_semantics = [], scalar_prefetch = 0 : i64, scratch_operands = 0 : i64, tpu.core_type = #tpu.core_type<tc>} {
    %get3A = arith.constant 0 : index
    %get3A_0 = arith.constant 0 : index
    %get3A_1 = vector.load %arg0[%get3A, %get3A_0] : memref<784x128xf32, #tpu.memory_space<vmem>>, vector<784x128xf32>
    %get3A_2 = arith.constant 0 : index
    %get3A_3 = arith.constant 0 : index
    %get3A_4 = vector.load %arg1[%get3A_2, %get3A_3] : memref<784x128xf32, #tpu.memory_space<vmem>>, vector<784x128xf32>
    %get3A_5 = arith.constant 0 : index
    %get3A_6 = arith.constant 0 : index
    %get3A_7 = vector.load %arg2[%get3A_5, %get3A_6] : memref<784x128xf32, #tpu.memory_space<vmem>>, vector<784x128xf32>
    %mul3A = arith.mulf %get3A_4, %get3A_7 : vector<784x128xf32>
    %sub3A = arith.subf %get3A_1, %mul3A : vector<784x128xf32>
    %get3A_8 = arith.constant 0 : index
    %get3A_9 = arith.constant 0 : index
    %get3A_10 = arith.constant 0 : index
    %get3A_11 = vector.load %arg4[%get3A_8, %get3A_9, %get3A_10] : memref<2x784x128xf32, #tpu.memory_space<vmem>>, vector<1x784x128xf32>
    %get3A_12 = vector.shape_cast %get3A_11 : vector<1x784x128xf32> to vector<784x128xf32>
    %add3A = arith.addf %sub3A, %get3A_12 : vector<784x128xf32>
    %get3A_13 = arith.constant 1 : index
    %get3A_14 = arith.constant 0 : index
    %get3A_15 = arith.constant 0 : index
    %get3A_16 = vector.load %arg4[%get3A_13, %get3A_14, %get3A_15] : memref<2x784x128xf32, #tpu.memory_space<vmem>>, vector<1x784x128xf32>
    %get3A_17 = vector.shape_cast %get3A_16 : vector<1x784x128xf32> to vector<784x128xf32>
    %add3A_18 = arith.addf %add3A, %get3A_17 : vector<784x128xf32>
    %get3A_19 = arith.constant 0 : index
    %get3A_20 = arith.constant 0 : index
    %get3A_21 = vector.load %arg3[%get3A_19, %get3A_20] : memref<784x128xf32, #tpu.memory_space<vmem>>, vector<784x128xf32>
    %div3A = arith.divf %add3A_18, %get3A_21 : vector<784x128xf32>
    %swap3A = arith.constant 0 : index
    %swap3A_22 = arith.constant 0 : index
    %swap3A_23 = vector.load %arg5[%swap3A, %swap3A_22] : memref<784x128xf32, #tpu.memory_space<vmem>>, vector<784x128xf32>
    tpu.vector_store %arg5[%swap3A, %swap3A_22], %div3A {strides = array<i32>} : memref<784x128xf32, #tpu.memory_space<vmem>>, vector<784x128xf32>,
    return
  }
}

</mosaic_0001>

<sc_bundles>
// kernel: kernel.4.cloned.1.call-start
scs
__scs_entry_jumppad:
0x0: {  	(pc) =	sbr.rel $0x88, $3  }
0x1: {  	(tag) =	ssettag $0x0;
	lr =	simm.s32 $0x1  }
0x2: {  	[smem:$0x3F9A] =	sst lr;
	_ =	strace $0xD0000000  }
0x3: {  	_ = 	snop  }
0x4: {  	_ = 	snop  }
0x5: {  	_ = 	snop  }
0x6: {  	_ = 	snop  }
0x7: {  	_ = 	snop  }
__scs_overlays_trampoline_lowered:
0x8: {  	[smem:$0x3FA9] =	sst s0  }
0x9: {  	[smem:$0x3FAA] =	sst s1  }
0xa: {  	[smem:$0x3FAB] =	sst s2  }
0xb: {  	[smem:$0x3FAC] =	sst s3  }
0xc: {  	[smem:$0x3FAD] =	sst s4  }
0xd: {  	[smem:$0x3FAE] =	sst s5  }
0xe: {  	[smem:$0x3FAF] =	sst s6  }
0xf: {  	[smem:$0x3FB0] =	sst s7  }
0x10: {  	[smem:$0x3FB1] =	sst s8  }
0x11: {  	[smem:$0x3FB2] =	sst s9;
	s0 =	simm.s32 @!p0 $0x0  }
0x12: {  	s1 =	sld [smem:$0x3F98];
	s0 =	simm.s32 @p0 $0x1  }
0x13: {  	[smem:$0x3FB3] =	sst s0;
	s0 =	simm.s32 @!p1 $0x0  }
0x14: {  	s2 =	sld [smem:$0x3F97];
	s0 =	simm.s32 @p1 $0x1  }
0x15: {  	[smem:$0x3FB4] =	sst s0;
	s0 =	simm.s32 @!p2 $0x0  }
0x16: {  	s3 =	sld [smem:$0x3FDB];
	s0 =	simm.s32 @p2 $0x1  }
0x17: {  	s4 =	simm.s32 $0x1BF5;
	[smem:$0x3FB6] =	sst s0  }
0x18: {  	s0 =	sld [smem:$0x3F99];
	_ =	swait.ge [sflag:s4], $0x0  }
0x19: {  	s7 =	sld [smem:$0x3F9A]  }
0x1a: {  	s8 =	sadd.s32 $0xFFFFE003, lr  }
0x1b: {  	s9 =	sadd.s32 $0xFFFFFEF7, lr;
	s5 =	simm.s32 $0xFFFFFFFF;
	p2 =	slt.u32 s8, $0xFFFFF086  }
0x1c: {  	p1 =	slt.u32 s9, $0xF7A;
	s5 =	simm.s32 @!p2 $0x0  }
0x1d: {  	s5 =	simm.s32 @p1 $0x1;
	p0 =	seq.s32 s7, s2  }
0x1e: {  	s7 =	smul.u32 @!p0 $0xF7A, s2;
	p2 =	seq.s32 @!p0 s5, $0x0  }
0x1f: {  	s9 =	smul.u32 $0xF7A, s1;
	s8 =	simm.s32 @!p0 $0x1BF5;
	p2 =	por !p2, p0  }
0x20: {  	[sflag:s8] =	ssyncset.s32 @!p0 $0xFFFFF086;
	s6 =	sadd.s32 @!p0 s3, s7;
	s7 =	simm.s32 @!p0 $0x108  }
0x21: {  	s3 =	sadd.s32 s3, s9;
	s6 =	sadd.s32 @!p0 $0x88, s6;
	s7 =	simm.s32 @p2 $0x1082  }
0x22: {  	[simem:s7], [sflag:s8] =	dma.local @!p0 [hbm:s6], $0xF7A  }
0x23: {  	s9 =	sor.u32 $0xD0000000, s2;
	s6 =	simm.s32 $0x108;
	_ =	swait.ge @!p0 [sflag:s8], $0x0  }
0x24: {  	s3 =	sadd.s32 $0x88, s3;
	s6 =	simm.s32 @!p1 $0x1082;
	[sflag:s4] =	ssyncset.s32 $0xFFFFF086  }
0x25: {  	[simem:s6], [sflag:s4] =	dma.local [hbm:s3], $0xF7A  }
0x26: {  	[smem:$0x3F9A] =	sst s1;
	(tag) =	ssettag s2;
	_ =	strace s9  }
0x27: {  	s1 =	sld [smem:$0x3FAA]  }
0x28: {  	s2 =	sld [smem:$0x3FAB]  }
0x29: {  	s4 =	sld [smem:$0x3FAD]  }
0x2a: {  	p0 =	seq.s32 s5, $0x0;
	s5 =	sld [smem:$0x3FAE]  }
0x2b: {  	s6 =	sld [smem:$0x3FAF]  }
0x2c: {  	s7 =	sld [smem:$0x3FB0]  }
0x2d: {  	s3 =	simm.s32 $0x108;
	s8 =	sld [smem:$0x3FB1]  }
0x2e: {  	s3 =	simm.s32 @!p0 $0x1082;
	s9 =	sld [smem:$0x3FB2]  }
0x2f: {  	lr =	sadd.s32 s0, s3;
	s0 =	sld [smem:$0x3FA9]  }
0x30: {  	s3 =	sld [smem:$0x3FAC]  }
0x31: {  	[smem:$0x3FB5] =	sst s10  }
0x32: {  	s10 =	sld [smem:$0x3FB3];
	_ =	sdelay $0x3  }
0x33: {  	p0 =	seq.s32 s10, $0x1;
	s10 =	sld [smem:$0x3FB5];
	_ =	sdelay $0x3  }
0x34: {  	[smem:$0x3FB5] =	sst s10  }
0x35: {  	s10 =	sld [smem:$0x3FB4];
	_ =	sdelay $0x3  }
0x36: {  	p1 =	seq.s32 s10, $0x1;
	s10 =	sld [smem:$0x3FB5];
	_ =	sdelay $0x3  }
0x37: {  	[smem:$0x3FB5] =	sst s10  }
0x38: {  	s10 =	sld [smem:$0x3FB6]  }
0x39: {  	_ = 	snop;
	(pc) =	sbr.ind lr, $3  }
0x3a: {  	_ = 	snop  }
0x3b: {  	_ = 	snop  }
0x3c: {  	p2 =	seq.s32 s10, $0x1;
	s10 =	sld [smem:$0x3FB5]  }
0x3d: {  	_ =	shalt  }
0x3e: {  	_ =	shalt  }
0x3f: {  	_ =	shalt  }
0x40: {  	_ =	shalt  }
0x41: {  	_ =	shalt  }
0x42: {  	_ =	shalt  }
0x43: {  	_ =	shalt  }
0x44: {  	_ =	shalt  }
0x45: {  	_ =	shalt  }
0x46: {  	_ =	shalt  }
0x47: {  	_ =	shalt  }
0x48: {  	_ =	shalt  }
0x49: {  	_ =	shalt  }
0x4a: {  	_ =	shalt  }
0x4b: {  	_ =	shalt  }
0x4c: {  	_ =	shalt  }
0x4d: {  	_ =	shalt  }
0x4e: {  	_ =	shalt  }
0x4f: {  	_ =	shalt  }
0x50: {  	_ =	shalt  }
0x51: {  	_ =	shalt  }
0x52: {  	_ =	shalt  }
0x53: {  	_ =	shalt  }
0x54: {  	_ =	shalt  }
0x55: {  	_ =	shalt  }
0x56: {  	_ =	shalt  }
0x57: {  	_ =	shalt  }
0x58: {  	_ =	shalt  }
0x59: {  	_ =	shalt  }
0x5a: {  	_ =	shalt  }
0x5b: {  	_ =	shalt  }
0x5c: {  	_ =	shalt  }
0x5d: {  	_ =	shalt  }
0x5e: {  	_ =	shalt  }
0x5f: {  	_ =	shalt  }
0x60: {  	_ =	shalt  }
0x61: {  	_ =	shalt  }
0x62: {  	_ =	shalt  }
0x63: {  	_ =	shalt  }
0x64: {  	_ =	shalt  }
0x65: {  	_ =	shalt  }
0x66: {  	_ =	shalt  }
0x67: {  	_ =	shalt  }
0x68: {  	_ =	shalt  }
0x69: {  	_ =	shalt  }
0x6a: {  	_ =	shalt  }
0x6b: {  	_ =	shalt  }
0x6c: {  	_ =	shalt  }
0x6d: {  	_ =	shalt  }
0x6e: {  	_ =	shalt  }
0x6f: {  	_ =	shalt  }
0x70: {  	_ =	shalt  }
0x71: {  	_ =	shalt  }
0x72: {  	_ =	shalt  }
0x73: {  	_ =	shalt  }
0x74: {  	_ =	shalt  }
0x75: {  	_ =	shalt  }
0x76: {  	_ =	shalt  }
0x77: {  	_ =	shalt  }
0x78: {  	_ =	shalt  }
0x79: {  	_ =	shalt  }
0x7a: {  	_ =	shalt  }
0x7b: {  	_ =	shalt  }
0x7c: {  	_ =	shalt  }
0x7d: {  	_ =	shalt  }
0x7e: {  	_ =	shalt  }
0x7f: {  	_ =	shalt  }
0x80: {  	_ =	shalt  }
0x81: {  	_ =	shalt  }
0x82: {  	_ =	shalt  }
0x83: {  	_ =	shalt  }
0x84: {  	_ =	shalt  }
0x85: {  	_ =	shalt  }
0x86: {  	_ =	shalt  }
0x87: {  	_ =	shalt  }
.Lfunc_end0:
.L_simem_size_0:
called_computation_lowered:
.L_overlay_start_0:
0x88: {  	s2 =	sld [smem:$0x3FD9]  }
0x89: {  	s3 =	sld [smem:$0x3FFE];
	_ =	sdelay $0x1  }
0x8a: {  	s1 =	srdreg.scid  }
0x8b: {  	s0 =	sand.u32 $0x1, s1  }
0x8c: {  	s17 =	sshll.u32 s0, $0xA;
	s2 =	sadd.s32 s3, s2  }
0x8d: {  	s2 =	sadd.s32 s2, s17  }
0x8e: {  	[smem:$0x3FC1] =	sst s2  }
0x8f: {  	_ = 	snop  }
0x90: {  	s2 =	sld [smem:$0x3FC9]  }
0x91: {  	s18 =	sld [smem:$0x3FC6]  }
0x92: {  	s4 =	sld [smem:$0x3FC5]  }
0x93: {  	s5 =	sld [smem:$0x3FD0];
	(tm) =	ssettm $0x1  }
0x94: {  	s6 =	sld [smem:$0x3FFB];
	_ =	sdelay $0x3  }
0x95: {  	_ =	strace s6  }
0x96: {  	s6 =	sld [smem:$0x3FFC];
	_ =	sdelay $0x3  }
0x97: {  	_ =	strace s6  }
0x98: {  	s6 =	sld [smem:$0x3FFD];
	_ =	sdelay $0x3  }
0x99: {  	_ =	strace s6  }
0x9a: {  	_ =	strace $0x8FFFFFFF  }
0x9b: {  	s19 =	sld [smem:$0x3FDB];
	_ =	sdelay $0x1  }
0x9c: {  	s7 =	simm.s32 $_scs_section_size  }
0x9d: {  	s8 =	simm.s32 $_size__tile_overlayer_lowered;
	s9 =	simm.s32 $_tile_overlayer_lowered  }
0x9e: {  	s22 =	simm.s32 $0x1BFF;
	s21 =	sshll.u32 s9, $0x1;
	s6 =	sadd.s32 s7, s19  }
0x9f: {  	s10 =	simm.s32 $0x0;
	s20 =	sshll.u32 s8, $0x1;
	s8 =	sadd.s32 s21, s6  }
0xa0: {  	[timem:s10], [sflag:s22] =	dma.local [hbm:s8], s20  }
0xa1: {  	_ =	swait.ge [sflag:s22], s20  }
0xa2: {  	s7 =	ssub.s32 $0x0, s20;
	[sflag:s22] =	ssyncset.done $0x0  }
0xa3: {  	[sflag:s22] =	ssyncadd.s32 s7;
	_ =	sdelay $0x1  }
0xa4: {  	s23 =	simm.s32 $0x1B8B  }
0xa5: {  	_ =	swait.ge [sflag:s23], $0x1  }
0xa6: {  	[sflag:s23] =	ssyncset.done $0x0  }
0xa7: {  	s25 =	simm.s32 $0x1B8E;
	s24 =	sld [smem:$0x3FFE];
	[sflag:s23] =	ssyncadd.s32 $0xFFFFFFFF  }
0xa8: {  	s26 =	simm.s32 $execute0_lowered;
	[smem:$0x3FD2] =	sst s25  }
0xa9: {  	s8 =	sshll.u32 s26, $0x1;
	_ =	strace $0x80000046;
	[dreg:$0x1] =	wrdreg $0xFFFFFFFF  }
0xaa: {  	s28 =	simm.s32 $_size_execute0_lowered;
	s6 =	sadd.s32 s6, s8;
	[dreg:$0x0] =	wrdreg $0x0  }
0xab: {  	s8 =	sshll.u32 s28, $0x1;
	[dreg:$0x2] =	wrdreg s6  }
0xac: {  	[dreg:$0x3] =	wrdreg s8  }
0xad: {  	[dreg:$0x4] =	wrdreg $0xC0  }
0xae: {  	_ =	task [dreg:s10], $0x5FFFF  }
0xaf: {  	[dreg:$0x1] =	wrdreg $0xFFFFFFFF  }
0xb0: {  	[dreg:$0x0] =	wrdreg $0x60  }
0xb1: {  	[dreg:$0x2] =	wrdreg s2  }
0xb2: {  	[dreg:$0x3] =	wrdreg s18  }
0xb3: {  	[dreg:$0x4] =	wrdreg s4  }
0xb4: {  	[dreg:$0x5] =	wrdreg s5  }
0xb5: {  	[dreg:$0x6] =	wrdreg s24  }
0xb6: {  	[dreg:$0x7] =	wrdreg $0x1D2000  }
0xb7: {  	[dreg:$0x8] =	wrdreg $0x9  }
0xb8: {  	_ =	task.clear_ibuf [dreg:s10], $0x9FFFF;
	_ =	strace $0x90000046  }
0xb9: {  	s29 =	simm.s32 $0x9;
	_ =	strace $0x80000048  }
0xba: {  	_ =	swait.ge [sflag:s29], $0x1  }
0xbb: {  	[sflag:s29] =	ssyncadd.s32 $0xFFFFFFFF  }
0xbc: {  	_ =	strace $0x90000048  }
0xbd: {  	_ =	sfence  }
0xbe: {  	s30 =	sld [smem:$0x0];
	_ =	sdelay $0x2  }
0xbf: {  	s31 =	sshll.u32 s1, $0xD;
	s1 =	sshrl.u32 s1, $0x2  }
0xc0: {  	s3 =	sand.u32 $0x4000, s31;
	s1 =	sadd.s32 s1, s30  }
0xc1: {  	s0 =	sor.u32 s3, s0;
	s1 =	sshll.u32 s1, $0x11  }
0xc2: {  	s0 =	sor.u32 s1, s0  }
0xc3: {  	s0 =	sadd.s32 $0x8F2B, s0  }
0xc4: {  	[sflag:s0] =	ssyncadd.remote.s32 $0x1  }
0xc5: {  	_ =	sfence.sel $0xFFFF  }
0xc6: {  	[dreg:$0x0] =	wrdreg $0xFFFFFFFF;
	(pc) =	sbr.abs _section_cstart, $3  }
0xc7: {  	[dreg:$0x1] =	wrdreg $0xFFFFFFFF  }
0xc8: {  	_ =	task.clear_ibuf [dreg:s10], $0x2FFFF;
	_ =	strace $0x9FFFFFFF  }
0xc9: {  	(tm) =	ssettm $0x7FFFFFFF  }
tec
execute0_lowered:
.L_overlay_start_1:
0x0: {  	(tag) =	ssettag $0x1  }
0x1: {  	s1 =	rddreg [dreg:$0x1]  }
0x2: {  	s3 =	rddreg [dreg:$0x2]  }
0x3: {  	s0 =	rddreg [dreg:$0x3]  }
0x4: {  	s2 =	rddreg [dreg:$0x4];
	s4 =	srdreg.scid  }
0x5: {  	s9 =	stileid.u32;
	s5 =	rddreg [dreg:$0x5]  }
0x6: {  	s6 =	simm.s32 $0x0;
	s30 =	simm.s32 $0x19100;
	s28 =	simm.s32 $0xA00  }
0x7: {  	s29 =	simm.s32 $0x1A500;
	s31 =	simm.s32 $0x2;
	s4 =	sand.u32 $0x1, s4  }
0x8: {  	s7 =	smul.u32 $0x3100, s9;
	[smem:$0x7FF] =	sst s6;
	s8 =	sshll.u32 s4, $0x7  }
0x9: {  	_ =	strace $0x80000047;
	s17 =	sshll.u32 s4, $0x4;
	s4 =	ssub.s32 $0x2, s4  }
0xa: {  	s7 =	sor.u32 s8, s7;
	s8 =	sor.u32 s9, s17;
	s9 =	smul.u32 $0x1880, s9  }
0xb: {  	s18 =	sshrl.u32 s4, $0x1;
	s7 =	sshrl.u32 s7, $0x3;
	s10 =	smul.u32 $0x140, s8  }
0xc: {  	s4 =	ssub.s32 s4, s18;
	s19 =	smul.u32 $0xA0, s8;
	s11 =	sor.u32 $0x20, s8  }
0xd: {  	s16 =	ssub.s32 $0x1388, s8;
	s17 =	sor.u32 $0x40, s8;
	s18 =	ssub.s32 $0x1368, s8  }
0xe: {  	s2 =	sadd.s32 s7, s2;
	s12 =	sadd.s32 s9, s5;
	s9 =	sshrl.u32 s9, $0x3  }
0xf: {  	s20 =	smul.u32 $0x140, s11;
	s26 =	smax.u32 s4, $0x1;
	[dreg:$0x7] =	wrdreg s12  }
0x10: {  	s21 =	smul.u32 $0xA0, s11;
	s0 =	sadd.s32 s0, s9;
	[dreg:$0x10] =	wrdreg s26  }
0x11: {  	s4 =	simm.s32 $0x1AF00;
	s22 =	sadd.s32 s1, s10;
	[dreg:$0x8] =	wrdreg s0  }
0x12: {  	s9 =	sadd.s32 $0x10, s1;
	s7 =	sadd.s32 s3, s19;
	[dreg:$0x9] =	wrdreg s22  }
0x13: {  	s19 =	sor.u32 $0x60, s8;
	s25 =	sadd.s32 $0x1000, s2;
	[dreg:$0xb] =	wrdreg s7  }
0x14: {  	s26 =	simm.s32 $0x18700;
	s10 =	sadd.s32 s10, s9;
	[dreg:$0xf] =	wrdreg s25  }
.Ltmp0:
0x15: {  	s23 =	sadd.s32 s1, s20;
	[dreg:$0xa] =	wrdreg s10;
	(pc) =	sbr.rel .LBB2_1-.Ltmp0, $4  }
0x16: {  	s2 =	simm.s32 $0x3;
	s24 =	sadd.s32 s20, s9;
	[dreg:$0xc] =	wrdreg s23  }
0x17: {  	s0 =	sadd.s32 s3, s21;
	s20 =	sor.u32 $0x80, s8;
	[dreg:$0xd] =	wrdreg s24  }
0x18: {  	s7 =	simm.s32 $0x19B00;
	s8 =	simm.s32 $0x1B900;
	[dreg:$0xe] =	wrdreg s0  }
0x19: {  	s23 =	simm.s32 $0x7;
	s0 =	simm.s32 $0x1;
	s10 =	simm.s32 $0x0  }
.LBB2_15:
0x1a: {  	[bflag:$0x0] =	sbarrier.arrive $0xFFFF  }
0x1b: {  	s11 =	rddreg [dreg:$0xf]  }
0x1c: {  	s13 =	simm.s32 $0x20;
	s14 =	simm.s32 $0x10;
	s15 =	rddreg [dreg:$0x11]  }
0x1d: {  	[hbm:s11@s13], [sflag:s15] =	dma.strided [spmem:s12@s14], $0x310, s0, $0x10   }
0x1e: {  	_ =	swait.ge [sflag:s23], $0x310  }
0x1f: {  	s10 =	sadd.s32 $0x1, s10;
	s25 =	rddreg [dreg:$0x10]  }
0x20: {  	p0 =	sne.s32 s10, s25  }
.Ltmp1:
0x21: {  	_ = 	snop;
	(pc) =	sbr.rel @!p0 .LBB2_16-.Ltmp1, $3  }
0x22: {  	_ =	sdelay $0x1  }
0x23: {  	[sflag:s23] =	ssyncset.done $0x0  }
0x24: {  	[sflag:s23] =	ssyncadd.s32 $0xFFFFFCF0  }
.LBB2_1:
0x25: {  	s11 =	rddreg [dreg:$0x0]  }
0x26: {  	[tilespmem:s6], [sflag:$0x7] =	stream.linear.gather [hbm4b:s11+s6], $0x18700, $0x38;
	[tilespmem:$0x1EA80] =	vst v63  }
0x27: {  	s13 =	stileid.u32;
	_ =	swait.ge [sflag:s23], $0x18700  }
0x28: {  	s11 =	sshll.u32 s13, $0x6;
	s14 =	rddreg [dreg:$0x7]  }
0x29: {  	s13 =	sor.u32 $0x1C07, s11;
	[sflag:s23] =	ssyncset.done $0x0;
	s15 =	rddreg [dreg:$0x8]  }
0x2a: {  	[dreg:$0x11] =	wrdreg s13;
	[sflag:s23] =	ssyncadd.s32 $0xFFFE7900;
	s12 =	sshrl.u32 s14, $0x3  }
0x2b: {  	[spmem:s12], [sflag:s13] =	dma.local [hbm:s15], $0x310  }
0x2c: {  	_ =	swait.ge [sflag:s23], $0x310  }
0x2d: {  	[sflag:s23] =	ssyncset.done $0x0  }
0x2e: {  	[sflag:s23] =	ssyncadd.s32 $0xFFFFFCF0  }
0x2f: {  	[bflag:$0x0] =	sbarrier.arrive $0xFFFF  }
0x30: {  	s14 =	simm.s32 $0x100;
	s13 =	simm.s32 $0x80;
	s21 =	rddreg [dreg:$0x9]  }
0x31: {  	[tilespmem:s26], [sflag:$0x1] =	stream.strided.gather [hbm4b:s21+s13], $0x500, s14, s13, $0x38;
	[tilespmem:$0x1EA80] =	vst v63  }
0x32: {  	s15 =	simm.s32 $0x18C00;
	s22 =	rddreg [dreg:$0xa]  }
0x33: {  	[tilespmem:s15], [sflag:$0x1] =	stream.strided.gather [hbm4b:s22+s13], $0x500, s14, s13, $0x38;
	[tilespmem:$0x1EA80] =	vst v63  }
0x34: {  	s25 =	simm.s32 $0x1C300;
	s24 =	rddreg [dreg:$0xb]  }
0x35: {  	[tilespmem:s25], [sflag:$0x1] =	stream.linear.gather [hbm4b:s24+s6], $0x500, $0x38;
	[tilespmem:$0x1EA80] =	vst v63  }
0x36: {  	s15 =	rddreg [dreg:$0xc]  }
0x37: {  	[tilespmem:s30], [sflag:$0x2] =	stream.strided.gather [hbm4b:s15+s13], $0x500, s14, s13, $0x38;
	[tilespmem:$0x1EA80] =	vst v63  }
.Ltmp2:
0x38: {  	_ = 	snop;
	(pc) =	sbr.rel .LBB2_2-.Ltmp2, $4  }
0x39: {  	s21 =	rddreg [dreg:$0xd];
	s22 =	simm.s32 $0x19600  }
0x3a: {  	[tilespmem:s22], [sflag:$0x2] =	stream.strided.gather [hbm4b:s21+s13], $0x500, s14, s13, $0x38;
	[tilespmem:$0x1EA80] =	vst v63  }
0x3b: {  	s24 =	rddreg [dreg:$0xe];
	s25 =	simm.s32 $0x1C800;
	s13 =	simm.s32 $0x0  }
0x3c: {  	[tilespmem:s25], [sflag:$0x2] =	stream.linear.gather [hbm4b:s24+s6], $0x500, $0x38;
	[tilespmem:$0x1EA80] =	vst v63  }
.LBB2_14:
0x3d: {  	s11 =	sadd.s32 s20, s14  }
0x3e: {  	s14 =	simm.s32 @!p1 $0x5;
	p0 =	sgt.u32 s11, $0x1387  }
0x3f: {  	s13 =	sadd.s32 $0x1, s13;
	_ =	swait.ge @!p1 [sflag:s14], $0xA00;
	s15 =	smul.u32 @!p0 $0x140, s11  }
0x40: {  	[sflag:s14] =	ssyncset.done @!p1 $0x0;
	s21 =	simm.s32 @!p0 $0x80;
	s22 =	simm.s32 @!p0 $0x100  }
0x41: {  	s24 =	simm.s32 @!p0 $0x19100;
	[sflag:s14] =	ssyncadd.s32 @!p1 $0xFFFFF600;
	s14 =	sadd.s32 @!p0 s1, s15  }
0x42: {  	[tilespmem:s24], [sflag:$0x2] =	stream.strided.gather @!p0 [hbm4b:s14+s21], $0x500, s22, s21, $0x38;
	[tilespmem:$0x1EA80] =	vst v63  }
0x43: {  	s11 =	smul.u32 @!p0 $0xA0, s11;
	s14 =	sadd.s32 @!p0 s15, s9;
	s15 =	simm.s32 @!p0 $0x19600  }
0x44: {  	[tilespmem:s15], [sflag:$0x2] =	stream.strided.gather @!p0 [hbm4b:s14+s21], $0x500, s22, s21, $0x38;
	[tilespmem:$0x1EA80] =	vst v63  }
0x45: {  	s11 =	sadd.s32 @!p0 s3, s11;
	s14 =	simm.s32 @!p0 $0x0;
	s15 =	simm.s32 @!p0 $0x1C800  }
0x46: {  	[tilespmem:s15], [sflag:$0x2] =	stream.linear.gather @!p0 [hbm4b:s11+s14], $0x500, $0x38;
	[tilespmem:$0x1EA80] =	vst v63  }
0x47: {  	p0 =	sne.s32 s13, $0x35  }
.Ltmp3:
0x48: {  	_ = 	snop;
	(pc) =	sbr.rel @!p0 .LBB2_15-.Ltmp3, $1  }
0x49: {  	_ =	sdelay $0x3  }
.LBB2_2:
0x4a: {  	s14 =	smul.u32 $0x60, s13;
	_ =	sdelay $0x1  }
0x4b: {  	p0 =	sge.u32 s14, s16  }
.Ltmp4:
0x4c: {  	_ = 	snop;
	(pc) =	sbr.rel @p0 .LBB2_6-.Ltmp4, $1  }
0x4d: {  	_ =	sdelay $0x3  }
0x4e: {  	_ =	swait.ge [sflag:s0], $0x500  }
0x4f: {  	[sflag:s0] =	ssyncset.done $0x0  }
0x50: {  	[sflag:s0] =	ssyncadd.s32 $0xFFFFFB00  }
0x51: {  	_ =	swait.ge [sflag:s0], $0x500  }
0x52: {  	[sflag:s0] =	ssyncset.done $0x0  }
0x53: {  	[sflag:s0] =	ssyncadd.s32 $0xFFFFFB00  }
0x54: {  	_ =	swait.ge [sflag:s0], $0x500  }
0x55: {  	[sflag:s0] =	ssyncset.done $0x0  }
0x56: {  	s15 =	simm.s32 $0x18C70;
	[sflag:s0] =	ssyncadd.s32 $0xFFFFFB00  }
0x57: {  	v0 =	vld [tilespmem:s15+$0xFFFFFFB0]  }
0x58: {  	v1 =	vld [tilespmem:s15+$0xFFFFFAC0]  }
0x59: {  	v2 =	vld [tilespmem:s15+$0xFFFFFFC0]  }
0x5a: {  	v3 =	vld [tilespmem:s15+$0xFFFFFAB0]  }
0x5b: {  	v4 =	vld [tilespmem:s15+$0xFFFFFFA0]  }
0x5c: {  	v5 =	vld [tilespmem:s15+$0xFFFFFAA0]  }
0x5d: {  	v6 =	vld [tilespmem:s15+$0xFFFFFA90]  }
0x5e: {  	v7 =	vld [tilespmem:s15+$0xFFFFFF90]  }
0x5f: {  	v0 =	vld.idx.msk [tilespmem:v0+s6+$0x0], $0xffff  }
0x60: {  	v1 =	vld.idx.msk [tilespmem:v1+s6+$0x0], $0xffff  }
0x61: {  	v2 =	vld.idx.msk [tilespmem:v2+s6+$0x0], $0xffff  }
0x62: {  	v3 =	vld.idx.msk [tilespmem:v3+s6+$0x0], $0xffff  }
0x63: {  	v4 =	vld.idx.msk [tilespmem:v4+s6+$0x0], $0xffff  }
0x64: {  	v5 =	vld.idx.msk [tilespmem:v5+s6+$0x0], $0xffff  }
0x65: {  	v6 =	vld.idx.msk [tilespmem:v6+s6+$0x0], $0xffff  }
0x66: {  	v7 =	vld.idx.msk [tilespmem:v7+s6+$0x0], $0xffff  }
0x67: {  	v1 =	vsub.f32 v2, v1  }
0x68: {  	v0 =	vsub.f32 v0, v3  }
0x69: {  	v3 =	vsub.f32 v4, v5;
	v2 =	vmul.f32 $1.591549370e-01, v1  }
0x6a: {  	v4 =	vmul.f32 $1.591549370e-01, v0  }
0x6b: {  	v5 =	vsub.f32 v7, v6;
	v6 =	vmul.f32 $1.591549370e-01, v3;
	v2 =	vadd.f32 $1.258291200e+07, v2  }
0x6c: {  	v4 =	vadd.f32 $1.258291200e+07, v4  }
0x6d: {  	v6 =	vadd.f32 $1.258291200e+07, v6;
	v2 =	vadd.f32 $-1.258291200e+07, v2  }
0x6e: {  	v7 =	vmul.f32 $1.591549370e-01, v5;
	v4 =	vadd.f32 $-1.258291200e+07, v4  }
0x6f: {  	v6 =	vadd.f32 $-1.258291200e+07, v6;
	v2 =	vmul.f32 $6.283185480e+00, v2  }
0x70: {  	v7 =	vadd.f32 $1.258291200e+07, v7;
	v4 =	vmul.f32 $6.283185480e+00, v4  }
0x71: {  	v6 =	vmul.f32 $6.283185480e+00, v6;
	v1 =	vsub.f32 v1, v2  }
0x72: {  	v2 =	vadd.f32 $-1.258291200e+07, v7;
	v0 =	vsub.f32 v0, v4  }
0x73: {  	v3 =	vsub.f32 v3, v6;
	v4 =	vmul.f32 v1, v1  }
0x74: {  	v2 =	vmul.f32 $6.283185480e+00, v2;
	v6 =	vmul.f32 v0, v0  }
0x75: {  	v8 =	vmul.f32 v3, v3;
	v7 =	vmul.f32 v4, v4  }
0x76: {  	v2 =	vsub.f32 v5, v2;
	v5 =	vmul.f32 $1.930371070e-04, v4;
	v9 =	vmul.f32 $1.930371070e-04, v6  }
0x77: {  	v4 =	vmul.f32 $1.666308940e-01, v4;
	v12 =	vmul.f32 $1.666308940e-01, v6  }
0x78: {  	v13 =	vmul.f32 $1.930371070e-04, v8;
	v6 =	vmul.f32 v6, v6  }
0x79: {  	v15 =	vmul.f32 v8, v8;
	v5 =	vsub.f32 $8.311618110e-03, v5;
	v10 =	vmul.f32 $2.166583500e-06, v7  }
0x7a: {  	v11 =	vmul.f32 v2, v2;
	v9 =	vsub.f32 $8.311618110e-03, v9;
	v16 =	vmul.f32 $2.166583500e-06, v6  }
0x7b: {  	v4 =	vsub.f32 $9.999836080e-01, v4;
	v17 =	vmul.f32 $2.166583500e-06, v15;
	v5 =	vadd.f32 v10, v5  }
0x7c: {  	v13 =	vsub.f32 $8.311618110e-03, v13;
	v10 =	vmul.f32 $1.666308940e-01, v11;
	v14 =	vmul.f32 $1.930371070e-04, v11  }
0x7d: {  	s21 =	simm.s32 $0x1C340;
	v12 =	vsub.f32 $9.999836080e-01, v12;
	v11 =	vmul.f32 v11, v11;
	v5 =	vmul.f32 v5, v7  }
0x7e: {  	v8 =	vmul.f32 $1.666308940e-01, v8;
	v9 =	vadd.f32 v16, v9;
	v13 =	vadd.f32 v17, v13;
	v7 =	vld [tilespmem:s21+$0xFFFFFFF0]  }
0x7f: {  	v4 =	vadd.f32 v5, v4;
	v5 =	vsub.f32 $8.311618110e-03, v14;
	v14 =	vmul.f32 $2.166583500e-06, v11  }
0x80: {  	v8 =	vsub.f32 $9.999836080e-01, v8;
	v6 =	vmul.f32 v9, v6;
	v9 =	vmul.f32 v13, v15  }
0x81: {  	v1 =	vmul.f32 v4, v1;
	v4 =	vld [tilespmem:s21+$0xFFFFFFE0];
	v5 =	vadd.f32 v14, v5  }
0x82: {  	v13 =	vld [tilespmem:s21+$0xFFFFFFD0];
	v6 =	vadd.f32 v6, v12;
	v8 =	vadd.f32 v9, v8  }
0x83: {  	v1 =	vmul.f32 v1, v7;
	v7 =	vsub.f32 $9.999836080e-01, v10;
	v5 =	vmul.f32 v5, v11  }
0x84: {  	v9 =	vld [tilespmem:s21+$0xFFFFFFC0];
	v0 =	vmul.f32 v6, v0  }
0x85: {  	s22 =	simm.s32 $0x1AA70;
	v3 =	vmul.f32 v8, v3;
	v6 =	vsub.f32 $0.0e+00, v1;
	v5 =	vadd.f32 v5, v7  }
0x86: {  	[tilespmem:s22+$0xFFFFFAC0] =	vst v1;
	v0 =	vmul.f32 v0, v4  }
0x87: {  	[tilespmem:s22+$0xFFFFFFC0] =	vst v6;
	v1 =	vmul.f32 v5, v2;
	v2 =	vmul.f32 v3, v13  }
0x88: {  	[tilespmem:s22+$0xFFFFFAB0] =	vst v0;
	v0 =	vsub.f32 $0.0e+00, v0  }
0x89: {  	v1 =	vmul.f32 v1, v9;
	[tilespmem:s22+$0xFFFFFAA0] =	vst v2;
	v2 =	vsub.f32 $0.0e+00, v2  }
0x8a: {  	[tilespmem:s22+$0xFFFFFFB0] =	vst v0  }
0x8b: {  	v0 =	vsub.f32 $0.0e+00, v1;
	[tilespmem:s22+$0xFFFFFFA0] =	vst v2  }
0x8c: {  	[tilespmem:s22+$0xFFFFFA90] =	vst v1  }
0x8d: {  	[tilespmem:s22+$0xFFFFFF90] =	vst v0  }
0x8e: {  	v0 =	vld [tilespmem:s15+$0xFFFFFAD0]  }
0x8f: {  	v1 =	vld [tilespmem:s15+$0x0]  }
0x90: {  	v2 =	vld [tilespmem:s15+$0xFFFFFB00]  }
0x91: {  	v3 =	vld [tilespmem:s15+$0xFFFFFAF0]  }
0x92: {  	v6 =	vld [tilespmem:s15+$0xFFFFFFD0]  }
0x93: {  	v5 =	vld [tilespmem:s15+$0xFFFFFFF0]  }
0x94: {  	v4 =	vld [tilespmem:s15+$0xFFFFFAE0]  }
0x95: {  	v7 =	vld [tilespmem:s15+$0xFFFFFFE0]  }
0x96: {  	v0 =	vld.idx.msk [tilespmem:v0+s6+$0x0], $0xffff  }
0x97: {  	v1 =	vld.idx.msk [tilespmem:v1+s6+$0x0], $0xffff  }
0x98: {  	v2 =	vld.idx.msk [tilespmem:v2+s6+$0x0], $0xffff  }
0x99: {  	v3 =	vld.idx.msk [tilespmem:v3+s6+$0x0], $0xffff  }
0x9a: {  	v6 =	vld.idx.msk [tilespmem:v6+s6+$0x0], $0xffff  }
0x9b: {  	v5 =	vld.idx.msk [tilespmem:v5+s6+$0x0], $0xffff  }
0x9c: {  	v4 =	vld.idx.msk [tilespmem:v4+s6+$0x0], $0xffff  }
0x9d: {  	v7 =	vld.idx.msk [tilespmem:v7+s6+$0x0], $0xffff;
	v1 =	vsub.f32 v1, v2;
	_ =	sdelay $0x1  }
0x9e: {  	v0 =	vsub.f32 v6, v0;
	v2 =	vmul.f32 $1.591549370e-01, v1  }
0x9f: {  	v3 =	vsub.f32 v5, v3  }
0xa0: {  	v6 =	vmul.f32 $1.591549370e-01, v0;
	v2 =	vadd.f32 $1.258291200e+07, v2  }
0xa1: {  	v4 =	vsub.f32 v7, v4;
	v5 =	vmul.f32 $1.591549370e-01, v3  }
0xa2: {  	v6 =	vadd.f32 $1.258291200e+07, v6;
	v2 =	vadd.f32 $-1.258291200e+07, v2  }
0xa3: {  	v7 =	vmul.f32 $1.591549370e-01, v4;
	v5 =	vadd.f32 $1.258291200e+07, v5  }
0xa4: {  	v6 =	vadd.f32 $-1.258291200e+07, v6;
	v2 =	vmul.f32 $6.283185480e+00, v2  }
0xa5: {  	v7 =	vadd.f32 $1.258291200e+07, v7;
	v5 =	vadd.f32 $-1.258291200e+07, v5  }
0xa6: {  	v6 =	vmul.f32 $6.283185480e+00, v6;
	v1 =	vsub.f32 v1, v2  }
0xa7: {  	v5 =	vmul.f32 $6.283185480e+00, v5;
	v2 =	vadd.f32 $-1.258291200e+07, v7  }
0xa8: {  	v0 =	vsub.f32 v0, v6;
	v7 =	vmul.f32 v1, v1  }
0xa9: {  	v8 =	vmul.f32 $6.283185480e+00, v2;
	v2 =	vsub.f32 v3, v5  }
0xaa: {  	v14 =	vmul.f32 v0, v0;
	v5 =	vmul.f32 v7, v7  }
0xab: {  	v6 =	vmul.f32 $1.930371070e-04, v7;
	v3 =	vsub.f32 v4, v8;
	v10 =	vmul.f32 v2, v2  }
0xac: {  	v4 =	vmul.f32 $1.666308940e-01, v7;
	v12 =	vmul.f32 $1.930371070e-04, v14  }
0xad: {  	v8 =	vmul.f32 $2.166583500e-06, v5;
	v9 =	vsub.f32 $8.311618110e-03, v6;
	v15 =	vmul.f32 v3, v3  }
0xae: {  	v6 =	vmul.f32 v10, v10;
	v7 =	vsub.f32 $9.999836080e-01, v4;
	v4 =	vmul.f32 v14, v14  }
0xaf: {  	v11 =	vadd.f32 v8, v9;
	v9 =	vmul.f32 v15, v15;
	v8 =	vmul.f32 $1.930371070e-04, v15  }
0xb0: {  	v12 =	vsub.f32 $8.311618110e-03, v12;
	v17 =	vmul.f32 $1.930371070e-04, v10;
	v16 =	vmul.f32 $2.166583500e-06, v4  }
0xb1: {  	v13 =	vmul.f32 $2.166583500e-06, v6;
	v18 =	vsub.f32 $8.311618110e-03, v8;
	v19 =	vmul.f32 $2.166583500e-06, v9  }
0xb2: {  	v8 =	vadd.f32 v16, v12;
	v12 =	vmul.f32 $1.666308940e-01, v10;
	v16 =	vsub.f32 $8.311618110e-03, v17  }
0xb3: {  	s25 =	simm.s32 $0x0;
	s11 =	simm.s32 $0x1C3C0;
	s24 =	simm.s32 $0x1AA70;
	v10 =	vmul.f32 $1.666308940e-01, v14;
	v14 =	vmul.f32 $1.666308940e-01, v15;
	v15 =	vadd.f32 v19, v18  }
.LBB2_4:
0xb4: {  	s25 =	sadd.s32 $0x2, s25;
	v13 =	vadd.f32 v13, v16;
	v5 =	vmul.f32 v11, v5;
	s15 =	sadd.s32 $0x80, s15;
	s22 =	sadd.s32 $0x80, s22  }
0xb5: {  	p1 =	slt.u32 s25, $0x12;
	v11 =	vld [tilespmem:s21+$0x30];
	v14 =	vsub.f32 $9.999836080e-01, v14;
	v9 =	vmul.f32 v15, v9  }
0xb6: {  	v12 =	vsub.f32 $9.999836080e-01, v12;
	v15 =	vld [tilespmem:s21+$0x10];
	v6 =	vmul.f32 v13, v6;
	v5 =	vadd.f32 v5, v7  }
0xb7: {  	v7 =	vld [tilespmem:s21+$0x20];
	v9 =	vadd.f32 v9, v14  }
0xb8: {  	v6 =	vadd.f32 v6, v12;
	v1 =	vmul.f32 v5, v1  }
0xb9: {  	v4 =	vmul.f32 v8, v4;
	v5 =	vsub.f32 $9.999836080e-01, v10;
	v3 =	vmul.f32 v9, v3  }
0xba: {  	v8 =	vld [tilespmem:s21+$0x0];
	v2 =	vmul.f32 v6, v2;
	v1 =	vmul.f32 v1, v11;
	s21 =	smov.u32 s11  }
0xbb: {  	v4 =	vadd.f32 v4, v5;
	v3 =	vmul.f32 v3, v15  }
0xbc: {  	v2 =	vmul.f32 v2, v7;
	[tilespmem:s24+$0xFFFFFB00] =	vst v1;
	v1 =	vsub.f32 $0.0e+00, v1  }
0xbd: {  	v0 =	vmul.f32 v4, v0;
	[tilespmem:s24+$0xFFFFFAE0] =	vst v3;
	v3 =	vsub.f32 $0.0e+00, v3  }
0xbe: {  	[tilespmem:s24+$0xFFFFFAF0] =	vst v2;
	v2 =	vsub.f32 $0.0e+00, v2  }
0xbf: {  	v0 =	vmul.f32 v0, v8;
	[tilespmem:s24+$0xFFFFFFE0] =	vst v3  }
0xc0: {  	[tilespmem:s24+$0xFFFFFFF0] =	vst v2  }
0xc1: {  	[tilespmem:s24+$0xFFFFFAD0] =	vst v0;
	v0 =	vsub.f32 $0.0e+00, v0  }
0xc2: {  	[tilespmem:s24+$0x0] =	vst v1  }
0xc3: {  	[tilespmem:s24+$0xFFFFFFD0] =	vst v0;
	s24 =	smov.u32 s22  }
0xc4: {  	v0 =	vld [tilespmem:s15+$0xFFFFFFB0]  }
0xc5: {  	v1 =	vld [tilespmem:s15+$0xFFFFFAC0]  }
0xc6: {  	v2 =	vld [tilespmem:s15+$0xFFFFFA90]  }
0xc7: {  	v3 =	vld [tilespmem:s15+$0xFFFFFFC0]  }
0xc8: {  	v4 =	vld [tilespmem:s15+$0xFFFFFAB0]  }
0xc9: {  	v5 =	vld [tilespmem:s15+$0xFFFFFFA0]  }
0xca: {  	v6 =	vld [tilespmem:s15+$0xFFFFFAA0]  }
0xcb: {  	v7 =	vld [tilespmem:s15+$0xFFFFFF90]  }
0xcc: {  	v0 =	vld.idx.msk [tilespmem:v0+s6+$0x0], $0xffff  }
0xcd: {  	v1 =	vld.idx.msk [tilespmem:v1+s6+$0x0], $0xffff  }
0xce: {  	v2 =	vld.idx.msk [tilespmem:v2+s6+$0x0], $0xffff  }
0xcf: {  	v3 =	vld.idx.msk [tilespmem:v3+s6+$0x0], $0xffff  }
0xd0: {  	v4 =	vld.idx.msk [tilespmem:v4+s6+$0x0], $0xffff  }
0xd1: {  	v5 =	vld.idx.msk [tilespmem:v5+s6+$0x0], $0xffff  }
0xd2: {  	v6 =	vld.idx.msk [tilespmem:v6+s6+$0x0], $0xffff  }
0xd3: {  	v7 =	vld.idx.msk [tilespmem:v7+s6+$0x0], $0xffff;
	_ =	sdelay $0x1  }
0xd4: {  	v1 =	vsub.f32 v3, v1  }
0xd5: {  	v0 =	vsub.f32 v0, v4  }
0xd6: {  	v3 =	vmul.f32 $1.591549370e-01, v1  }
0xd7: {  	v4 =	vsub.f32 v5, v6;
	v5 =	vmul.f32 $1.591549370e-01, v0  }
0xd8: {  	v2 =	vsub.f32 v7, v2;
	v3 =	vadd.f32 $1.258291200e+07, v3  }
0xd9: {  	v6 =	vmul.f32 $1.591549370e-01, v4;
	v5 =	vadd.f32 $1.258291200e+07, v5  }
0xda: {  	v7 =	vmul.f32 $1.591549370e-01, v2;
	v3 =	vadd.f32 $-1.258291200e+07, v3  }
0xdb: {  	v6 =	vadd.f32 $1.258291200e+07, v6;
	v5 =	vadd.f32 $-1.258291200e+07, v5  }
0xdc: {  	v7 =	vadd.f32 $1.258291200e+07, v7;
	v3 =	vmul.f32 $6.283185480e+00, v3  }
0xdd: {  	v6 =	vadd.f32 $-1.258291200e+07, v6;
	v5 =	vmul.f32 $6.283185480e+00, v5  }
0xde: {  	v7 =	vadd.f32 $-1.258291200e+07, v7;
	v1 =	vsub.f32 v1, v3  }
0xdf: {  	v3 =	vmul.f32 $6.283185480e+00, v6;
	v0 =	vsub.f32 v0, v5  }
0xe0: {  	v5 =	vmul.f32 $6.283185480e+00, v7;
	v6 =	vmul.f32 v1, v1  }
0xe1: {  	v3 =	vsub.f32 v4, v3;
	v4 =	vmul.f32 v0, v0  }
0xe2: {  	v2 =	vsub.f32 v2, v5;
	v5 =	vmul.f32 v6, v6;
	v7 =	vmul.f32 $1.930371070e-04, v6  }
0xe3: {  	v8 =	vmul.f32 v3, v3;
	v9 =	vmul.f32 $1.930371070e-04, v4  }
0xe4: {  	v6 =	vmul.f32 $1.666308940e-01, v6;
	v7 =	vsub.f32 $8.311618110e-03, v7;
	v10 =	vmul.f32 $2.166583500e-06, v5  }
0xe5: {  	v12 =	vmul.f32 $1.666308940e-01, v4;
	v11 =	vmul.f32 v2, v2;
	v9 =	vsub.f32 $8.311618110e-03, v9  }
0xe6: {  	v4 =	vmul.f32 v4, v4;
	v13 =	vmul.f32 $1.930371070e-04, v8;
	v7 =	vadd.f32 v10, v7  }
0xe7: {  	v14 =	vmul.f32 $1.666308940e-01, v8;
	v10 =	vmul.f32 $1.666308940e-01, v11  }
0xe8: {  	v8 =	vmul.f32 v8, v8;
	v15 =	vmul.f32 $1.930371070e-04, v11  }
0xe9: {  	v6 =	vsub.f32 $9.999836080e-01, v6;
	v16 =	vmul.f32 $2.166583500e-06, v4;
	v5 =	vmul.f32 v7, v5  }
0xea: {  	v11 =	vmul.f32 v11, v11;
	v13 =	vsub.f32 $8.311618110e-03, v13;
	v17 =	vmul.f32 $2.166583500e-06, v8;
	v7 =	vld [tilespmem:s11+$0xFFFFFFF0]  }
0xeb: {  	v9 =	vadd.f32 v16, v9;
	v5 =	vadd.f32 v5, v6  }
0xec: {  	v13 =	vadd.f32 v17, v13;
	v6 =	vsub.f32 $8.311618110e-03, v15;
	v15 =	vmul.f32 $2.166583500e-06, v11  }
0xed: {  	v12 =	vsub.f32 $9.999836080e-01, v12;
	v4 =	vmul.f32 v9, v4;
	v1 =	vmul.f32 v5, v1  }
0xee: {  	v9 =	vsub.f32 $9.999836080e-01, v14;
	v8 =	vmul.f32 v13, v8;
	v6 =	vadd.f32 v15, v6;
	v5 =	vld [tilespmem:s11+$0xFFFFFFE0]  }
0xef: {  	v4 =	vadd.f32 v4, v12;
	v13 =	vld [tilespmem:s11+$0xFFFFFFD0];
	v1 =	vmul.f32 v1, v7  }
0xf0: {  	v10 =	vsub.f32 $9.999836080e-01, v10;
	v8 =	vadd.f32 v8, v9;
	v6 =	vmul.f32 v6, v11;
	v7 =	vld [tilespmem:s11+$0xFFFFFFC0]  }
0xf1: {  	v0 =	vmul.f32 v4, v0;
	[tilespmem:s22+$0xFFFFFAC0] =	vst v1;
	v1 =	vsub.f32 $0.0e+00, v1  }
0xf2: {  	v3 =	vmul.f32 v8, v3;
	v4 =	vadd.f32 v6, v10  }
0xf3: {  	v0 =	vmul.f32 v0, v5;
	[tilespmem:s22+$0xFFFFFFC0] =	vst v1  }
0xf4: {  	v1 =	vmul.f32 v4, v2;
	v2 =	vmul.f32 v3, v13  }
0xf5: {  	[tilespmem:s22+$0xFFFFFAB0] =	vst v0;
	v0 =	vsub.f32 $0.0e+00, v0  }
0xf6: {  	v1 =	vmul.f32 v1, v7;
	[tilespmem:s22+$0xFFFFFAA0] =	vst v2;
	v2 =	vsub.f32 $0.0e+00, v2  }
0xf7: {  	[tilespmem:s22+$0xFFFFFFB0] =	vst v0  }
0xf8: {  	v0 =	vsub.f32 $0.0e+00, v1;
	[tilespmem:s22+$0xFFFFFFA0] =	vst v2  }
0xf9: {  	[tilespmem:s22+$0xFFFFFA90] =	vst v1  }
0xfa: {  	[tilespmem:s22+$0xFFFFFF90] =	vst v0  }
0xfb: {  	v0 =	vld [tilespmem:s15+$0xFFFFFAD0]  }
0xfc: {  	v1 =	vld [tilespmem:s15+$0x0]  }
0xfd: {  	v2 =	vld [tilespmem:s15+$0xFFFFFB00]  }
0xfe: {  	v3 =	vld [tilespmem:s15+$0xFFFFFAF0]  }
0xff: {  	v4 =	vld [tilespmem:s15+$0xFFFFFAE0]  }
0x100: {  	v5 =	vld [tilespmem:s15+$0xFFFFFFF0]  }
0x101: {  	v6 =	vld [tilespmem:s15+$0xFFFFFFD0]  }
0x102: {  	v7 =	vld [tilespmem:s15+$0xFFFFFFE0]  }
0x103: {  	v0 =	vld.idx.msk [tilespmem:v0+s6+$0x0], $0xffff  }
0x104: {  	v1 =	vld.idx.msk [tilespmem:v1+s6+$0x0], $0xffff  }
0x105: {  	v2 =	vld.idx.msk [tilespmem:v2+s6+$0x0], $0xffff  }
0x106: {  	v3 =	vld.idx.msk [tilespmem:v3+s6+$0x0], $0xffff  }
0x107: {  	v4 =	vld.idx.msk [tilespmem:v4+s6+$0x0], $0xffff  }
0x108: {  	v5 =	vld.idx.msk [tilespmem:v5+s6+$0x0], $0xffff  }
0x109: {  	v6 =	vld.idx.msk [tilespmem:v6+s6+$0x0], $0xffff  }
0x10a: {  	v7 =	vld.idx.msk [tilespmem:v7+s6+$0x0], $0xffff  }
0x10b: {  	v1 =	vsub.f32 v1, v2;
	_ =	sdelay $0x1  }
0x10c: {  	v2 =	vmul.f32 $1.591549370e-01, v1  }
0x10d: {  	v3 =	vsub.f32 v5, v3  }
0x10e: {  	v0 =	vsub.f32 v6, v0;
	v2 =	vadd.f32 $1.258291200e+07, v2  }
0x10f: {  	v4 =	vsub.f32 v7, v4;
	v5 =	vmul.f32 $1.591549370e-01, v3  }
0x110: {  	v6 =	vmul.f32 $1.591549370e-01, v0;
	v2 =	vadd.f32 $-1.258291200e+07, v2  }
0x111: {  	v7 =	vmul.f32 $1.591549370e-01, v4;
	v5 =	vadd.f32 $1.258291200e+07, v5  }
0x112: {  	v6 =	vadd.f32 $1.258291200e+07, v6;
	v2 =	vmul.f32 $6.283185480e+00, v2  }
0x113: {  	v7 =	vadd.f32 $1.258291200e+07, v7;
	v5 =	vadd.f32 $-1.258291200e+07, v5  }
0x114: {  	v6 =	vadd.f32 $-1.258291200e+07, v6;
	v1 =	vsub.f32 v1, v2  }
0x115: {  	v2 =	vadd.f32 $-1.258291200e+07, v7;
	v5 =	vmul.f32 $6.283185480e+00, v5  }
0x116: {  	v6 =	vmul.f32 $6.283185480e+00, v6;
	v7 =	vmul.f32 v1, v1  }
0x117: {  	v8 =	vmul.f32 $6.283185480e+00, v2;
	v2 =	vsub.f32 v3, v5  }
0x118: {  	v0 =	vsub.f32 v0, v6;
	v5 =	vmul.f32 v7, v7;
	v6 =	vmul.f32 $1.930371070e-04, v7  }
0x119: {  	v3 =	vsub.f32 v4, v8;
	v10 =	vmul.f32 v2, v2;
	v4 =	vmul.f32 $1.666308940e-01, v7  }
0x11a: {  	v14 =	vmul.f32 v0, v0;
	v8 =	vsub.f32 $8.311618110e-03, v6;
	v9 =	vmul.f32 $2.166583500e-06, v5  }
0x11b: {  	v15 =	vmul.f32 v3, v3;
	v6 =	vmul.f32 v10, v10;
	v7 =	vsub.f32 $9.999836080e-01, v4  }
0x11c: {  	v4 =	vmul.f32 v14, v14;
	v12 =	vmul.f32 $1.930371070e-04, v14;
	v11 =	vadd.f32 v9, v8  }
.Ltmp5:
0x11d: {  	v9 =	vmul.f32 v15, v15;
	v8 =	vmul.f32 $1.930371070e-04, v15;
	(pc) =	sbr.rel @p1 .LBB2_4-.Ltmp5, $4  }
0x11e: {  	v17 =	vmul.f32 $1.930371070e-04, v10;
	v12 =	vsub.f32 $8.311618110e-03, v12;
	v16 =	vmul.f32 $2.166583500e-06, v4  }
0x11f: {  	v13 =	vmul.f32 $2.166583500e-06, v6;
	v18 =	vsub.f32 $8.311618110e-03, v8;
	v19 =	vmul.f32 $2.166583500e-06, v9  }
0x120: {  	v8 =	vadd.f32 v16, v12;
	v12 =	vmul.f32 $1.666308940e-01, v10;
	v16 =	vsub.f32 $8.311618110e-03, v17  }
0x121: {  	s11 =	sadd.s32 $0x80, s11;
	v10 =	vmul.f32 $1.666308940e-01, v14;
	v14 =	vmul.f32 $1.666308940e-01, v15;
	v15 =	vadd.f32 v19, v18  }
0x122: {  	v5 =	vmul.f32 v11, v5  }
0x123: {  	v13 =	vadd.f32 v13, v16;
	v59 =	vld [tilespmem:s21+$0x30];
	v14 =	vsub.f32 $9.999836080e-01, v14;
	v9 =	vmul.f32 v15, v9  }
0x124: {  	v60 =	vld [tilespmem:s21+$0x10];
	v4 =	vmul.f32 v8, v4;
	v62 =	vsub.f32 $9.999836080e-01, v10;
	v5 =	vadd.f32 v5, v7  }
0x125: {  	v12 =	vsub.f32 $9.999836080e-01, v12;
	v63 =	vld [tilespmem:s21+$0x0];
	v6 =	vmul.f32 v13, v6;
	v9 =	vadd.f32 v9, v14  }
0x126: {  	v61 =	vld [tilespmem:s21+$0x20];
	v4 =	vadd.f32 v4, v62;
	v1 =	vmul.f32 v5, v1  }
0x127: {  	v6 =	vadd.f32 v6, v12;
	v3 =	vmul.f32 v9, v3  }
0x128: {  	v0 =	vmul.f32 v4, v0;
	v1 =	vmul.f32 v1, v59  }
0x129: {  	v2 =	vmul.f32 v6, v2;
	v3 =	vmul.f32 v3, v60  }
0x12a: {  	v0 =	vmul.f32 v0, v63;
	[tilespmem:s24+$0xFFFFFB00] =	vst v1  }
0x12b: {  	v2 =	vmul.f32 v2, v61;
	[tilespmem:s24+$0xFFFFFAE0] =	vst v3  }
0x12c: {  	v1 =	vsub.f32 $0.0e+00, v1;
	[tilespmem:s24+$0xFFFFFAD0] =	vst v0  }
0x12d: {  	v3 =	vsub.f32 $0.0e+00, v3;
	[tilespmem:s24+$0xFFFFFAF0] =	vst v2  }
0x12e: {  	v0 =	vsub.f32 $0.0e+00, v0;
	[tilespmem:s24+$0x0] =	vst v1  }
0x12f: {  	v2 =	vsub.f32 $0.0e+00, v2;
	[tilespmem:s24+$0xFFFFFFE0] =	vst v3  }
0x130: {  	[tilespmem:s24+$0xFFFFFFD0] =	vst v0  }
0x131: {  	[tilespmem:s24+$0xFFFFFFF0] =	vst v2  }
0x132: {  	[spmem:s5] =	stream.indirect.scatter.add.f32 [tilespmem:s29], [sflag:$0x4], $0x1, s26, s28, $0xb8;
	[tilespmem:$0x1EA80] =	vst v63  }
.LBB2_6:
0x133: {  	p1 =	seq.s32 s13, $0x0;
	s11 =	sadd.s32 s17, s14  }
0x134: {  	s15 =	simm.s32 @!p1 $0x6;
	p2 =	sgt.u32 s11, $0x1387  }
0x135: {  	_ =	swait.ge @!p1 [sflag:s15], $0xA00;
	s21 =	smul.u32 @!p2 $0x140, s11;
	s22 =	simm.s32 @!p2 $0x80  }
0x136: {  	s24 =	simm.s32 @!p2 $0x100;
	s25 =	simm.s32 @!p2 $0x19B00;
	[sflag:s15] =	ssyncset.done @!p1 $0x0  }
0x137: {  	[sflag:s15] =	ssyncadd.s32 @!p1 $0xFFFFF600;
	s15 =	sadd.s32 @!p2 s1, s21;
	p1 =	sge.u32 s14, s18  }
0x138: {  	[tilespmem:s25], [sflag:$0x3] =	stream.strided.gather @!p2 [hbm4b:s15+s22], $0x500, s24, s22, $0x38;
	[tilespmem:$0x1EA80] =	vst v63  }
.Ltmp6:
0x139: {  	_ = 	snop;
	(pc) =	sbr.rel @p1 .LBB2_10-.Ltmp6, $4  }
0x13a: {  	s11 =	smul.u32 @!p2 $0xA0, s11;
	s15 =	sadd.s32 @!p2 s21, s9;
	s21 =	simm.s32 @!p2 $0x1A000  }
0x13b: {  	[tilespmem:s21], [sflag:$0x3] =	stream.strided.gather @!p2 [hbm4b:s15+s22], $0x500, s24, s22, $0x38;
	[tilespmem:$0x1EA80] =	vst v63  }
0x13c: {  	s11 =	sadd.s32 @!p2 s3, s11;
	s15 =	simm.s32 @!p2 $0x0;
	s21 =	simm.s32 @!p2 $0x1CD00  }
0x13d: {  	[tilespmem:s21], [sflag:$0x3] =	stream.linear.gather @!p2 [hbm4b:s11+s15], $0x500, $0x38;
	[tilespmem:$0x1EA80] =	vst v63  }
0x13e: {  	_ =	swait.ge [sflag:s31], $0x500  }
0x13f: {  	[sflag:s31] =	ssyncset.done $0x0  }
0x140: {  	[sflag:s31] =	ssyncadd.s32 $0xFFFFFB00  }
0x141: {  	_ =	swait.ge [sflag:s31], $0x500  }
0x142: {  	[sflag:s31] =	ssyncset.done $0x0  }
0x143: {  	[sflag:s31] =	ssyncadd.s32 $0xFFFFFB00  }
0x144: {  	_ =	swait.ge [sflag:s31], $0x500  }
0x145: {  	[sflag:s31] =	ssyncset.done $0x0  }
0x146: {  	s15 =	simm.s32 $0x19670;
	[sflag:s31] =	ssyncadd.s32 $0xFFFFFB00  }
0x147: {  	v0 =	vld [tilespmem:s15+$0xFFFFFFB0]  }
0x148: {  	v1 =	vld [tilespmem:s15+$0xFFFFFAC0]  }
0x149: {  	v2 =	vld [tilespmem:s15+$0xFFFFFFC0]  }
0x14a: {  	v3 =	vld [tilespmem:s15+$0xFFFFFAB0]  }
0x14b: {  	v4 =	vld [tilespmem:s15+$0xFFFFFFA0]  }
0x14c: {  	v5 =	vld [tilespmem:s15+$0xFFFFFAA0]  }
0x14d: {  	v6 =	vld [tilespmem:s15+$0xFFFFFA90]  }
0x14e: {  	v7 =	vld [tilespmem:s15+$0xFFFFFF90]  }
0x14f: {  	v0 =	vld.idx.msk [tilespmem:v0+s6+$0x0], $0xffff  }
0x150: {  	v1 =	vld.idx.msk [tilespmem:v1+s6+$0x0], $0xffff  }
0x151: {  	v2 =	vld.idx.msk [tilespmem:v2+s6+$0x0], $0xffff  }
0x152: {  	v3 =	vld.idx.msk [tilespmem:v3+s6+$0x0], $0xffff  }
0x153: {  	v4 =	vld.idx.msk [tilespmem:v4+s6+$0x0], $0xffff  }
0x154: {  	v5 =	vld.idx.msk [tilespmem:v5+s6+$0x0], $0xffff  }
0x155: {  	v6 =	vld.idx.msk [tilespmem:v6+s6+$0x0], $0xffff  }
0x156: {  	v7 =	vld.idx.msk [tilespmem:v7+s6+$0x0], $0xffff  }
0x157: {  	v1 =	vsub.f32 v2, v1  }
0x158: {  	v0 =	vsub.f32 v0, v3  }
0x159: {  	v3 =	vsub.f32 v4, v5;
	v2 =	vmul.f32 $1.591549370e-01, v1  }
0x15a: {  	v4 =	vmul.f32 $1.591549370e-01, v0  }
0x15b: {  	v5 =	vsub.f32 v7, v6;
	v6 =	vmul.f32 $1.591549370e-01, v3;
	v2 =	vadd.f32 $1.258291200e+07, v2  }
0x15c: {  	v4 =	vadd.f32 $1.258291200e+07, v4  }
0x15d: {  	v6 =	vadd.f32 $1.258291200e+07, v6;
	v2 =	vadd.f32 $-1.258291200e+07, v2  }
0x15e: {  	v7 =	vmul.f32 $1.591549370e-01, v5;
	v4 =	vadd.f32 $-1.258291200e+07, v4  }
0x15f: {  	v6 =	vadd.f32 $-1.258291200e+07, v6;
	v2 =	vmul.f32 $6.283185480e+00, v2  }
0x160: {  	v7 =	vadd.f32 $1.258291200e+07, v7;
	v4 =	vmul.f32 $6.283185480e+00, v4  }
0x161: {  	v6 =	vmul.f32 $6.283185480e+00, v6;
	v1 =	vsub.f32 v1, v2  }
0x162: {  	v2 =	vadd.f32 $-1.258291200e+07, v7;
	v0 =	vsub.f32 v0, v4  }
0x163: {  	v3 =	vsub.f32 v3, v6;
	v4 =	vmul.f32 v1, v1  }
0x164: {  	v2 =	vmul.f32 $6.283185480e+00, v2;
	v6 =	vmul.f32 v0, v0  }
0x165: {  	v8 =	vmul.f32 v3, v3;
	v7 =	vmul.f32 v4, v4  }
0x166: {  	v2 =	vsub.f32 v5, v2;
	v5 =	vmul.f32 $1.930371070e-04, v4;
	v9 =	vmul.f32 $1.930371070e-04, v6  }
0x167: {  	v4 =	vmul.f32 $1.666308940e-01, v4;
	v12 =	vmul.f32 $1.666308940e-01, v6  }
0x168: {  	v13 =	vmul.f32 $1.930371070e-04, v8;
	v6 =	vmul.f32 v6, v6  }
0x169: {  	v15 =	vmul.f32 v8, v8;
	v5 =	vsub.f32 $8.311618110e-03, v5;
	v10 =	vmul.f32 $2.166583500e-06, v7  }
0x16a: {  	v11 =	vmul.f32 v2, v2;
	v9 =	vsub.f32 $8.311618110e-03, v9;
	v16 =	vmul.f32 $2.166583500e-06, v6  }
0x16b: {  	v4 =	vsub.f32 $9.999836080e-01, v4;
	v17 =	vmul.f32 $2.166583500e-06, v15;
	v5 =	vadd.f32 v10, v5  }
0x16c: {  	v13 =	vsub.f32 $8.311618110e-03, v13;
	v10 =	vmul.f32 $1.666308940e-01, v11;
	v14 =	vmul.f32 $1.930371070e-04, v11  }
0x16d: {  	s21 =	simm.s32 $0x1C840;
	v12 =	vsub.f32 $9.999836080e-01, v12;
	v11 =	vmul.f32 v11, v11;
	v5 =	vmul.f32 v5, v7  }
0x16e: {  	v8 =	vmul.f32 $1.666308940e-01, v8;
	v9 =	vadd.f32 v16, v9;
	v13 =	vadd.f32 v17, v13;
	v7 =	vld [tilespmem:s21+$0xFFFFFFF0]  }
0x16f: {  	v4 =	vadd.f32 v5, v4;
	v5 =	vsub.f32 $8.311618110e-03, v14;
	v14 =	vmul.f32 $2.166583500e-06, v11  }
0x170: {  	v8 =	vsub.f32 $9.999836080e-01, v8;
	v6 =	vmul.f32 v9, v6;
	v9 =	vmul.f32 v13, v15  }
0x171: {  	v1 =	vmul.f32 v4, v1;
	v4 =	vld [tilespmem:s21+$0xFFFFFFE0];
	v5 =	vadd.f32 v14, v5  }
0x172: {  	v13 =	vld [tilespmem:s21+$0xFFFFFFD0];
	v6 =	vadd.f32 v6, v12;
	v8 =	vadd.f32 v9, v8  }
0x173: {  	v1 =	vmul.f32 v1, v7;
	v7 =	vsub.f32 $9.999836080e-01, v10;
	v5 =	vmul.f32 v5, v11  }
0x174: {  	v9 =	vld [tilespmem:s21+$0xFFFFFFC0];
	v0 =	vmul.f32 v6, v0  }
0x175: {  	s22 =	simm.s32 $0x1B470;
	v3 =	vmul.f32 v8, v3;
	v6 =	vsub.f32 $0.0e+00, v1;
	v5 =	vadd.f32 v5, v7  }
0x176: {  	[tilespmem:s22+$0xFFFFFAC0] =	vst v1;
	v0 =	vmul.f32 v0, v4  }
0x177: {  	[tilespmem:s22+$0xFFFFFFC0] =	vst v6;
	v1 =	vmul.f32 v5, v2;
	v2 =	vmul.f32 v3, v13  }
0x178: {  	[tilespmem:s22+$0xFFFFFAB0] =	vst v0;
	v0 =	vsub.f32 $0.0e+00, v0  }
0x179: {  	v1 =	vmul.f32 v1, v9;
	[tilespmem:s22+$0xFFFFFAA0] =	vst v2;
	v2 =	vsub.f32 $0.0e+00, v2  }
0x17a: {  	[tilespmem:s22+$0xFFFFFFB0] =	vst v0  }
0x17b: {  	v0 =	vsub.f32 $0.0e+00, v1;
	[tilespmem:s22+$0xFFFFFFA0] =	vst v2  }
0x17c: {  	[tilespmem:s22+$0xFFFFFA90] =	vst v1  }
0x17d: {  	[tilespmem:s22+$0xFFFFFF90] =	vst v0  }
0x17e: {  	v0 =	vld [tilespmem:s15+$0xFFFFFAD0]  }
0x17f: {  	v1 =	vld [tilespmem:s15+$0x0]  }
0x180: {  	v2 =	vld [tilespmem:s15+$0xFFFFFB00]  }
0x181: {  	v3 =	vld [tilespmem:s15+$0xFFFFFAF0]  }
0x182: {  	v6 =	vld [tilespmem:s15+$0xFFFFFFD0]  }
0x183: {  	v5 =	vld [tilespmem:s15+$0xFFFFFFF0]  }
0x184: {  	v4 =	vld [tilespmem:s15+$0xFFFFFAE0]  }
0x185: {  	v7 =	vld [tilespmem:s15+$0xFFFFFFE0]  }
0x186: {  	v0 =	vld.idx.msk [tilespmem:v0+s6+$0x0], $0xffff  }
0x187: {  	v1 =	vld.idx.msk [tilespmem:v1+s6+$0x0], $0xffff  }
0x188: {  	v2 =	vld.idx.msk [tilespmem:v2+s6+$0x0], $0xffff  }
0x189: {  	v3 =	vld.idx.msk [tilespmem:v3+s6+$0x0], $0xffff  }
0x18a: {  	v6 =	vld.idx.msk [tilespmem:v6+s6+$0x0], $0xffff  }
0x18b: {  	v5 =	vld.idx.msk [tilespmem:v5+s6+$0x0], $0xffff  }
0x18c: {  	v4 =	vld.idx.msk [tilespmem:v4+s6+$0x0], $0xffff  }
0x18d: {  	v7 =	vld.idx.msk [tilespmem:v7+s6+$0x0], $0xffff;
	v1 =	vsub.f32 v1, v2;
	_ =	sdelay $0x1  }
0x18e: {  	v0 =	vsub.f32 v6, v0;
	v2 =	vmul.f32 $1.591549370e-01, v1  }
0x18f: {  	v3 =	vsub.f32 v5, v3  }
0x190: {  	v6 =	vmul.f32 $1.591549370e-01, v0;
	v2 =	vadd.f32 $1.258291200e+07, v2  }
0x191: {  	v4 =	vsub.f32 v7, v4;
	v5 =	vmul.f32 $1.591549370e-01, v3  }
0x192: {  	v6 =	vadd.f32 $1.258291200e+07, v6;
	v2 =	vadd.f32 $-1.258291200e+07, v2  }
0x193: {  	v7 =	vmul.f32 $1.591549370e-01, v4;
	v5 =	vadd.f32 $1.258291200e+07, v5  }
0x194: {  	v6 =	vadd.f32 $-1.258291200e+07, v6;
	v2 =	vmul.f32 $6.283185480e+00, v2  }
0x195: {  	v7 =	vadd.f32 $1.258291200e+07, v7;
	v5 =	vadd.f32 $-1.258291200e+07, v5  }
0x196: {  	v6 =	vmul.f32 $6.283185480e+00, v6;
	v1 =	vsub.f32 v1, v2  }
0x197: {  	v5 =	vmul.f32 $6.283185480e+00, v5;
	v2 =	vadd.f32 $-1.258291200e+07, v7  }
0x198: {  	v0 =	vsub.f32 v0, v6;
	v7 =	vmul.f32 v1, v1  }
0x199: {  	v8 =	vmul.f32 $6.283185480e+00, v2;
	v2 =	vsub.f32 v3, v5  }
0x19a: {  	v14 =	vmul.f32 v0, v0;
	v5 =	vmul.f32 v7, v7  }
0x19b: {  	v6 =	vmul.f32 $1.930371070e-04, v7;
	v3 =	vsub.f32 v4, v8;
	v10 =	vmul.f32 v2, v2  }
0x19c: {  	v4 =	vmul.f32 $1.666308940e-01, v7;
	v12 =	vmul.f32 $1.930371070e-04, v14  }
0x19d: {  	v8 =	vmul.f32 $2.166583500e-06, v5;
	v9 =	vsub.f32 $8.311618110e-03, v6;
	v15 =	vmul.f32 v3, v3  }
0x19e: {  	v6 =	vmul.f32 v10, v10;
	v7 =	vsub.f32 $9.999836080e-01, v4;
	v4 =	vmul.f32 v14, v14  }
0x19f: {  	v11 =	vadd.f32 v8, v9;
	v9 =	vmul.f32 v15, v15;
	v8 =	vmul.f32 $1.930371070e-04, v15  }
0x1a0: {  	v12 =	vsub.f32 $8.311618110e-03, v12;
	v17 =	vmul.f32 $1.930371070e-04, v10;
	v16 =	vmul.f32 $2.166583500e-06, v4  }
0x1a1: {  	v13 =	vmul.f32 $2.166583500e-06, v6;
	v18 =	vsub.f32 $8.311618110e-03, v8;
	v19 =	vmul.f32 $2.166583500e-06, v9  }
0x1a2: {  	v8 =	vadd.f32 v16, v12;
	v12 =	vmul.f32 $1.666308940e-01, v10;
	v16 =	vsub.f32 $8.311618110e-03, v17  }
0x1a3: {  	s25 =	simm.s32 $0x0;
	s11 =	simm.s32 $0x1C8C0;
	s24 =	simm.s32 $0x1B470;
	v10 =	vmul.f32 $1.666308940e-01, v14;
	v14 =	vmul.f32 $1.666308940e-01, v15;
	v15 =	vadd.f32 v19, v18  }
.LBB2_8:
0x1a4: {  	s25 =	sadd.s32 $0x2, s25;
	v13 =	vadd.f32 v13, v16;
	v5 =	vmul.f32 v11, v5;
	s15 =	sadd.s32 $0x80, s15;
	s22 =	sadd.s32 $0x80, s22  }
0x1a5: {  	p3 =	slt.u32 s25, $0x12;
	v11 =	vld [tilespmem:s21+$0x30];
	v14 =	vsub.f32 $9.999836080e-01, v14;
	v9 =	vmul.f32 v15, v9  }
0x1a6: {  	v12 =	vsub.f32 $9.999836080e-01, v12;
	v15 =	vld [tilespmem:s21+$0x10];
	v6 =	vmul.f32 v13, v6;
	v5 =	vadd.f32 v5, v7  }
0x1a7: {  	v7 =	vld [tilespmem:s21+$0x20];
	v9 =	vadd.f32 v9, v14  }
0x1a8: {  	v6 =	vadd.f32 v6, v12;
	v1 =	vmul.f32 v5, v1  }
0x1a9: {  	v4 =	vmul.f32 v8, v4;
	v5 =	vsub.f32 $9.999836080e-01, v10;
	v3 =	vmul.f32 v9, v3  }
0x1aa: {  	v8 =	vld [tilespmem:s21+$0x0];
	v2 =	vmul.f32 v6, v2;
	v1 =	vmul.f32 v1, v11;
	s21 =	smov.u32 s11  }
0x1ab: {  	v4 =	vadd.f32 v4, v5;
	v3 =	vmul.f32 v3, v15  }
0x1ac: {  	v2 =	vmul.f32 v2, v7;
	[tilespmem:s24+$0xFFFFFB00] =	vst v1;
	v1 =	vsub.f32 $0.0e+00, v1  }
0x1ad: {  	v0 =	vmul.f32 v4, v0;
	[tilespmem:s24+$0xFFFFFAE0] =	vst v3;
	v3 =	vsub.f32 $0.0e+00, v3  }
0x1ae: {  	[tilespmem:s24+$0xFFFFFAF0] =	vst v2;
	v2 =	vsub.f32 $0.0e+00, v2  }
0x1af: {  	v0 =	vmul.f32 v0, v8;
	[tilespmem:s24+$0xFFFFFFE0] =	vst v3  }
0x1b0: {  	[tilespmem:s24+$0xFFFFFFF0] =	vst v2  }
0x1b1: {  	[tilespmem:s24+$0xFFFFFAD0] =	vst v0;
	v0 =	vsub.f32 $0.0e+00, v0  }
0x1b2: {  	[tilespmem:s24+$0x0] =	vst v1  }
0x1b3: {  	[tilespmem:s24+$0xFFFFFFD0] =	vst v0;
	s24 =	smov.u32 s22  }
0x1b4: {  	v0 =	vld [tilespmem:s15+$0xFFFFFFB0]  }
0x1b5: {  	v1 =	vld [tilespmem:s15+$0xFFFFFAC0]  }
0x1b6: {  	v2 =	vld [tilespmem:s15+$0xFFFFFA90]  }
0x1b7: {  	v3 =	vld [tilespmem:s15+$0xFFFFFFC0]  }
0x1b8: {  	v4 =	vld [tilespmem:s15+$0xFFFFFAB0]  }
0x1b9: {  	v5 =	vld [tilespmem:s15+$0xFFFFFFA0]  }
0x1ba: {  	v6 =	vld [tilespmem:s15+$0xFFFFFAA0]  }
0x1bb: {  	v7 =	vld [tilespmem:s15+$0xFFFFFF90]  }
0x1bc: {  	v0 =	vld.idx.msk [tilespmem:v0+s6+$0x0], $0xffff  }
0x1bd: {  	v1 =	vld.idx.msk [tilespmem:v1+s6+$0x0], $0xffff  }
0x1be: {  	v2 =	vld.idx.msk [tilespmem:v2+s6+$0x0], $0xffff  }
0x1bf: {  	v3 =	vld.idx.msk [tilespmem:v3+s6+$0x0], $0xffff  }
0x1c0: {  	v4 =	vld.idx.msk [tilespmem:v4+s6+$0x0], $0xffff  }
0x1c1: {  	v5 =	vld.idx.msk [tilespmem:v5+s6+$0x0], $0xffff  }
0x1c2: {  	v6 =	vld.idx.msk [tilespmem:v6+s6+$0x0], $0xffff  }
0x1c3: {  	v7 =	vld.idx.msk [tilespmem:v7+s6+$0x0], $0xffff;
	_ =	sdelay $0x1  }
0x1c4: {  	v1 =	vsub.f32 v3, v1  }
0x1c5: {  	v0 =	vsub.f32 v0, v4  }
0x1c6: {  	v3 =	vmul.f32 $1.591549370e-01, v1  }
0x1c7: {  	v4 =	vsub.f32 v5, v6;
	v5 =	vmul.f32 $1.591549370e-01, v0  }
0x1c8: {  	v2 =	vsub.f32 v7, v2;
	v3 =	vadd.f32 $1.258291200e+07, v3  }
0x1c9: {  	v6 =	vmul.f32 $1.591549370e-01, v4;
	v5 =	vadd.f32 $1.258291200e+07, v5  }
0x1ca: {  	v7 =	vmul.f32 $1.591549370e-01, v2;
	v3 =	vadd.f32 $-1.258291200e+07, v3  }
0x1cb: {  	v6 =	vadd.f32 $1.258291200e+07, v6;
	v5 =	vadd.f32 $-1.258291200e+07, v5  }
0x1cc: {  	v7 =	vadd.f32 $1.258291200e+07, v7;
	v3 =	vmul.f32 $6.283185480e+00, v3  }
0x1cd: {  	v6 =	vadd.f32 $-1.258291200e+07, v6;
	v5 =	vmul.f32 $6.283185480e+00, v5  }
0x1ce: {  	v7 =	vadd.f32 $-1.258291200e+07, v7;
	v1 =	vsub.f32 v1, v3  }
0x1cf: {  	v3 =	vmul.f32 $6.283185480e+00, v6;
	v0 =	vsub.f32 v0, v5  }
0x1d0: {  	v5 =	vmul.f32 $6.283185480e+00, v7;
	v6 =	vmul.f32 v1, v1  }
0x1d1: {  	v3 =	vsub.f32 v4, v3;
	v4 =	vmul.f32 v0, v0  }
0x1d2: {  	v2 =	vsub.f32 v2, v5;
	v5 =	vmul.f32 v6, v6;
	v7 =	vmul.f32 $1.930371070e-04, v6  }
0x1d3: {  	v8 =	vmul.f32 v3, v3;
	v9 =	vmul.f32 $1.930371070e-04, v4  }
0x1d4: {  	v6 =	vmul.f32 $1.666308940e-01, v6;
	v7 =	vsub.f32 $8.311618110e-03, v7;
	v10 =	vmul.f32 $2.166583500e-06, v5  }
0x1d5: {  	v12 =	vmul.f32 $1.666308940e-01, v4;
	v11 =	vmul.f32 v2, v2;
	v9 =	vsub.f32 $8.311618110e-03, v9  }
0x1d6: {  	v4 =	vmul.f32 v4, v4;
	v13 =	vmul.f32 $1.930371070e-04, v8;
	v7 =	vadd.f32 v10, v7  }
0x1d7: {  	v14 =	vmul.f32 $1.666308940e-01, v8;
	v10 =	vmul.f32 $1.666308940e-01, v11  }
0x1d8: {  	v8 =	vmul.f32 v8, v8;
	v15 =	vmul.f32 $1.930371070e-04, v11  }
0x1d9: {  	v6 =	vsub.f32 $9.999836080e-01, v6;
	v16 =	vmul.f32 $2.166583500e-06, v4;
	v5 =	vmul.f32 v7, v5  }
0x1da: {  	v11 =	vmul.f32 v11, v11;
	v13 =	vsub.f32 $8.311618110e-03, v13;
	v17 =	vmul.f32 $2.166583500e-06, v8;
	v7 =	vld [tilespmem:s11+$0xFFFFFFF0]  }
0x1db: {  	v9 =	vadd.f32 v16, v9;
	v5 =	vadd.f32 v5, v6  }
0x1dc: {  	v13 =	vadd.f32 v17, v13;
	v6 =	vsub.f32 $8.311618110e-03, v15;
	v15 =	vmul.f32 $2.166583500e-06, v11  }
0x1dd: {  	v12 =	vsub.f32 $9.999836080e-01, v12;
	v4 =	vmul.f32 v9, v4;
	v1 =	vmul.f32 v5, v1  }
0x1de: {  	v9 =	vsub.f32 $9.999836080e-01, v14;
	v8 =	vmul.f32 v13, v8;
	v6 =	vadd.f32 v15, v6;
	v5 =	vld [tilespmem:s11+$0xFFFFFFE0]  }
0x1df: {  	v4 =	vadd.f32 v4, v12;
	v13 =	vld [tilespmem:s11+$0xFFFFFFD0];
	v1 =	vmul.f32 v1, v7  }
0x1e0: {  	v10 =	vsub.f32 $9.999836080e-01, v10;
	v8 =	vadd.f32 v8, v9;
	v6 =	vmul.f32 v6, v11;
	v7 =	vld [tilespmem:s11+$0xFFFFFFC0]  }
0x1e1: {  	v0 =	vmul.f32 v4, v0;
	[tilespmem:s22+$0xFFFFFAC0] =	vst v1;
	v1 =	vsub.f32 $0.0e+00, v1  }
0x1e2: {  	v3 =	vmul.f32 v8, v3;
	v4 =	vadd.f32 v6, v10  }
0x1e3: {  	v0 =	vmul.f32 v0, v5;
	[tilespmem:s22+$0xFFFFFFC0] =	vst v1  }
0x1e4: {  	v1 =	vmul.f32 v4, v2;
	v2 =	vmul.f32 v3, v13  }
0x1e5: {  	[tilespmem:s22+$0xFFFFFAB0] =	vst v0;
	v0 =	vsub.f32 $0.0e+00, v0  }
0x1e6: {  	v1 =	vmul.f32 v1, v7;
	[tilespmem:s22+$0xFFFFFAA0] =	vst v2;
	v2 =	vsub.f32 $0.0e+00, v2  }
0x1e7: {  	[tilespmem:s22+$0xFFFFFFB0] =	vst v0  }
0x1e8: {  	v0 =	vsub.f32 $0.0e+00, v1;
	[tilespmem:s22+$0xFFFFFFA0] =	vst v2  }
0x1e9: {  	[tilespmem:s22+$0xFFFFFA90] =	vst v1  }
0x1ea: {  	[tilespmem:s22+$0xFFFFFF90] =	vst v0  }
0x1eb: {  	v0 =	vld [tilespmem:s15+$0xFFFFFAD0]  }
0x1ec: {  	v1 =	vld [tilespmem:s15+$0x0]  }
0x1ed: {  	v2 =	vld [tilespmem:s15+$0xFFFFFB00]  }
0x1ee: {  	v3 =	vld [tilespmem:s15+$0xFFFFFAF0]  }
0x1ef: {  	v4 =	vld [tilespmem:s15+$0xFFFFFAE0]  }
0x1f0: {  	v5 =	vld [tilespmem:s15+$0xFFFFFFF0]  }
0x1f1: {  	v6 =	vld [tilespmem:s15+$0xFFFFFFD0]  }
0x1f2: {  	v7 =	vld [tilespmem:s15+$0xFFFFFFE0]  }
0x1f3: {  	v0 =	vld.idx.msk [tilespmem:v0+s6+$0x0], $0xffff  }
0x1f4: {  	v1 =	vld.idx.msk [tilespmem:v1+s6+$0x0], $0xffff  }
0x1f5: {  	v2 =	vld.idx.msk [tilespmem:v2+s6+$0x0], $0xffff  }
0x1f6: {  	v3 =	vld.idx.msk [tilespmem:v3+s6+$0x0], $0xffff  }
0x1f7: {  	v4 =	vld.idx.msk [tilespmem:v4+s6+$0x0], $0xffff  }
0x1f8: {  	v5 =	vld.idx.msk [tilespmem:v5+s6+$0x0], $0xffff  }
0x1f9: {  	v6 =	vld.idx.msk [tilespmem:v6+s6+$0x0], $0xffff  }
0x1fa: {  	v7 =	vld.idx.msk [tilespmem:v7+s6+$0x0], $0xffff  }
0x1fb: {  	v1 =	vsub.f32 v1, v2;
	_ =	sdelay $0x1  }
0x1fc: {  	v2 =	vmul.f32 $1.591549370e-01, v1  }
0x1fd: {  	v3 =	vsub.f32 v5, v3  }
0x1fe: {  	v0 =	vsub.f32 v6, v0;
	v2 =	vadd.f32 $1.258291200e+07, v2  }
0x1ff: {  	v4 =	vsub.f32 v7, v4;
	v5 =	vmul.f32 $1.591549370e-01, v3  }
0x200: {  	v6 =	vmul.f32 $1.591549370e-01, v0;
	v2 =	vadd.f32 $-1.258291200e+07, v2  }
0x201: {  	v7 =	vmul.f32 $1.591549370e-01, v4;
	v5 =	vadd.f32 $1.258291200e+07, v5  }
0x202: {  	v6 =	vadd.f32 $1.258291200e+07, v6;
	v2 =	vmul.f32 $6.283185480e+00, v2  }
0x203: {  	v7 =	vadd.f32 $1.258291200e+07, v7;
	v5 =	vadd.f32 $-1.258291200e+07, v5  }
0x204: {  	v6 =	vadd.f32 $-1.258291200e+07, v6;
	v1 =	vsub.f32 v1, v2  }
0x205: {  	v2 =	vadd.f32 $-1.258291200e+07, v7;
	v5 =	vmul.f32 $6.283185480e+00, v5  }
0x206: {  	v6 =	vmul.f32 $6.283185480e+00, v6;
	v7 =	vmul.f32 v1, v1  }
0x207: {  	v8 =	vmul.f32 $6.283185480e+00, v2;
	v2 =	vsub.f32 v3, v5  }
0x208: {  	v0 =	vsub.f32 v0, v6;
	v5 =	vmul.f32 v7, v7;
	v6 =	vmul.f32 $1.930371070e-04, v7  }
0x209: {  	v3 =	vsub.f32 v4, v8;
	v10 =	vmul.f32 v2, v2;
	v4 =	vmul.f32 $1.666308940e-01, v7  }
0x20a: {  	v14 =	vmul.f32 v0, v0;
	v8 =	vsub.f32 $8.311618110e-03, v6;
	v9 =	vmul.f32 $2.166583500e-06, v5  }
0x20b: {  	v15 =	vmul.f32 v3, v3;
	v6 =	vmul.f32 v10, v10;
	v7 =	vsub.f32 $9.999836080e-01, v4  }
0x20c: {  	v4 =	vmul.f32 v14, v14;
	v12 =	vmul.f32 $1.930371070e-04, v14;
	v11 =	vadd.f32 v9, v8  }
.Ltmp7:
0x20d: {  	v9 =	vmul.f32 v15, v15;
	v8 =	vmul.f32 $1.930371070e-04, v15;
	(pc) =	sbr.rel @p3 .LBB2_8-.Ltmp7, $4  }
0x20e: {  	v17 =	vmul.f32 $1.930371070e-04, v10;
	v12 =	vsub.f32 $8.311618110e-03, v12;
	v16 =	vmul.f32 $2.166583500e-06, v4  }
0x20f: {  	v13 =	vmul.f32 $2.166583500e-06, v6;
	v18 =	vsub.f32 $8.311618110e-03, v8;
	v19 =	vmul.f32 $2.166583500e-06, v9  }
0x210: {  	v8 =	vadd.f32 v16, v12;
	v12 =	vmul.f32 $1.666308940e-01, v10;
	v16 =	vsub.f32 $8.311618110e-03, v17  }
0x211: {  	s11 =	sadd.s32 $0x80, s11;
	v10 =	vmul.f32 $1.666308940e-01, v14;
	v14 =	vmul.f32 $1.666308940e-01, v15;
	v15 =	vadd.f32 v19, v18  }
0x212: {  	v5 =	vmul.f32 v11, v5  }
0x213: {  	v13 =	vadd.f32 v13, v16;
	v59 =	vld [tilespmem:s21+$0x30];
	v14 =	vsub.f32 $9.999836080e-01, v14;
	v9 =	vmul.f32 v15, v9  }
0x214: {  	v60 =	vld [tilespmem:s21+$0x10];
	v4 =	vmul.f32 v8, v4;
	v62 =	vsub.f32 $9.999836080e-01, v10;
	v5 =	vadd.f32 v5, v7  }
0x215: {  	v12 =	vsub.f32 $9.999836080e-01, v12;
	v63 =	vld [tilespmem:s21+$0x0];
	v6 =	vmul.f32 v13, v6;
	v9 =	vadd.f32 v9, v14  }
0x216: {  	v61 =	vld [tilespmem:s21+$0x20];
	v4 =	vadd.f32 v4, v62;
	v1 =	vmul.f32 v5, v1  }
0x217: {  	v6 =	vadd.f32 v6, v12;
	v3 =	vmul.f32 v9, v3  }
0x218: {  	v0 =	vmul.f32 v4, v0;
	v1 =	vmul.f32 v1, v59  }
0x219: {  	v2 =	vmul.f32 v6, v2;
	v3 =	vmul.f32 v3, v60  }
0x21a: {  	v0 =	vmul.f32 v0, v63;
	[tilespmem:s24+$0xFFFFFB00] =	vst v1  }
0x21b: {  	v2 =	vmul.f32 v2, v61;
	[tilespmem:s24+$0xFFFFFAE0] =	vst v3  }
0x21c: {  	v1 =	vsub.f32 $0.0e+00, v1;
	[tilespmem:s24+$0xFFFFFAD0] =	vst v0  }
0x21d: {  	v3 =	vsub.f32 $0.0e+00, v3;
	[tilespmem:s24+$0xFFFFFAF0] =	vst v2  }
0x21e: {  	v0 =	vsub.f32 $0.0e+00, v0;
	[tilespmem:s24+$0x0] =	vst v1  }
0x21f: {  	v2 =	vsub.f32 $0.0e+00, v2;
	[tilespmem:s24+$0xFFFFFFE0] =	vst v3  }
0x220: {  	[tilespmem:s24+$0xFFFFFFD0] =	vst v0  }
0x221: {  	[tilespmem:s24+$0xFFFFFFF0] =	vst v2  }
0x222: {  	[spmem:s5] =	stream.indirect.scatter.add.f32 [tilespmem:s4], [sflag:$0x5], $0x1, s30, s28, $0xb8;
	[tilespmem:$0x1EA80] =	vst v63  }
.LBB2_10:
0x223: {  	s11 =	sadd.s32 s19, s14  }
0x224: {  	s15 =	simm.s32 @!p0 $0x4;
	p3 =	sgt.u32 s11, $0x1387  }
0x225: {  	_ =	swait.ge @!p0 [sflag:s15], $0xA00;
	s21 =	smul.u32 @!p3 $0x140, s11  }
0x226: {  	[sflag:s15] =	ssyncset.done @!p0 $0x0;
	s22 =	simm.s32 @!p3 $0x80;
	s24 =	simm.s32 @!p3 $0x100  }
0x227: {  	s25 =	simm.s32 @!p3 $0x18700;
	[sflag:s15] =	ssyncadd.s32 @!p0 $0xFFFFF600;
	s15 =	sadd.s32 @!p3 s1, s21  }
0x228: {  	[tilespmem:s25], [sflag:$0x1] =	stream.strided.gather @!p3 [hbm4b:s15+s22], $0x500, s24, s22, $0x38;
	[tilespmem:$0x1EA80] =	vst v63  }
.Ltmp8:
0x229: {  	_ = 	snop;
	(pc) =	sbr.rel @p2 .LBB2_14-.Ltmp8, $4  }
0x22a: {  	s11 =	smul.u32 @!p3 $0xA0, s11;
	s15 =	sadd.s32 @!p3 s21, s9;
	s21 =	simm.s32 @!p3 $0x18C00  }
0x22b: {  	[tilespmem:s21], [sflag:$0x1] =	stream.strided.gather @!p3 [hbm4b:s15+s22], $0x500, s24, s22, $0x38;
	[tilespmem:$0x1EA80] =	vst v63  }
0x22c: {  	s11 =	sadd.s32 @!p3 s3, s11;
	s15 =	simm.s32 @!p3 $0x0;
	s21 =	simm.s32 @!p3 $0x1C300  }
0x22d: {  	[tilespmem:s21], [sflag:$0x1] =	stream.linear.gather @!p3 [hbm4b:s11+s15], $0x500, $0x38;
	[tilespmem:$0x1EA80] =	vst v63  }
0x22e: {  	_ =	swait.ge [sflag:s2], $0x500  }
0x22f: {  	[sflag:s2] =	ssyncset.done $0x0  }
0x230: {  	[sflag:s2] =	ssyncadd.s32 $0xFFFFFB00  }
0x231: {  	_ =	swait.ge [sflag:s2], $0x500  }
0x232: {  	[sflag:s2] =	ssyncset.done $0x0  }
0x233: {  	[sflag:s2] =	ssyncadd.s32 $0xFFFFFB00  }
0x234: {  	_ =	swait.ge [sflag:s2], $0x500  }
0x235: {  	[sflag:s2] =	ssyncset.done $0x0  }
0x236: {  	s15 =	simm.s32 $0x1A070;
	[sflag:s2] =	ssyncadd.s32 $0xFFFFFB00  }
0x237: {  	v0 =	vld [tilespmem:s15+$0xFFFFFFB0]  }
0x238: {  	v1 =	vld [tilespmem:s15+$0xFFFFFAC0]  }
0x239: {  	v2 =	vld [tilespmem:s15+$0xFFFFFFC0]  }
0x23a: {  	v3 =	vld [tilespmem:s15+$0xFFFFFAB0]  }
0x23b: {  	v4 =	vld [tilespmem:s15+$0xFFFFFFA0]  }
0x23c: {  	v5 =	vld [tilespmem:s15+$0xFFFFFAA0]  }
0x23d: {  	v6 =	vld [tilespmem:s15+$0xFFFFFA90]  }
0x23e: {  	v7 =	vld [tilespmem:s15+$0xFFFFFF90]  }
0x23f: {  	v0 =	vld.idx.msk [tilespmem:v0+s6+$0x0], $0xffff  }
0x240: {  	v1 =	vld.idx.msk [tilespmem:v1+s6+$0x0], $0xffff  }
0x241: {  	v2 =	vld.idx.msk [tilespmem:v2+s6+$0x0], $0xffff  }
0x242: {  	v3 =	vld.idx.msk [tilespmem:v3+s6+$0x0], $0xffff  }
0x243: {  	v4 =	vld.idx.msk [tilespmem:v4+s6+$0x0], $0xffff  }
0x244: {  	v5 =	vld.idx.msk [tilespmem:v5+s6+$0x0], $0xffff  }
0x245: {  	v6 =	vld.idx.msk [tilespmem:v6+s6+$0x0], $0xffff  }
0x246: {  	v7 =	vld.idx.msk [tilespmem:v7+s6+$0x0], $0xffff  }
0x247: {  	v1 =	vsub.f32 v2, v1  }
0x248: {  	v0 =	vsub.f32 v0, v3  }
0x249: {  	v3 =	vsub.f32 v4, v5;
	v2 =	vmul.f32 $1.591549370e-01, v1  }
0x24a: {  	v4 =	vmul.f32 $1.591549370e-01, v0  }
0x24b: {  	v5 =	vsub.f32 v7, v6;
	v6 =	vmul.f32 $1.591549370e-01, v3;
	v2 =	vadd.f32 $1.258291200e+07, v2  }
0x24c: {  	v4 =	vadd.f32 $1.258291200e+07, v4  }
0x24d: {  	v6 =	vadd.f32 $1.258291200e+07, v6;
	v2 =	vadd.f32 $-1.258291200e+07, v2  }
0x24e: {  	v7 =	vmul.f32 $1.591549370e-01, v5;
	v4 =	vadd.f32 $-1.258291200e+07, v4  }
0x24f: {  	v6 =	vadd.f32 $-1.258291200e+07, v6;
	v2 =	vmul.f32 $6.283185480e+00, v2  }
0x250: {  	v7 =	vadd.f32 $1.258291200e+07, v7;
	v4 =	vmul.f32 $6.283185480e+00, v4  }
0x251: {  	v6 =	vmul.f32 $6.283185480e+00, v6;
	v1 =	vsub.f32 v1, v2  }
0x252: {  	v2 =	vadd.f32 $-1.258291200e+07, v7;
	v0 =	vsub.f32 v0, v4  }
0x253: {  	v3 =	vsub.f32 v3, v6;
	v4 =	vmul.f32 v1, v1  }
0x254: {  	v2 =	vmul.f32 $6.283185480e+00, v2;
	v6 =	vmul.f32 v0, v0  }
0x255: {  	v8 =	vmul.f32 v3, v3;
	v7 =	vmul.f32 v4, v4  }
0x256: {  	v2 =	vsub.f32 v5, v2;
	v5 =	vmul.f32 $1.930371070e-04, v4;
	v9 =	vmul.f32 $1.930371070e-04, v6  }
0x257: {  	v4 =	vmul.f32 $1.666308940e-01, v4;
	v12 =	vmul.f32 $1.666308940e-01, v6  }
0x258: {  	v13 =	vmul.f32 $1.930371070e-04, v8;
	v6 =	vmul.f32 v6, v6  }
0x259: {  	v15 =	vmul.f32 v8, v8;
	v5 =	vsub.f32 $8.311618110e-03, v5;
	v10 =	vmul.f32 $2.166583500e-06, v7  }
0x25a: {  	v11 =	vmul.f32 v2, v2;
	v9 =	vsub.f32 $8.311618110e-03, v9;
	v16 =	vmul.f32 $2.166583500e-06, v6  }
0x25b: {  	v4 =	vsub.f32 $9.999836080e-01, v4;
	v17 =	vmul.f32 $2.166583500e-06, v15;
	v5 =	vadd.f32 v10, v5  }
0x25c: {  	v13 =	vsub.f32 $8.311618110e-03, v13;
	v10 =	vmul.f32 $1.666308940e-01, v11;
	v14 =	vmul.f32 $1.930371070e-04, v11  }
0x25d: {  	s21 =	simm.s32 $0x1CD40;
	v12 =	vsub.f32 $9.999836080e-01, v12;
	v11 =	vmul.f32 v11, v11;
	v5 =	vmul.f32 v5, v7  }
0x25e: {  	v8 =	vmul.f32 $1.666308940e-01, v8;
	v9 =	vadd.f32 v16, v9;
	v13 =	vadd.f32 v17, v13;
	v7 =	vld [tilespmem:s21+$0xFFFFFFF0]  }
0x25f: {  	v4 =	vadd.f32 v5, v4;
	v5 =	vsub.f32 $8.311618110e-03, v14;
	v14 =	vmul.f32 $2.166583500e-06, v11  }
0x260: {  	v8 =	vsub.f32 $9.999836080e-01, v8;
	v6 =	vmul.f32 v9, v6;
	v9 =	vmul.f32 v13, v15  }
0x261: {  	v1 =	vmul.f32 v4, v1;
	v4 =	vld [tilespmem:s21+$0xFFFFFFE0];
	v5 =	vadd.f32 v14, v5  }
0x262: {  	v13 =	vld [tilespmem:s21+$0xFFFFFFD0];
	v6 =	vadd.f32 v6, v12;
	v8 =	vadd.f32 v9, v8  }
0x263: {  	v1 =	vmul.f32 v1, v7;
	v7 =	vsub.f32 $9.999836080e-01, v10;
	v5 =	vmul.f32 v5, v11  }
0x264: {  	v9 =	vld [tilespmem:s21+$0xFFFFFFC0];
	v0 =	vmul.f32 v6, v0  }
0x265: {  	s22 =	simm.s32 $0x1BE70;
	v3 =	vmul.f32 v8, v3;
	v6 =	vsub.f32 $0.0e+00, v1;
	v5 =	vadd.f32 v5, v7  }
0x266: {  	[tilespmem:s22+$0xFFFFFAC0] =	vst v1;
	v0 =	vmul.f32 v0, v4  }
0x267: {  	[tilespmem:s22+$0xFFFFFFC0] =	vst v6;
	v1 =	vmul.f32 v5, v2;
	v2 =	vmul.f32 v3, v13  }
0x268: {  	[tilespmem:s22+$0xFFFFFAB0] =	vst v0;
	v0 =	vsub.f32 $0.0e+00, v0  }
0x269: {  	v1 =	vmul.f32 v1, v9;
	[tilespmem:s22+$0xFFFFFAA0] =	vst v2;
	v2 =	vsub.f32 $0.0e+00, v2  }
0x26a: {  	[tilespmem:s22+$0xFFFFFFB0] =	vst v0  }
0x26b: {  	v0 =	vsub.f32 $0.0e+00, v1;
	[tilespmem:s22+$0xFFFFFFA0] =	vst v2  }
0x26c: {  	[tilespmem:s22+$0xFFFFFA90] =	vst v1  }
0x26d: {  	[tilespmem:s22+$0xFFFFFF90] =	vst v0  }
0x26e: {  	v0 =	vld [tilespmem:s15+$0xFFFFFAD0]  }
0x26f: {  	v1 =	vld [tilespmem:s15+$0x0]  }
0x270: {  	v2 =	vld [tilespmem:s15+$0xFFFFFB00]  }
0x271: {  	v3 =	vld [tilespmem:s15+$0xFFFFFAF0]  }
0x272: {  	v6 =	vld [tilespmem:s15+$0xFFFFFFD0]  }
0x273: {  	v5 =	vld [tilespmem:s15+$0xFFFFFFF0]  }
0x274: {  	v4 =	vld [tilespmem:s15+$0xFFFFFAE0]  }
0x275: {  	v7 =	vld [tilespmem:s15+$0xFFFFFFE0]  }
0x276: {  	v0 =	vld.idx.msk [tilespmem:v0+s6+$0x0], $0xffff  }
0x277: {  	v1 =	vld.idx.msk [tilespmem:v1+s6+$0x0], $0xffff  }
0x278: {  	v2 =	vld.idx.msk [tilespmem:v2+s6+$0x0], $0xffff  }
0x279: {  	v3 =	vld.idx.msk [tilespmem:v3+s6+$0x0], $0xffff  }
0x27a: {  	v6 =	vld.idx.msk [tilespmem:v6+s6+$0x0], $0xffff  }
0x27b: {  	v5 =	vld.idx.msk [tilespmem:v5+s6+$0x0], $0xffff  }
0x27c: {  	v4 =	vld.idx.msk [tilespmem:v4+s6+$0x0], $0xffff  }
0x27d: {  	v7 =	vld.idx.msk [tilespmem:v7+s6+$0x0], $0xffff;
	v1 =	vsub.f32 v1, v2;
	_ =	sdelay $0x1  }
0x27e: {  	v0 =	vsub.f32 v6, v0;
	v2 =	vmul.f32 $1.591549370e-01, v1  }
0x27f: {  	v3 =	vsub.f32 v5, v3  }
0x280: {  	v6 =	vmul.f32 $1.591549370e-01, v0;
	v2 =	vadd.f32 $1.258291200e+07, v2  }
0x281: {  	v4 =	vsub.f32 v7, v4;
	v5 =	vmul.f32 $1.591549370e-01, v3  }
0x282: {  	v6 =	vadd.f32 $1.258291200e+07, v6;
	v2 =	vadd.f32 $-1.258291200e+07, v2  }
0x283: {  	v7 =	vmul.f32 $1.591549370e-01, v4;
	v5 =	vadd.f32 $1.258291200e+07, v5  }
0x284: {  	v6 =	vadd.f32 $-1.258291200e+07, v6;
	v2 =	vmul.f32 $6.283185480e+00, v2  }
0x285: {  	v7 =	vadd.f32 $1.258291200e+07, v7;
	v5 =	vadd.f32 $-1.258291200e+07, v5  }
0x286: {  	v6 =	vmul.f32 $6.283185480e+00, v6;
	v1 =	vsub.f32 v1, v2  }
0x287: {  	v5 =	vmul.f32 $6.283185480e+00, v5;
	v2 =	vadd.f32 $-1.258291200e+07, v7  }
0x288: {  	v0 =	vsub.f32 v0, v6;
	v7 =	vmul.f32 v1, v1  }
0x289: {  	v8 =	vmul.f32 $6.283185480e+00, v2;
	v2 =	vsub.f32 v3, v5  }
0x28a: {  	v14 =	vmul.f32 v0, v0;
	v5 =	vmul.f32 v7, v7  }
0x28b: {  	v6 =	vmul.f32 $1.930371070e-04, v7;
	v3 =	vsub.f32 v4, v8;
	v10 =	vmul.f32 v2, v2  }
0x28c: {  	v4 =	vmul.f32 $1.666308940e-01, v7;
	v12 =	vmul.f32 $1.930371070e-04, v14  }
0x28d: {  	v8 =	vmul.f32 $2.166583500e-06, v5;
	v9 =	vsub.f32 $8.311618110e-03, v6;
	v15 =	vmul.f32 v3, v3  }
0x28e: {  	v6 =	vmul.f32 v10, v10;
	v7 =	vsub.f32 $9.999836080e-01, v4;
	v4 =	vmul.f32 v14, v14  }
0x28f: {  	v11 =	vadd.f32 v8, v9;
	v9 =	vmul.f32 v15, v15;
	v8 =	vmul.f32 $1.930371070e-04, v15  }
0x290: {  	v12 =	vsub.f32 $8.311618110e-03, v12;
	v17 =	vmul.f32 $1.930371070e-04, v10;
	v16 =	vmul.f32 $2.166583500e-06, v4  }
0x291: {  	v13 =	vmul.f32 $2.166583500e-06, v6;
	v18 =	vsub.f32 $8.311618110e-03, v8;
	v19 =	vmul.f32 $2.166583500e-06, v9  }
0x292: {  	v8 =	vadd.f32 v16, v12;
	v12 =	vmul.f32 $1.666308940e-01, v10;
	v16 =	vsub.f32 $8.311618110e-03, v17  }
0x293: {  	s25 =	simm.s32 $0x0;
	s11 =	simm.s32 $0x1CDC0;
	s24 =	simm.s32 $0x1BE70;
	v10 =	vmul.f32 $1.666308940e-01, v14;
	v14 =	vmul.f32 $1.666308940e-01, v15;
	v15 =	vadd.f32 v19, v18  }
.LBB2_12:
0x294: {  	s25 =	sadd.s32 $0x2, s25;
	v13 =	vadd.f32 v13, v16;
	v5 =	vmul.f32 v11, v5;
	s15 =	sadd.s32 $0x80, s15;
	s22 =	sadd.s32 $0x80, s22  }
0x295: {  	p0 =	slt.u32 s25, $0x12;
	v11 =	vld [tilespmem:s21+$0x30];
	v14 =	vsub.f32 $9.999836080e-01, v14;
	v9 =	vmul.f32 v15, v9  }
0x296: {  	v12 =	vsub.f32 $9.999836080e-01, v12;
	v15 =	vld [tilespmem:s21+$0x10];
	v6 =	vmul.f32 v13, v6;
	v5 =	vadd.f32 v5, v7  }
0x297: {  	v7 =	vld [tilespmem:s21+$0x20];
	v9 =	vadd.f32 v9, v14  }
0x298: {  	v6 =	vadd.f32 v6, v12;
	v1 =	vmul.f32 v5, v1  }
0x299: {  	v4 =	vmul.f32 v8, v4;
	v5 =	vsub.f32 $9.999836080e-01, v10;
	v3 =	vmul.f32 v9, v3  }
0x29a: {  	v8 =	vld [tilespmem:s21+$0x0];
	v2 =	vmul.f32 v6, v2;
	v1 =	vmul.f32 v1, v11;
	s21 =	smov.u32 s11  }
0x29b: {  	v4 =	vadd.f32 v4, v5;
	v3 =	vmul.f32 v3, v15  }
0x29c: {  	v2 =	vmul.f32 v2, v7;
	[tilespmem:s24+$0xFFFFFB00] =	vst v1;
	v1 =	vsub.f32 $0.0e+00, v1  }
0x29d: {  	v0 =	vmul.f32 v4, v0;
	[tilespmem:s24+$0xFFFFFAE0] =	vst v3;
	v3 =	vsub.f32 $0.0e+00, v3  }
0x29e: {  	[tilespmem:s24+$0xFFFFFAF0] =	vst v2;
	v2 =	vsub.f32 $0.0e+00, v2  }
0x29f: {  	v0 =	vmul.f32 v0, v8;
	[tilespmem:s24+$0xFFFFFFE0] =	vst v3  }
0x2a0: {  	[tilespmem:s24+$0xFFFFFFF0] =	vst v2  }
0x2a1: {  	[tilespmem:s24+$0xFFFFFAD0] =	vst v0;
	v0 =	vsub.f32 $0.0e+00, v0  }
0x2a2: {  	[tilespmem:s24+$0x0] =	vst v1  }
0x2a3: {  	[tilespmem:s24+$0xFFFFFFD0] =	vst v0;
	s24 =	smov.u32 s22  }
0x2a4: {  	v0 =	vld [tilespmem:s15+$0xFFFFFFB0]  }
0x2a5: {  	v1 =	vld [tilespmem:s15+$0xFFFFFAC0]  }
0x2a6: {  	v2 =	vld [tilespmem:s15+$0xFFFFFA90]  }
0x2a7: {  	v3 =	vld [tilespmem:s15+$0xFFFFFFC0]  }
0x2a8: {  	v4 =	vld [tilespmem:s15+$0xFFFFFAB0]  }
0x2a9: {  	v5 =	vld [tilespmem:s15+$0xFFFFFFA0]  }
0x2aa: {  	v6 =	vld [tilespmem:s15+$0xFFFFFAA0]  }
0x2ab: {  	v7 =	vld [tilespmem:s15+$0xFFFFFF90]  }
0x2ac: {  	v0 =	vld.idx.msk [tilespmem:v0+s6+$0x0], $0xffff  }
0x2ad: {  	v1 =	vld.idx.msk [tilespmem:v1+s6+$0x0], $0xffff  }
0x2ae: {  	v2 =	vld.idx.msk [tilespmem:v2+s6+$0x0], $0xffff  }
0x2af: {  	v3 =	vld.idx.msk [tilespmem:v3+s6+$0x0], $0xffff  }
0x2b0: {  	v4 =	vld.idx.msk [tilespmem:v4+s6+$0x0], $0xffff  }
0x2b1: {  	v5 =	vld.idx.msk [tilespmem:v5+s6+$0x0], $0xffff  }
0x2b2: {  	v6 =	vld.idx.msk [tilespmem:v6+s6+$0x0], $0xffff  }
0x2b3: {  	v7 =	vld.idx.msk [tilespmem:v7+s6+$0x0], $0xffff;
	_ =	sdelay $0x1  }
0x2b4: {  	v1 =	vsub.f32 v3, v1  }
0x2b5: {  	v0 =	vsub.f32 v0, v4  }
0x2b6: {  	v3 =	vmul.f32 $1.591549370e-01, v1  }
0x2b7: {  	v4 =	vsub.f32 v5, v6;
	v5 =	vmul.f32 $1.591549370e-01, v0  }
0x2b8: {  	v2 =	vsub.f32 v7, v2;
	v3 =	vadd.f32 $1.258291200e+07, v3  }
0x2b9: {  	v6 =	vmul.f32 $1.591549370e-01, v4;
	v5 =	vadd.f32 $1.258291200e+07, v5  }
0x2ba: {  	v7 =	vmul.f32 $1.591549370e-01, v2;
	v3 =	vadd.f32 $-1.258291200e+07, v3  }
0x2bb: {  	v6 =	vadd.f32 $1.258291200e+07, v6;
	v5 =	vadd.f32 $-1.258291200e+07, v5  }
0x2bc: {  	v7 =	vadd.f32 $1.258291200e+07, v7;
	v3 =	vmul.f32 $6.283185480e+00, v3  }
0x2bd: {  	v6 =	vadd.f32 $-1.258291200e+07, v6;
	v5 =	vmul.f32 $6.283185480e+00, v5  }
0x2be: {  	v7 =	vadd.f32 $-1.258291200e+07, v7;
	v1 =	vsub.f32 v1, v3  }
0x2bf: {  	v3 =	vmul.f32 $6.283185480e+00, v6;
	v0 =	vsub.f32 v0, v5  }
0x2c0: {  	v5 =	vmul.f32 $6.283185480e+00, v7;
	v6 =	vmul.f32 v1, v1  }
0x2c1: {  	v3 =	vsub.f32 v4, v3;
	v4 =	vmul.f32 v0, v0  }
0x2c2: {  	v2 =	vsub.f32 v2, v5;
	v5 =	vmul.f32 v6, v6;
	v7 =	vmul.f32 $1.930371070e-04, v6  }
0x2c3: {  	v8 =	vmul.f32 v3, v3;
	v9 =	vmul.f32 $1.930371070e-04, v4  }
0x2c4: {  	v6 =	vmul.f32 $1.666308940e-01, v6;
	v7 =	vsub.f32 $8.311618110e-03, v7;
	v10 =	vmul.f32 $2.166583500e-06, v5  }
0x2c5: {  	v12 =	vmul.f32 $1.666308940e-01, v4;
	v11 =	vmul.f32 v2, v2;
	v9 =	vsub.f32 $8.311618110e-03, v9  }
0x2c6: {  	v4 =	vmul.f32 v4, v4;
	v13 =	vmul.f32 $1.930371070e-04, v8;
	v7 =	vadd.f32 v10, v7  }
0x2c7: {  	v14 =	vmul.f32 $1.666308940e-01, v8;
	v10 =	vmul.f32 $1.666308940e-01, v11  }
0x2c8: {  	v8 =	vmul.f32 v8, v8;
	v15 =	vmul.f32 $1.930371070e-04, v11  }
0x2c9: {  	v6 =	vsub.f32 $9.999836080e-01, v6;
	v16 =	vmul.f32 $2.166583500e-06, v4;
	v5 =	vmul.f32 v7, v5  }
0x2ca: {  	v11 =	vmul.f32 v11, v11;
	v13 =	vsub.f32 $8.311618110e-03, v13;
	v17 =	vmul.f32 $2.166583500e-06, v8;
	v7 =	vld [tilespmem:s11+$0xFFFFFFF0]  }
0x2cb: {  	v9 =	vadd.f32 v16, v9;
	v5 =	vadd.f32 v5, v6  }
0x2cc: {  	v13 =	vadd.f32 v17, v13;
	v6 =	vsub.f32 $8.311618110e-03, v15;
	v15 =	vmul.f32 $2.166583500e-06, v11  }
0x2cd: {  	v12 =	vsub.f32 $9.999836080e-01, v12;
	v4 =	vmul.f32 v9, v4;
	v1 =	vmul.f32 v5, v1  }
0x2ce: {  	v9 =	vsub.f32 $9.999836080e-01, v14;
	v8 =	vmul.f32 v13, v8;
	v6 =	vadd.f32 v15, v6;
	v5 =	vld [tilespmem:s11+$0xFFFFFFE0]  }
0x2cf: {  	v4 =	vadd.f32 v4, v12;
	v13 =	vld [tilespmem:s11+$0xFFFFFFD0];
	v1 =	vmul.f32 v1, v7  }
0x2d0: {  	v10 =	vsub.f32 $9.999836080e-01, v10;
	v8 =	vadd.f32 v8, v9;
	v6 =	vmul.f32 v6, v11;
	v7 =	vld [tilespmem:s11+$0xFFFFFFC0]  }
0x2d1: {  	v0 =	vmul.f32 v4, v0;
	[tilespmem:s22+$0xFFFFFAC0] =	vst v1;
	v1 =	vsub.f32 $0.0e+00, v1  }
0x2d2: {  	v3 =	vmul.f32 v8, v3;
	v4 =	vadd.f32 v6, v10  }
0x2d3: {  	v0 =	vmul.f32 v0, v5;
	[tilespmem:s22+$0xFFFFFFC0] =	vst v1  }
0x2d4: {  	v1 =	vmul.f32 v4, v2;
	v2 =	vmul.f32 v3, v13  }
0x2d5: {  	[tilespmem:s22+$0xFFFFFAB0] =	vst v0;
	v0 =	vsub.f32 $0.0e+00, v0  }
0x2d6: {  	v1 =	vmul.f32 v1, v7;
	[tilespmem:s22+$0xFFFFFAA0] =	vst v2;
	v2 =	vsub.f32 $0.0e+00, v2  }
0x2d7: {  	[tilespmem:s22+$0xFFFFFFB0] =	vst v0  }
0x2d8: {  	v0 =	vsub.f32 $0.0e+00, v1;
	[tilespmem:s22+$0xFFFFFFA0] =	vst v2  }
0x2d9: {  	[tilespmem:s22+$0xFFFFFA90] =	vst v1  }
0x2da: {  	[tilespmem:s22+$0xFFFFFF90] =	vst v0  }
0x2db: {  	v0 =	vld [tilespmem:s15+$0xFFFFFAD0]  }
0x2dc: {  	v1 =	vld [tilespmem:s15+$0x0]  }
0x2dd: {  	v2 =	vld [tilespmem:s15+$0xFFFFFB00]  }
0x2de: {  	v3 =	vld [tilespmem:s15+$0xFFFFFAF0]  }
0x2df: {  	v4 =	vld [tilespmem:s15+$0xFFFFFAE0]  }
0x2e0: {  	v5 =	vld [tilespmem:s15+$0xFFFFFFF0]  }
0x2e1: {  	v6 =	vld [tilespmem:s15+$0xFFFFFFD0]  }
0x2e2: {  	v7 =	vld [tilespmem:s15+$0xFFFFFFE0]  }
0x2e3: {  	v0 =	vld.idx.msk [tilespmem:v0+s6+$0x0], $0xffff  }
0x2e4: {  	v1 =	vld.idx.msk [tilespmem:v1+s6+$0x0], $0xffff  }
0x2e5: {  	v2 =	vld.idx.msk [tilespmem:v2+s6+$0x0], $0xffff  }
0x2e6: {  	v3 =	vld.idx.msk [tilespmem:v3+s6+$0x0], $0xffff  }
0x2e7: {  	v4 =	vld.idx.msk [tilespmem:v4+s6+$0x0], $0xffff  }
0x2e8: {  	v5 =	vld.idx.msk [tilespmem:v5+s6+$0x0], $0xffff  }
0x2e9: {  	v6 =	vld.idx.msk [tilespmem:v6+s6+$0x0], $0xffff  }
0x2ea: {  	v7 =	vld.idx.msk [tilespmem:v7+s6+$0x0], $0xffff  }
0x2eb: {  	v1 =	vsub.f32 v1, v2;
	_ =	sdelay $0x1  }
0x2ec: {  	v2 =	vmul.f32 $1.591549370e-01, v1  }
0x2ed: {  	v3 =	vsub.f32 v5, v3  }
0x2ee: {  	v0 =	vsub.f32 v6, v0;
	v2 =	vadd.f32 $1.258291200e+07, v2  }
0x2ef: {  	v4 =	vsub.f32 v7, v4;
	v5 =	vmul.f32 $1.591549370e-01, v3  }
0x2f0: {  	v6 =	vmul.f32 $1.591549370e-01, v0;
	v2 =	vadd.f32 $-1.258291200e+07, v2  }
0x2f1: {  	v7 =	vmul.f32 $1.591549370e-01, v4;
	v5 =	vadd.f32 $1.258291200e+07, v5  }
0x2f2: {  	v6 =	vadd.f32 $1.258291200e+07, v6;
	v2 =	vmul.f32 $6.283185480e+00, v2  }
0x2f3: {  	v7 =	vadd.f32 $1.258291200e+07, v7;
	v5 =	vadd.f32 $-1.258291200e+07, v5  }
0x2f4: {  	v6 =	vadd.f32 $-1.258291200e+07, v6;
	v1 =	vsub.f32 v1, v2  }
0x2f5: {  	v2 =	vadd.f32 $-1.258291200e+07, v7;
	v5 =	vmul.f32 $6.283185480e+00, v5  }
0x2f6: {  	v6 =	vmul.f32 $6.283185480e+00, v6;
	v7 =	vmul.f32 v1, v1  }
0x2f7: {  	v8 =	vmul.f32 $6.283185480e+00, v2;
	v2 =	vsub.f32 v3, v5  }
0x2f8: {  	v0 =	vsub.f32 v0, v6;
	v5 =	vmul.f32 v7, v7;
	v6 =	vmul.f32 $1.930371070e-04, v7  }
0x2f9: {  	v3 =	vsub.f32 v4, v8;
	v10 =	vmul.f32 v2, v2;
	v4 =	vmul.f32 $1.666308940e-01, v7  }
0x2fa: {  	v14 =	vmul.f32 v0, v0;
	v8 =	vsub.f32 $8.311618110e-03, v6;
	v9 =	vmul.f32 $2.166583500e-06, v5  }
0x2fb: {  	v15 =	vmul.f32 v3, v3;
	v6 =	vmul.f32 v10, v10;
	v7 =	vsub.f32 $9.999836080e-01, v4  }
0x2fc: {  	v4 =	vmul.f32 v14, v14;
	v12 =	vmul.f32 $1.930371070e-04, v14;
	v11 =	vadd.f32 v9, v8  }
.Ltmp9:
0x2fd: {  	v9 =	vmul.f32 v15, v15;
	v8 =	vmul.f32 $1.930371070e-04, v15;
	(pc) =	sbr.rel @p0 .LBB2_12-.Ltmp9, $4  }
0x2fe: {  	v17 =	vmul.f32 $1.930371070e-04, v10;
	v12 =	vsub.f32 $8.311618110e-03, v12;
	v16 =	vmul.f32 $2.166583500e-06, v4  }
0x2ff: {  	v13 =	vmul.f32 $2.166583500e-06, v6;
	v18 =	vsub.f32 $8.311618110e-03, v8;
	v19 =	vmul.f32 $2.166583500e-06, v9  }
0x300: {  	v8 =	vadd.f32 v16, v12;
	v12 =	vmul.f32 $1.666308940e-01, v10;
	v16 =	vsub.f32 $8.311618110e-03, v17  }
0x301: {  	s11 =	sadd.s32 $0x80, s11;
	v10 =	vmul.f32 $1.666308940e-01, v14;
	v14 =	vmul.f32 $1.666308940e-01, v15;
	v15 =	vadd.f32 v19, v18  }
0x302: {  	v5 =	vmul.f32 v11, v5  }
0x303: {  	v13 =	vadd.f32 v13, v16;
	v59 =	vld [tilespmem:s21+$0x30];
	v14 =	vsub.f32 $9.999836080e-01, v14;
	v9 =	vmul.f32 v15, v9  }
0x304: {  	v60 =	vld [tilespmem:s21+$0x10];
	v4 =	vmul.f32 v8, v4;
	v62 =	vsub.f32 $9.999836080e-01, v10;
	v5 =	vadd.f32 v5, v7  }
0x305: {  	v12 =	vsub.f32 $9.999836080e-01, v12;
	v63 =	vld [tilespmem:s21+$0x0];
	v6 =	vmul.f32 v13, v6;
	v9 =	vadd.f32 v9, v14  }
0x306: {  	v61 =	vld [tilespmem:s21+$0x20];
	v4 =	vadd.f32 v4, v62;
	v1 =	vmul.f32 v5, v1  }
0x307: {  	v6 =	vadd.f32 v6, v12;
	v3 =	vmul.f32 v9, v3  }
0x308: {  	v0 =	vmul.f32 v4, v0;
	v1 =	vmul.f32 v1, v59  }
0x309: {  	v2 =	vmul.f32 v6, v2;
	v3 =	vmul.f32 v3, v60  }
0x30a: {  	v0 =	vmul.f32 v0, v63;
	[tilespmem:s24+$0xFFFFFB00] =	vst v1  }
0x30b: {  	v2 =	vmul.f32 v2, v61;
	[tilespmem:s24+$0xFFFFFAE0] =	vst v3  }
0x30c: {  	v1 =	vsub.f32 $0.0e+00, v1;
	[tilespmem:s24+$0xFFFFFAD0] =	vst v0  }
0x30d: {  	v3 =	vsub.f32 $0.0e+00, v3;
	[tilespmem:s24+$0xFFFFFAF0] =	vst v2  }
.Ltmp10:
0x30e: {  	v0 =	vsub.f32 $0.0e+00, v0;
	[tilespmem:s24+$0x0] =	vst v1;
	(pc) =	sbr.rel .LBB2_14-.Ltmp10, $4  }
0x30f: {  	v2 =	vsub.f32 $0.0e+00, v2;
	[tilespmem:s24+$0xFFFFFFE0] =	vst v3  }
0x310: {  	[tilespmem:s24+$0xFFFFFFD0] =	vst v0  }
0x311: {  	[tilespmem:s24+$0xFFFFFFF0] =	vst v2  }
0x312: {  	[spmem:s5] =	stream.indirect.scatter.add.f32 [tilespmem:s8], [sflag:$0x6], $0x1, s7, s28, $0xb8;
	[tilespmem:$0x1EA80] =	vst v63  }
.LBB2_16:
0x313: {  	_ =	sfence.sel $0x180000  }
0x314: {  	[bflag:$0x0] =	sbarrier.arrive $0xFFFF  }
0x315: {  	_ =	strace $0x90000047  }
0x316: {  	s0 =	stileid.u32;
	[bflag:$0x2] =	sbarrier.arrive $0xFFFF  }
0x317: {  	p0 =	sne.s32 s0, $0x0;
	s0 =	rddreg [dreg:$0x6]  }
0x318: {  	s0 =	sadd.s32 @!p0 $0x100000, s0  }
0x319: {  	[sflag:s0] =	ssyncadd.tile.s32 @!p0 $0x1;
	_ =	shalt  }
.Lfunc_end2:
_tile_overlayer_lowered:
.L_overlay_start_2:
0x31a: {  	(tag) =	ssettag $0x2  }
0x31b: {  	s0 =	rddreg [dreg:$0x0];
	s2 =	stileid.u32  }
0x31c: {  	s1 =	rddreg [dreg:$0x1];
	p0 =	sne.s32 s2, $0x0  }
0x31d: {  	s3 =	rddreg [dreg:$0x2];
	[bflag:$0x3] =	sbarrier.arrive $0xFFFF;
	s2 =	simm.s32 @!p0 $0x1C07  }
0x31e: {  	[timem:s3], [sflag:s2] =	dma.local @!p0 [hbm:s0], s1  }
0x31f: {  	s0 =	simm.s32 @!p0 $0x7  }
0x320: {  	_ =	swait.ge @!p0 [sflag:s0], s1  }
0x321: {  	s1 =	ssub.s32 @!p0 $0x0, s1;
	[sflag:s0] =	ssyncset.done @!p0 $0x0  }
0x322: {  	[sflag:s0] =	ssyncadd.s32 @!p0 s1  }
0x323: {  	[bflag:$0x3] =	sbarrier.arrive $0xFFFF  }
0x324: {  	_ =	shalt  }

</sc_bundles>
